<compile_context>
chip_gen: v7x
topology: tpu7x:2x2x1
jax: 0.10.2.dev20260603
libtpu: 0.0.44.dev20260713+nightly
codegen_flags: <defaults>
</compile_context>

<pallas_src>
import jax
import jax.numpy as jnp
from jax import lax
from jax.experimental import pallas as pl
from jax.experimental.pallas import tpu as pltpu
from jax.experimental.pallas import tpu_sc as plsc

N = 10000
E = 320000
D = 128
DH = D // 2
NC = 2
NS = 16
NW = NC * NS
EPT = E // NS
CH = 80
NCH = EPT // CH
NBUF = 5
GAHEAD = 4
SLAG = NBUF - GAHEAD
PR = 80 // CH
NP = 10240
RPT = NP // NS
ZR = 32
ZCR = 160
CNTW = 16

_f32 = jnp.float32


def _make_agg_body(with_cnt):
    def _agg_body(*refs):
        it = iter(refs)
        xs_hbm = next(it); src_hbm = next(it); dst_hbm = next(it)
        agg_out = next(it)
        cnt_out = next(it) if with_cnt else None
        src_all = next(it); dst_all = next(it)
        rows = tuple(next(it) for _ in range(NBUF))
        zbuf = next(it)
        if with_cnt:
            zcnt = next(it); ebuf = next(it)
        gsem = next(it); ssem = next(it)
        csem = next(it) if with_cnt else None
        psem = next(it)
        agg_sh = next(it)
        cnt_sh = next(it) if with_cnt else None
        c = lax.axis_index("c")
        s = lax.axis_index("s")

        pfs = pltpu.async_copy(src_hbm.at[pl.ds(s * (EPT // 80), EPT // 80)],
                               src_all, psem)
        pfd = pltpu.async_copy(dst_hbm.at[pl.ds(s * NCH, NCH)], dst_all, psem)

        zrow = jnp.zeros((16,), _f32)

        def zb_body(r, carry):
            for j in range(DH // 16):
                zbuf[r, pl.ds(j * 16, 16)] = zrow
            return carry
        lax.fori_loop(0, ZR, zb_body, 0)

        rbase = s * RPT
        zd = [pltpu.async_copy(zbuf, agg_sh.at[pl.ds(rbase + j * ZR, ZR)], ssem)
              for j in range(RPT // ZR)]
        if with_cnt:
            def zc_body(r, carry):
                zcnt[r, :] = zrow
                return carry
            lax.fori_loop(0, ZCR, zc_body, 0)

            ehot = jnp.where(lax.iota(jnp.int32, 16) == 0, 1.0, 0.0)

            def eb_body(r, carry):
                ebuf[r, :] = ehot.astype(_f32)
                return carry
            lax.fori_loop(0, CH, eb_body, 0)

            zd += [pltpu.async_copy(
                zcnt, cnt_sh.at[pl.ds(rbase + j * ZCR, ZCR)], ssem)
                for j in range(RPT // ZCR)]
        for d in zd:
            d.wait()

        pfs.wait()
        pfd.wait()

        def off_body(r, carry):
            for k in range(80 // 16):
                src_all[r, pl.ds(k * 16, 16)] = (
                    src_all[r, pl.ds(k * 16, 16)] * 2 + c)
            return carry
        lax.fori_loop(0, EPT // 80, off_body, 0)

        plsc.subcore_barrier()

        def gather_desc(i, b, half):
            return pltpu.make_async_copy(
                xs_hbm.at[src_all.at[i // PR, pl.ds(half * CH, CH)]],
                rows[b], gsem)

        def scatter_desc(i, b):
            return pltpu.make_async_copy(
                rows[b], agg_sh.at[dst_all.at[i]], ssem)

        for b in range(GAHEAD):
            gather_desc(b, b, b % PR).start()

        def round_body(j, carry):
            for b in range(NBUF):
                i = j * NBUF + b
                gather_desc(i, b, b % PR).wait()
                pltpu.async_copy(rows[b], agg_sh.at[dst_all.at[i]], ssem,
                                 add=True)
                if with_cnt:
                    @pl.when((i % 2) == c)
                    def _():
                        pltpu.async_copy(ebuf, cnt_sh.at[dst_all.at[i]],
                                         csem, add=True)

                        @pl.when(i >= 2)
                        def _():
                            pltpu.make_async_copy(
                                ebuf, cnt_sh.at[dst_all.at[i]], csem).wait()

                @pl.when(i >= SLAG)
                def _():
                    scatter_desc(i, b).wait()

                @pl.when(i + GAHEAD < NCH)
                def _():
                    gather_desc(i + GAHEAD, (b + GAHEAD) % NBUF,
                                (b + GAHEAD) % PR).start()
            return carry
        lax.fori_loop(0, NCH // NBUF, round_body, 0)

        for _ in range(SLAG):
            scatter_desc(0, 0).wait()
        if with_cnt:
            pltpu.make_async_copy(ebuf, cnt_sh.at[dst_all.at[0]], csem).wait()

        plsc.subcore_barrier()

        obase = c * NP + rbase
        pltpu.sync_copy(agg_sh.at[pl.ds(rbase, RPT)],
                        agg_out.at[pl.ds(obase, RPT), pl.ds(0, DH)])
        if with_cnt:
            pltpu.sync_copy(cnt_sh.at[pl.ds(rbase, RPT)],
                            cnt_out.at[pl.ds(obase, RPT), pl.ds(0, CNTW)])
    return _agg_body


def _build_sc_agg(with_cnt):
    out_type = [jax.ShapeDtypeStruct((NC * NP, D), _f32)]
    if with_cnt:
        out_type.append(jax.ShapeDtypeStruct((NC * NP, D), _f32))
    scratch = [
        pltpu.VMEM((EPT // 80, 80), jnp.int32),
        pltpu.VMEM((NCH, CH), jnp.int32),
    ]
    scratch += [pltpu.VMEM((CH, DH), _f32) for _ in range(NBUF)]
    scratch += [pltpu.VMEM((ZR, DH), _f32)]
    if with_cnt:
        scratch += [pltpu.VMEM((ZCR, CNTW), _f32),
                    pltpu.VMEM((CH, CNTW), _f32)]
    scratch += [pltpu.SemaphoreType.DMA,
                pltpu.SemaphoreType.DMA]
    if with_cnt:
        scratch += [pltpu.SemaphoreType.DMA]
    scratch += [pltpu.SemaphoreType.DMA,
                pltpu.VMEM_SHARED((NP, DH), _f32)]
    if with_cnt:
        scratch += [pltpu.VMEM_SHARED((NP, CNTW), _f32)]
    return pl.kernel(
        _make_agg_body(with_cnt),
        out_type=tuple(out_type) if with_cnt else out_type[0],
        mesh=plsc.VectorSubcoreMesh(core_axis_name="c", subcore_axis_name="s"),
        compiler_params=pltpu.CompilerParams(use_tc_tiling_on_sc=False),
        scratch_types=scratch,
    )


_sc_agg_cnt = _build_sc_agg(True)
_sc_agg = _build_sc_agg(False)


def _mean_from_parts(agg_ref, cnt_ref):
    cnt = jnp.sum(cnt_ref[0, :, :CNTW] + cnt_ref[1, :, :CNTW],
                  axis=1, keepdims=True)
    inv = 1.0 / jnp.maximum(cnt, 1.0)
    return agg_ref[0, :, :DH] * inv, agg_ref[1, :, :DH] * inv


def _sage_out(m0, m1, xd, wl_ref, bl_ref, wr_ref):
    out = lax.dot_general(m0, wl_ref[:, :DH], (((1,), (1,)), ((), ())),
                          preferred_element_type=_f32)
    out = out + lax.dot_general(m1, wl_ref[:, DH:], (((1,), (1,)), ((), ())),
                                preferred_element_type=_f32)
    out = out + lax.dot_general(xd, wr_ref[...], (((1,), (1,)), ((), ())),
                                preferred_element_type=_f32)
    out = out + bl_ref[...]
    return jnp.maximum(out, 0.0)


def _tc_body(agg_ref, cnt_ref, x_ref, wl_ref, bl_ref, wr_ref, o_ref):
    m0, m1 = _mean_from_parts(agg_ref, cnt_ref)
    o_ref[...] = _sage_out(m0, m1, x_ref[...], wl_ref, bl_ref, wr_ref)


R = 2000


def _tc_layer(agg, cnt, x, Wl, bl, Wr):
    return pl.pallas_call(
        _tc_body,
        grid=(N // R,),
        in_specs=[
            pl.BlockSpec((NC, R, D), lambda i: (0, i, 0)),
            pl.BlockSpec((NC, R, D), lambda i: (0, i, 0)),
            pl.BlockSpec((R, D), lambda i: (i, 0)),
            pl.BlockSpec((D, D), lambda i: (0, 0)),
            pl.BlockSpec((1, D), lambda i: (0, 0)),
            pl.BlockSpec((D, D), lambda i: (0, 0)),
        ],
        out_specs=pl.BlockSpec((R, D), lambda i: (i, 0)),
        out_shape=jax.ShapeDtypeStruct((N, D), _f32),
    )(agg, cnt, x, Wl, bl, Wr)


def kernel(x, edge_index, batch, Wl1, bl1, Wr1, Wl2, bl2, Wr2):
    src = edge_index[0].reshape(E // 80, 80)
    dst = edge_index[1].reshape(E // CH, CH)
    agg1, cnt1 = _sc_agg_cnt(x.reshape(NC * N, DH), src, dst)
    agg1 = agg1.reshape(NC, NP, D)
    cnt1 = cnt1.reshape(NC, NP, D)
    h = _tc_layer(agg1, cnt1, x, Wl1, bl1.reshape(1, D), Wr1)
    agg2 = _sc_agg(h.reshape(NC * N, DH), src, dst).reshape(NC, NP, D)
    out = _tc_layer(agg2, cnt1, h, Wl2, bl2.reshape(1, D), Wr2)
    return out

# --- scband reference (transcript-rebuilt; emitter-appended) ---
"""Pipeline reference for scband-directional-sage-19610820673958 (READ-ONLY COPY).

The authoritative reference and input builder live on the scoring server;
editing this copy changes nothing except your own understanding.
"""

import jax, jax.numpy as jnp
import numpy as np

N_NODES = 10000
N_EDGES = 320000
D = 128


def _glorot(key, shape):
    fan_in, fan_out = shape[1], shape[0]
    lim = jnp.sqrt(6.0 / (fan_in + fan_out))
    return jax.random.uniform(key, shape, minval=-lim, maxval=lim, dtype=jnp.float32)


def setup_inputs(seed: int = 0) -> dict:
    key = jax.random.key(seed)
    ks = jax.random.split(key, 10)
    x = jax.random.normal(ks[0], (N_NODES, D), dtype=jnp.float32)
    edge_index = jax.random.randint(ks[1], (2, N_EDGES), 0, N_NODES, dtype=jnp.int64 if jax.config.jax_enable_x64 else jnp.int32).astype(jnp.int32)
    batch = jnp.zeros((N_NODES,), dtype=jnp.int32)
    # SAGEConv params per layer: lin_l (neighbor, with bias), lin_r (root, no bias)
    Wl1 = _glorot(ks[2], (D, D)); bl1 = jnp.zeros((D,), dtype=jnp.float32); Wr1 = _glorot(ks[3], (D, D))
    Wl2 = _glorot(ks[4], (D, D)); bl2 = jnp.zeros((D,), dtype=jnp.float32); Wr2 = _glorot(ks[5], (D, D))
    return {"x": x, "edge_index": edge_index, "batch": batch,
            "Wl1": Wl1, "bl1": bl1, "Wr1": Wr1,
            "Wl2": Wl2, "bl2": bl2, "Wr2": Wr2}


def _sage_conv(x, edge_index, Wl, bl, Wr):
    src = edge_index[0]
    dst = edge_index[1]
    n = x.shape[0]
    msg = jnp.take(x, src, axis=0)                       # gather source node features
    agg = jax.ops.segment_sum(msg, dst, num_segments=n)  # scatter-add by dst
    cnt = jax.ops.segment_sum(jnp.ones((msg.shape[0], 1), dtype=x.dtype), dst, num_segments=n)
    cnt = jnp.clip(cnt, 1.0, None)
    mean = agg / cnt                                      # mean aggregation
    out = mean @ Wl.T + bl + x @ Wr.T                     # lin_l(agg) + lin_r(x)
    return jax.nn.relu(out)                               # DirectionalSAGEConv applies ReLU


def reference(x, edge_index, batch, Wl1, bl1, Wr1, Wl2, bl2, Wr2):
    h = _sage_conv(x, edge_index, Wl1, bl1, Wr1)
    h = _sage_conv(h, edge_index, Wl2, bl2, Wr2)
    return h

if __name__ == "__main__":
    import jax
    _d = setup_inputs()
    print(jax.jit(kernel)(*tuple(_d.values())))

</pallas_src>

<mosaic_0001>
#map = affine_map<(d0, d1) -> (0, 0)>
module attributes {stable_mosaic.version = 14 : i64} {
  func.func @_agg_body(%arg0: i32, %arg1: i32, %arg2: memref<20000x64xf32, #tpu.memory_space<hbm>>, %arg3: memref<4000x80xi32, #tpu.memory_space<hbm>>, %arg4: memref<4000x80xi32, #tpu.memory_space<hbm>>, %arg5: memref<20480x128xf32, #tpu.memory_space<hbm>>, %arg6: memref<250x80xi32, #tpu.memory_space<vmem>>, %arg7: memref<250x80xi32, #tpu.memory_space<vmem>>, %arg8: memref<80x64xf32, #tpu.memory_space<vmem>>, %arg9: memref<80x64xf32, #tpu.memory_space<vmem>>, %arg10: memref<80x64xf32, #tpu.memory_space<vmem>>, %arg11: memref<80x64xf32, #tpu.memory_space<vmem>>, %arg12: memref<80x64xf32, #tpu.memory_space<vmem>>, %arg13: memref<32x64xf32, #tpu.memory_space<vmem>>, %arg14: memref<!tpu.dma_semaphore, #tpu.memory_space<semaphore_mem>>, %arg15: memref<!tpu.dma_semaphore, #tpu.memory_space<semaphore_mem>>, %arg16: memref<!tpu.dma_semaphore, #tpu.memory_space<semaphore_mem>>, %arg17: memref<10240x64xf32, #tpu.memory_space<vmem_shared>>) attributes {dimension_semantics = [#tpu.dimension_semantics<core_parallel>, #tpu.dimension_semantics<subcore_parallel>], iteration_bounds = array<i64: 2, 16>, scalar_prefetch = 0 : i64, scratch_operands = 12 : i64, tpu.core_type = #tpu.core_type<sc_vector_subcore>, window_params = [{transform_indices = #map}, {transform_indices = #map}, {transform_indices = #map}, {transform_indices = #map}]} {
    %mul3A = arith.constant 250 : i32
    %mul3A_0 = arith.muli %arg1, %mul3A : i32
    %dma_start3A = arith.constant 0 : i32
    %dma_start3A_1 = tpu.memref_slice %arg3[%mul3A_0, %dma_start3A] : memref<4000x80xi32, #tpu.memory_space<hbm>> -> memref<250x80xi32, #tpu.memory_space<hbm>>
    %dma_start3A_2 = arith.constant 0 : i32
    %dma_start3A_3 = tpu.memref_slice %arg3[%mul3A_0, %dma_start3A_2] : memref<4000x80xi32, #tpu.memory_space<hbm>> -> memref<250x80xi32, #tpu.memory_space<hbm>>
    tpu.enqueue_dma source(%dma_start3A_3 : memref<250x80xi32, #tpu.memory_space<hbm>>) target(%arg6 : memref<250x80xi32, #tpu.memory_space<vmem>>) target_semaphore(%arg16 : memref<!tpu.dma_semaphore, #tpu.memory_space<semaphore_mem>>)
    %mul3A_4 = arith.constant 250 : i32
    %mul3A_5 = arith.muli %arg1, %mul3A_4 : i32
    %dma_start3A_6 = arith.constant 0 : i32
    %dma_start3A_7 = tpu.memref_slice %arg4[%mul3A_5, %dma_start3A_6] : memref<4000x80xi32, #tpu.memory_space<hbm>> -> memref<250x80xi32, #tpu.memory_space<hbm>>
    %dma_start3A_8 = arith.constant 0 : i32
    %dma_start3A_9 = tpu.memref_slice %arg4[%mul3A_5, %dma_start3A_8] : memref<4000x80xi32, #tpu.memory_space<hbm>> -> memref<250x80xi32, #tpu.memory_space<hbm>>
    tpu.enqueue_dma source(%dma_start3A_9 : memref<250x80xi32, #tpu.memory_space<hbm>>) target(%arg7 : memref<250x80xi32, #tpu.memory_space<vmem>>) target_semaphore(%arg16 : memref<!tpu.dma_semaphore, #tpu.memory_space<semaphore_mem>>)
    %broadcast_in_dim3A = arith.constant 0.000000e+00 : f32
    %broadcast_in_dim3A_10 = vector.broadcast %broadcast_in_dim3A : f32 to vector<16xf32>
    %scan3A = arith.constant 0 : i32
    %scan3A_11 = arith.constant 0 : i32
    %scan3A_12 = arith.constant 32 : i32
    %scan3A_13 = arith.addi %scan3A_11, %scan3A_12 : i32
    %scan3A_14 = arith.constant 1 : i32
    scf.for %scan3A_275 = %scan3A_11 to %scan3A_13 step %scan3A_14  : i32 {
      %swap3A = arith.index_cast %scan3A_275 : i32 to index
      %swap3A_276 = arith.constant 0 : index
      %swap3A_277 = tpu.vector_load %arg13[%swap3A, %swap3A_276] {strides = array<i32>} : memref<32x64xf32, #tpu.memory_space<vmem>>, vector<1x16xf32>,
      %swap3A_278 = vector.shape_cast %swap3A_277 : vector<1x16xf32> to vector<16xf32>
      %swap3A_279 = vector.shape_cast %broadcast_in_dim3A_10 : vector<16xf32> to vector<1x16xf32>
      tpu.vector_store %arg13[%swap3A, %swap3A_276], %swap3A_279 {strides = array<i32>} : memref<32x64xf32, #tpu.memory_space<vmem>>, vector<1x16xf32>,
      %swap3A_280 = arith.index_cast %scan3A_275 : i32 to index
      %swap3A_281 = arith.constant 16 : index
      %swap3A_282 = tpu.vector_load %arg13[%swap3A_280, %swap3A_281] {strides = array<i32>} : memref<32x64xf32, #tpu.memory_space<vmem>>, vector<1x16xf32>,
      %swap3A_283 = vector.shape_cast %swap3A_282 : vector<1x16xf32> to vector<16xf32>
      %swap3A_284 = vector.shape_cast %broadcast_in_dim3A_10 : vector<16xf32> to vector<1x16xf32>
      tpu.vector_store %arg13[%swap3A_280, %swap3A_281], %swap3A_284 {strides = array<i32>} : memref<32x64xf32, #tpu.memory_space<vmem>>, vector<1x16xf32>,
      %swap3A_285 = arith.index_cast %scan3A_275 : i32 to index
      %swap3A_286 = arith.constant 32 : index
      %swap3A_287 = tpu.vector_load %arg13[%swap3A_285, %swap3A_286] {strides = array<i32>} : memref<32x64xf32, #tpu.memory_space<vmem>>, vector<1x16xf32>,
      %swap3A_288 = vector.shape_cast %swap3A_287 : vector<1x16xf32> to vector<16xf32>
      %swap3A_289 = vector.shape_cast %broadcast_in_dim3A_10 : vector<16xf32> to vector<1x16xf32>
      tpu.vector_store %arg13[%swap3A_285, %swap3A_286], %swap3A_289 {strides = array<i32>} : memref<32x64xf32, #tpu.memory_space<vmem>>, vector<1x16xf32>,
      %swap3A_290 = arith.index_cast %scan3A_275 : i32 to index
      %swap3A_291 = arith.constant 48 : index
      %swap3A_292 = tpu.vector_load %arg13[%swap3A_290, %swap3A_291] {strides = array<i32>} : memref<32x64xf32, #tpu.memory_space<vmem>>, vector<1x16xf32>,
      %swap3A_293 = vector.shape_cast %swap3A_292 : vector<1x16xf32> to vector<16xf32>
      %swap3A_294 = vector.shape_cast %broadcast_in_dim3A_10 : vector<16xf32> to vector<1x16xf32>
      tpu.vector_store %arg13[%swap3A_290, %swap3A_291], %swap3A_294 {strides = array<i32>} : memref<32x64xf32, #tpu.memory_space<vmem>>, vector<1x16xf32>,
    }
    %scan3A_15 = arith.constant 32 : i32
    %mul3A_16 = arith.constant 640 : i32
    %mul3A_17 = arith.muli %arg1, %mul3A_16 : i32
    %add3A = arith.constant 0 : i32
    %add3A_18 = arith.addi %mul3A_17, %add3A : i32
    %dma_start3A_19 = arith.constant 0 : i32
    %dma_start3A_20 = tpu.memref_slice %arg17[%add3A_18, %dma_start3A_19] : memref<10240x64xf32, #tpu.memory_space<vmem_shared>> -> memref<32x64xf32, #tpu.memory_space<vmem_shared>>
    %dma_start3A_21 = arith.constant 0 : i32
    %dma_start3A_22 = tpu.memref_slice %arg17[%add3A_18, %dma_start3A_21] : memref<10240x64xf32, #tpu.memory_space<vmem_shared>> -> memref<32x64xf32, #tpu.memory_space<vmem_shared>>
    tpu.enqueue_dma source(%arg13 : memref<32x64xf32, #tpu.memory_space<vmem>>) target(%dma_start3A_22 : memref<32x64xf32, #tpu.memory_space<vmem_shared>>) target_semaphore(%arg15 : memref<!tpu.dma_semaphore, #tpu.memory_space<semaphore_mem>>)
    %add3A_23 = arith.constant 32 : i32
    %add3A_24 = arith.addi %mul3A_17, %add3A_23 : i32
    %dma_start3A_25 = arith.constant 0 : i32
    %dma_start3A_26 = tpu.memref_slice %arg17[%add3A_24, %dma_start3A_25] : memref<10240x64xf32, #tpu.memory_space<vmem_shared>> -> memref<32x64xf32, #tpu.memory_space<vmem_shared>>
    %dma_start3A_27 = arith.constant 0 : i32
    %dma_start3A_28 = tpu.memref_slice %arg17[%add3A_24, %dma_start3A_27] : memref<10240x64xf32, #tpu.memory_space<vmem_shared>> -> memref<32x64xf32, #tpu.memory_space<vmem_shared>>
    tpu.enqueue_dma source(%arg13 : memref<32x64xf32, #tpu.memory_space<vmem>>) target(%dma_start3A_28 : memref<32x64xf32, #tpu.memory_space<vmem_shared>>) target_semaphore(%arg15 : memref<!tpu.dma_semaphore, #tpu.memory_space<semaphore_mem>>)
    %add3A_29 = arith.constant 64 : i32
    %add3A_30 = arith.addi %mul3A_17, %add3A_29 : i32
    %dma_start3A_31 = arith.constant 0 : i32
    %dma_start3A_32 = tpu.memref_slice %arg17[%add3A_30, %dma_start3A_31] : memref<10240x64xf32, #tpu.memory_space<vmem_shared>> -> memref<32x64xf32, #tpu.memory_space<vmem_shared>>
    %dma_start3A_33 = arith.constant 0 : i32
    %dma_start3A_34 = tpu.memref_slice %arg17[%add3A_30, %dma_start3A_33] : memref<10240x64xf32, #tpu.memory_space<vmem_shared>> -> memref<32x64xf32, #tpu.memory_space<vmem_shared>>
    tpu.enqueue_dma source(%arg13 : memref<32x64xf32, #tpu.memory_space<vmem>>) target(%dma_start3A_34 : memref<32x64xf32, #tpu.memory_space<vmem_shared>>) target_semaphore(%arg15 : memref<!tpu.dma_semaphore, #tpu.memory_space<semaphore_mem>>)
    %add3A_35 = arith.constant 96 : i32
    %add3A_36 = arith.addi %mul3A_17, %add3A_35 : i32
    %dma_start3A_37 = arith.constant 0 : i32
    %dma_start3A_38 = tpu.memref_slice %arg17[%add3A_36, %dma_start3A_37] : memref<10240x64xf32, #tpu.memory_space<vmem_shared>> -> memref<32x64xf32, #tpu.memory_space<vmem_shared>>
    %dma_start3A_39 = arith.constant 0 : i32
    %dma_start3A_40 = tpu.memref_slice %arg17[%add3A_36, %dma_start3A_39] : memref<10240x64xf32, #tpu.memory_space<vmem_shared>> -> memref<32x64xf32, #tpu.memory_space<vmem_shared>>
    tpu.enqueue_dma source(%arg13 : memref<32x64xf32, #tpu.memory_space<vmem>>) target(%dma_start3A_40 : memref<32x64xf32, #tpu.memory_space<vmem_shared>>) target_semaphore(%arg15 : memref<!tpu.dma_semaphore, #tpu.memory_space<semaphore_mem>>)
    %add3A_41 = arith.constant 128 : i32
    %add3A_42 = arith.addi %mul3A_17, %add3A_41 : i32
    %dma_start3A_43 = arith.constant 0 : i32
    %dma_start3A_44 = tpu.memref_slice %arg17[%add3A_42, %dma_start3A_43] : memref<10240x64xf32, #tpu.memory_space<vmem_shared>> -> memref<32x64xf32, #tpu.memory_space<vmem_shared>>
    %dma_start3A_45 = arith.constant 0 : i32
    %dma_start3A_46 = tpu.memref_slice %arg17[%add3A_42, %dma_start3A_45] : memref<10240x64xf32, #tpu.memory_space<vmem_shared>> -> memref<32x64xf32, #tpu.memory_space<vmem_shared>>
    tpu.enqueue_dma source(%arg13 : memref<32x64xf32, #tpu.memory_space<vmem>>) target(%dma_start3A_46 : memref<32x64xf32, #tpu.memory_space<vmem_shared>>) target_semaphore(%arg15 : memref<!tpu.dma_semaphore, #tpu.memory_space<semaphore_mem>>)
    %add3A_47 = arith.constant 160 : i32
    %add3A_48 = arith.addi %mul3A_17, %add3A_47 : i32
    %dma_start3A_49 = arith.constant 0 : i32
    %dma_start3A_50 = tpu.memref_slice %arg17[%add3A_48, %dma_start3A_49] : memref<10240x64xf32, #tpu.memory_space<vmem_shared>> -> memref<32x64xf32, #tpu.memory_space<vmem_shared>>
    %dma_start3A_51 = arith.constant 0 : i32
    %dma_start3A_52 = tpu.memref_slice %arg17[%add3A_48, %dma_start3A_51] : memref<10240x64xf32, #tpu.memory_space<vmem_shared>> -> memref<32x64xf32, #tpu.memory_space<vmem_shared>>
    tpu.enqueue_dma source(%arg13 : memref<32x64xf32, #tpu.memory_space<vmem>>) target(%dma_start3A_52 : memref<32x64xf32, #tpu.memory_space<vmem_shared>>) target_semaphore(%arg15 : memref<!tpu.dma_semaphore, #tpu.memory_space<semaphore_mem>>)
    %add3A_53 = arith.constant 192 : i32
    %add3A_54 = arith.addi %mul3A_17, %add3A_53 : i32
    %dma_start3A_55 = arith.constant 0 : i32
    %dma_start3A_56 = tpu.memref_slice %arg17[%add3A_54, %dma_start3A_55] : memref<10240x64xf32, #tpu.memory_space<vmem_shared>> -> memref<32x64xf32, #tpu.memory_space<vmem_shared>>
    %dma_start3A_57 = arith.constant 0 : i32
    %dma_start3A_58 = tpu.memref_slice %arg17[%add3A_54, %dma_start3A_57] : memref<10240x64xf32, #tpu.memory_space<vmem_shared>> -> memref<32x64xf32, #tpu.memory_space<vmem_shared>>
    tpu.enqueue_dma source(%arg13 : memref<32x64xf32, #tpu.memory_space<vmem>>) target(%dma_start3A_58 : memref<32x64xf32, #tpu.memory_space<vmem_shared>>) target_semaphore(%arg15 : memref<!tpu.dma_semaphore, #tpu.memory_space<semaphore_mem>>)
    %add3A_59 = arith.constant 224 : i32
    %add3A_60 = arith.addi %mul3A_17, %add3A_59 : i32
    %dma_start3A_61 = arith.constant 0 : i32
    %dma_start3A_62 = tpu.memref_slice %arg17[%add3A_60, %dma_start3A_61] : memref<10240x64xf32, #tpu.memory_space<vmem_shared>> -> memref<32x64xf32, #tpu.memory_space<vmem_shared>>
    %dma_start3A_63 = arith.constant 0 : i32
    %dma_start3A_64 = tpu.memref_slice %arg17[%add3A_60, %dma_start3A_63] : memref<10240x64xf32, #tpu.memory_space<vmem_shared>> -> memref<32x64xf32, #tpu.memory_space<vmem_shared>>
    tpu.enqueue_dma source(%arg13 : memref<32x64xf32, #tpu.memory_space<vmem>>) target(%dma_start3A_64 : memref<32x64xf32, #tpu.memory_space<vmem_shared>>) target_semaphore(%arg15 : memref<!tpu.dma_semaphore, #tpu.memory_space<semaphore_mem>>)
    %add3A_65 = arith.constant 256 : i32
    %add3A_66 = arith.addi %mul3A_17, %add3A_65 : i32
    %dma_start3A_67 = arith.constant 0 : i32
    %dma_start3A_68 = tpu.memref_slice %arg17[%add3A_66, %dma_start3A_67] : memref<10240x64xf32, #tpu.memory_space<vmem_shared>> -> memref<32x64xf32, #tpu.memory_space<vmem_shared>>
    %dma_start3A_69 = arith.constant 0 : i32
    %dma_start3A_70 = tpu.memref_slice %arg17[%add3A_66, %dma_start3A_69] : memref<10240x64xf32, #tpu.memory_space<vmem_shared>> -> memref<32x64xf32, #tpu.memory_space<vmem_shared>>
    tpu.enqueue_dma source(%arg13 : memref<32x64xf32, #tpu.memory_space<vmem>>) target(%dma_start3A_70 : memref<32x64xf32, #tpu.memory_space<vmem_shared>>) target_semaphore(%arg15 : memref<!tpu.dma_semaphore, #tpu.memory_space<semaphore_mem>>)
    %add3A_71 = arith.constant 288 : i32
    %add3A_72 = arith.addi %mul3A_17, %add3A_71 : i32
    %dma_start3A_73 = arith.constant 0 : i32
    %dma_start3A_74 = tpu.memref_slice %arg17[%add3A_72, %dma_start3A_73] : memref<10240x64xf32, #tpu.memory_space<vmem_shared>> -> memref<32x64xf32, #tpu.memory_space<vmem_shared>>
    %dma_start3A_75 = arith.constant 0 : i32
    %dma_start3A_76 = tpu.memref_slice %arg17[%add3A_72, %dma_start3A_75] : memref<10240x64xf32, #tpu.memory_space<vmem_shared>> -> memref<32x64xf32, #tpu.memory_space<vmem_shared>>
    tpu.enqueue_dma source(%arg13 : memref<32x64xf32, #tpu.memory_space<vmem>>) target(%dma_start3A_76 : memref<32x64xf32, #tpu.memory_space<vmem_shared>>) target_semaphore(%arg15 : memref<!tpu.dma_semaphore, #tpu.memory_space<semaphore_mem>>)
    %add3A_77 = arith.constant 320 : i32
    %add3A_78 = arith.addi %mul3A_17, %add3A_77 : i32
    %dma_start3A_79 = arith.constant 0 : i32
    %dma_start3A_80 = tpu.memref_slice %arg17[%add3A_78, %dma_start3A_79] : memref<10240x64xf32, #tpu.memory_space<vmem_shared>> -> memref<32x64xf32, #tpu.memory_space<vmem_shared>>
    %dma_start3A_81 = arith.constant 0 : i32
    %dma_start3A_82 = tpu.memref_slice %arg17[%add3A_78, %dma_start3A_81] : memref<10240x64xf32, #tpu.memory_space<vmem_shared>> -> memref<32x64xf32, #tpu.memory_space<vmem_shared>>
    tpu.enqueue_dma source(%arg13 : memref<32x64xf32, #tpu.memory_space<vmem>>) target(%dma_start3A_82 : memref<32x64xf32, #tpu.memory_space<vmem_shared>>) target_semaphore(%arg15 : memref<!tpu.dma_semaphore, #tpu.memory_space<semaphore_mem>>)
    %add3A_83 = arith.constant 352 : i32
    %add3A_84 = arith.addi %mul3A_17, %add3A_83 : i32
    %dma_start3A_85 = arith.constant 0 : i32
    %dma_start3A_86 = tpu.memref_slice %arg17[%add3A_84, %dma_start3A_85] : memref<10240x64xf32, #tpu.memory_space<vmem_shared>> -> memref<32x64xf32, #tpu.memory_space<vmem_shared>>
    %dma_start3A_87 = arith.constant 0 : i32
    %dma_start3A_88 = tpu.memref_slice %arg17[%add3A_84, %dma_start3A_87] : memref<10240x64xf32, #tpu.memory_space<vmem_shared>> -> memref<32x64xf32, #tpu.memory_space<vmem_shared>>
    tpu.enqueue_dma source(%arg13 : memref<32x64xf32, #tpu.memory_space<vmem>>) target(%dma_start3A_88 : memref<32x64xf32, #tpu.memory_space<vmem_shared>>) target_semaphore(%arg15 : memref<!tpu.dma_semaphore, #tpu.memory_space<semaphore_mem>>)
    %add3A_89 = arith.constant 384 : i32
    %add3A_90 = arith.addi %mul3A_17, %add3A_89 : i32
    %dma_start3A_91 = arith.constant 0 : i32
    %dma_start3A_92 = tpu.memref_slice %arg17[%add3A_90, %dma_start3A_91] : memref<10240x64xf32, #tpu.memory_space<vmem_shared>> -> memref<32x64xf32, #tpu.memory_space<vmem_shared>>
    %dma_start3A_93 = arith.constant 0 : i32
    %dma_start3A_94 = tpu.memref_slice %arg17[%add3A_90, %dma_start3A_93] : memref<10240x64xf32, #tpu.memory_space<vmem_shared>> -> memref<32x64xf32, #tpu.memory_space<vmem_shared>>
    tpu.enqueue_dma source(%arg13 : memref<32x64xf32, #tpu.memory_space<vmem>>) target(%dma_start3A_94 : memref<32x64xf32, #tpu.memory_space<vmem_shared>>) target_semaphore(%arg15 : memref<!tpu.dma_semaphore, #tpu.memory_space<semaphore_mem>>)
    %add3A_95 = arith.constant 416 : i32
    %add3A_96 = arith.addi %mul3A_17, %add3A_95 : i32
    %dma_start3A_97 = arith.constant 0 : i32
    %dma_start3A_98 = tpu.memref_slice %arg17[%add3A_96, %dma_start3A_97] : memref<10240x64xf32, #tpu.memory_space<vmem_shared>> -> memref<32x64xf32, #tpu.memory_space<vmem_shared>>
    %dma_start3A_99 = arith.constant 0 : i32
    %dma_start3A_100 = tpu.memref_slice %arg17[%add3A_96, %dma_start3A_99] : memref<10240x64xf32, #tpu.memory_space<vmem_shared>> -> memref<32x64xf32, #tpu.memory_space<vmem_shared>>
    tpu.enqueue_dma source(%arg13 : memref<32x64xf32, #tpu.memory_space<vmem>>) target(%dma_start3A_100 : memref<32x64xf32, #tpu.memory_space<vmem_shared>>) target_semaphore(%arg15 : memref<!tpu.dma_semaphore, #tpu.memory_space<semaphore_mem>>)
    %add3A_101 = arith.constant 448 : i32
    %add3A_102 = arith.addi %mul3A_17, %add3A_101 : i32
    %dma_start3A_103 = arith.constant 0 : i32
    %dma_start3A_104 = tpu.memref_slice %arg17[%add3A_102, %dma_start3A_103] : memref<10240x64xf32, #tpu.memory_space<vmem_shared>> -> memref<32x64xf32, #tpu.memory_space<vmem_shared>>
    %dma_start3A_105 = arith.constant 0 : i32
    %dma_start3A_106 = tpu.memref_slice %arg17[%add3A_102, %dma_start3A_105] : memref<10240x64xf32, #tpu.memory_space<vmem_shared>> -> memref<32x64xf32, #tpu.memory_space<vmem_shared>>
    tpu.enqueue_dma source(%arg13 : memref<32x64xf32, #tpu.memory_space<vmem>>) target(%dma_start3A_106 : memref<32x64xf32, #tpu.memory_space<vmem_shared>>) target_semaphore(%arg15 : memref<!tpu.dma_semaphore, #tpu.memory_space<semaphore_mem>>)
    %add3A_107 = arith.constant 480 : i32
    %add3A_108 = arith.addi %mul3A_17, %add3A_107 : i32
    %dma_start3A_109 = arith.constant 0 : i32
    %dma_start3A_110 = tpu.memref_slice %arg17[%add3A_108, %dma_start3A_109] : memref<10240x64xf32, #tpu.memory_space<vmem_shared>> -> memref<32x64xf32, #tpu.memory_space<vmem_shared>>
    %dma_start3A_111 = arith.constant 0 : i32
    %dma_start3A_112 = tpu.memref_slice %arg17[%add3A_108, %dma_start3A_111] : memref<10240x64xf32, #tpu.memory_space<vmem_shared>> -> memref<32x64xf32, #tpu.memory_space<vmem_shared>>
    tpu.enqueue_dma source(%arg13 : memref<32x64xf32, #tpu.memory_space<vmem>>) target(%dma_start3A_112 : memref<32x64xf32, #tpu.memory_space<vmem_shared>>) target_semaphore(%arg15 : memref<!tpu.dma_semaphore, #tpu.memory_space<semaphore_mem>>)
    %add3A_113 = arith.constant 512 : i32
    %add3A_114 = arith.addi %mul3A_17, %add3A_113 : i32
    %dma_start3A_115 = arith.constant 0 : i32
    %dma_start3A_116 = tpu.memref_slice %arg17[%add3A_114, %dma_start3A_115] : memref<10240x64xf32, #tpu.memory_space<vmem_shared>> -> memref<32x64xf32, #tpu.memory_space<vmem_shared>>
    %dma_start3A_117 = arith.constant 0 : i32
    %dma_start3A_118 = tpu.memref_slice %arg17[%add3A_114, %dma_start3A_117] : memref<10240x64xf32, #tpu.memory_space<vmem_shared>> -> memref<32x64xf32, #tpu.memory_space<vmem_shared>>
    tpu.enqueue_dma source(%arg13 : memref<32x64xf32, #tpu.memory_space<vmem>>) target(%dma_start3A_118 : memref<32x64xf32, #tpu.memory_space<vmem_shared>>) target_semaphore(%arg15 : memref<!tpu.dma_semaphore, #tpu.memory_space<semaphore_mem>>)
    %add3A_119 = arith.constant 544 : i32
    %add3A_120 = arith.addi %mul3A_17, %add3A_119 : i32
    %dma_start3A_121 = arith.constant 0 : i32
    %dma_start3A_122 = tpu.memref_slice %arg17[%add3A_120, %dma_start3A_121] : memref<10240x64xf32, #tpu.memory_space<vmem_shared>> -> memref<32x64xf32, #tpu.memory_space<vmem_shared>>
    %dma_start3A_123 = arith.constant 0 : i32
    %dma_start3A_124 = tpu.memref_slice %arg17[%add3A_120, %dma_start3A_123] : memref<10240x64xf32, #tpu.memory_space<vmem_shared>> -> memref<32x64xf32, #tpu.memory_space<vmem_shared>>
    tpu.enqueue_dma source(%arg13 : memref<32x64xf32, #tpu.memory_space<vmem>>) target(%dma_start3A_124 : memref<32x64xf32, #tpu.memory_space<vmem_shared>>) target_semaphore(%arg15 : memref<!tpu.dma_semaphore, #tpu.memory_space<semaphore_mem>>)
    %add3A_125 = arith.constant 576 : i32
    %add3A_126 = arith.addi %mul3A_17, %add3A_125 : i32
    %dma_start3A_127 = arith.constant 0 : i32
    %dma_start3A_128 = tpu.memref_slice %arg17[%add3A_126, %dma_start3A_127] : memref<10240x64xf32, #tpu.memory_space<vmem_shared>> -> memref<32x64xf32, #tpu.memory_space<vmem_shared>>
    %dma_start3A_129 = arith.constant 0 : i32
    %dma_start3A_130 = tpu.memref_slice %arg17[%add3A_126, %dma_start3A_129] : memref<10240x64xf32, #tpu.memory_space<vmem_shared>> -> memref<32x64xf32, #tpu.memory_space<vmem_shared>>
    tpu.enqueue_dma source(%arg13 : memref<32x64xf32, #tpu.memory_space<vmem>>) target(%dma_start3A_130 : memref<32x64xf32, #tpu.memory_space<vmem_shared>>) target_semaphore(%arg15 : memref<!tpu.dma_semaphore, #tpu.memory_space<semaphore_mem>>)
    %add3A_131 = arith.constant 608 : i32
    %add3A_132 = arith.addi %mul3A_17, %add3A_131 : i32
    %dma_start3A_133 = arith.constant 0 : i32
    %dma_start3A_134 = tpu.memref_slice %arg17[%add3A_132, %dma_start3A_133] : memref<10240x64xf32, #tpu.memory_space<vmem_shared>> -> memref<32x64xf32, #tpu.memory_space<vmem_shared>>
    %dma_start3A_135 = arith.constant 0 : i32
    %dma_start3A_136 = tpu.memref_slice %arg17[%add3A_132, %dma_start3A_135] : memref<10240x64xf32, #tpu.memory_space<vmem_shared>> -> memref<32x64xf32, #tpu.memory_space<vmem_shared>>
    tpu.enqueue_dma source(%arg13 : memref<32x64xf32, #tpu.memory_space<vmem>>) target(%dma_start3A_136 : memref<32x64xf32, #tpu.memory_space<vmem_shared>>) target_semaphore(%arg15 : memref<!tpu.dma_semaphore, #tpu.memory_space<semaphore_mem>>)
    %dma_wait3A = arith.constant 0 : i32
    %dma_wait3A_137 = tpu.memref_slice %arg17[%add3A_18, %dma_wait3A] : memref<10240x64xf32, #tpu.memory_space<vmem_shared>> -> memref<32x64xf32, #tpu.memory_space<vmem_shared>>
    %dma_wait3A_138 = arith.constant 0 : i32
    %dma_wait3A_139 = tpu.memref_slice %arg17[%add3A_18, %dma_wait3A_138] : memref<10240x64xf32, #tpu.memory_space<vmem_shared>> -> memref<32x64xf32, #tpu.memory_space<vmem_shared>>
    tpu.wait_dma2 semaphore(%arg15 : memref<!tpu.dma_semaphore, #tpu.memory_space<semaphore_mem>>) src(%arg13 : memref<32x64xf32, #tpu.memory_space<vmem>>) dst(%dma_wait3A_139 : memref<32x64xf32, #tpu.memory_space<vmem_shared>>)
    %dma_wait3A_140 = arith.constant 0 : i32
    %dma_wait3A_141 = tpu.memref_slice %arg17[%add3A_24, %dma_wait3A_140] : memref<10240x64xf32, #tpu.memory_space<vmem_shared>> -> memref<32x64xf32, #tpu.memory_space<vmem_shared>>
    %dma_wait3A_142 = arith.constant 0 : i32
    %dma_wait3A_143 = tpu.memref_slice %arg17[%add3A_24, %dma_wait3A_142] : memref<10240x64xf32, #tpu.memory_space<vmem_shared>> -> memref<32x64xf32, #tpu.memory_space<vmem_shared>>
    tpu.wait_dma2 semaphore(%arg15 : memref<!tpu.dma_semaphore, #tpu.memory_space<semaphore_mem>>) src(%arg13 : memref<32x64xf32, #tpu.memory_space<vmem>>) dst(%dma_wait3A_143 : memref<32x64xf32, #tpu.memory_space<vmem_shared>>)
    %dma_wait3A_144 = arith.constant 0 : i32
    %dma_wait3A_145 = tpu.memref_slice %arg17[%add3A_30, %dma_wait3A_144] : memref<10240x64xf32, #tpu.memory_space<vmem_shared>> -> memref<32x64xf32, #tpu.memory_space<vmem_shared>>
    %dma_wait3A_146 = arith.constant 0 : i32
    %dma_wait3A_147 = tpu.memref_slice %arg17[%add3A_30, %dma_wait3A_146] : memref<10240x64xf32, #tpu.memory_space<vmem_shared>> -> memref<32x64xf32, #tpu.memory_space<vmem_shared>>
    tpu.wait_dma2 semaphore(%arg15 : memref<!tpu.dma_semaphore, #tpu.memory_space<semaphore_mem>>) src(%arg13 : memref<32x64xf32, #tpu.memory_space<vmem>>) dst(%dma_wait3A_147 : memref<32x64xf32, #tpu.memory_space<vmem_shared>>)
    %dma_wait3A_148 = arith.constant 0 : i32
    %dma_wait3A_149 = tpu.memref_slice %arg17[%add3A_36, %dma_wait3A_148] : memref<10240x64xf32, #tpu.memory_space<vmem_shared>> -> memref<32x64xf32, #tpu.memory_space<vmem_shared>>
    %dma_wait3A_150 = arith.constant 0 : i32
    %dma_wait3A_151 = tpu.memref_slice %arg17[%add3A_36, %dma_wait3A_150] : memref<10240x64xf32, #tpu.memory_space<vmem_shared>> -> memref<32x64xf32, #tpu.memory_space<vmem_shared>>
    tpu.wait_dma2 semaphore(%arg15 : memref<!tpu.dma_semaphore, #tpu.memory_space<semaphore_mem>>) src(%arg13 : memref<32x64xf32, #tpu.memory_space<vmem>>) dst(%dma_wait3A_151 : memref<32x64xf32, #tpu.memory_space<vmem_shared>>)
    %dma_wait3A_152 = arith.constant 0 : i32
    %dma_wait3A_153 = tpu.memref_slice %arg17[%add3A_42, %dma_wait3A_152] : memref<10240x64xf32, #tpu.memory_space<vmem_shared>> -> memref<32x64xf32, #tpu.memory_space<vmem_shared>>
    %dma_wait3A_154 = arith.constant 0 : i32
    %dma_wait3A_155 = tpu.memref_slice %arg17[%add3A_42, %dma_wait3A_154] : memref<10240x64xf32, #tpu.memory_space<vmem_shared>> -> memref<32x64xf32, #tpu.memory_space<vmem_shared>>
    tpu.wait_dma2 semaphore(%arg15 : memref<!tpu.dma_semaphore, #tpu.memory_space<semaphore_mem>>) src(%arg13 : memref<32x64xf32, #tpu.memory_space<vmem>>) dst(%dma_wait3A_155 : memref<32x64xf32, #tpu.memory_space<vmem_shared>>)
    %dma_wait3A_156 = arith.constant 0 : i32
    %dma_wait3A_157 = tpu.memref_slice %arg17[%add3A_48, %dma_wait3A_156] : memref<10240x64xf32, #tpu.memory_space<vmem_shared>> -> memref<32x64xf32, #tpu.memory_space<vmem_shared>>
    %dma_wait3A_158 = arith.constant 0 : i32
    %dma_wait3A_159 = tpu.memref_slice %arg17[%add3A_48, %dma_wait3A_158] : memref<10240x64xf32, #tpu.memory_space<vmem_shared>> -> memref<32x64xf32, #tpu.memory_space<vmem_shared>>
    tpu.wait_dma2 semaphore(%arg15 : memref<!tpu.dma_semaphore, #tpu.memory_space<semaphore_mem>>) src(%arg13 : memref<32x64xf32, #tpu.memory_space<vmem>>) dst(%dma_wait3A_159 : memref<32x64xf32, #tpu.memory_space<vmem_shared>>)
    %dma_wait3A_160 = arith.constant 0 : i32
    %dma_wait3A_161 = tpu.memref_slice %arg17[%add3A_54, %dma_wait3A_160] : memref<10240x64xf32, #tpu.memory_space<vmem_shared>> -> memref<32x64xf32, #tpu.memory_space<vmem_shared>>
    %dma_wait3A_162 = arith.constant 0 : i32
    %dma_wait3A_163 = tpu.memref_slice %arg17[%add3A_54, %dma_wait3A_162] : memref<10240x64xf32, #tpu.memory_space<vmem_shared>> -> memref<32x64xf32, #tpu.memory_space<vmem_shared>>
    tpu.wait_dma2 semaphore(%arg15 : memref<!tpu.dma_semaphore, #tpu.memory_space<semaphore_mem>>) src(%arg13 : memref<32x64xf32, #tpu.memory_space<vmem>>) dst(%dma_wait3A_163 : memref<32x64xf32, #tpu.memory_space<vmem_shared>>)
    %dma_wait3A_164 = arith.constant 0 : i32
    %dma_wait3A_165 = tpu.memref_slice %arg17[%add3A_60, %dma_wait3A_164] : memref<10240x64xf32, #tpu.memory_space<vmem_shared>> -> memref<32x64xf32, #tpu.memory_space<vmem_shared>>
    %dma_wait3A_166 = arith.constant 0 : i32
    %dma_wait3A_167 = tpu.memref_slice %arg17[%add3A_60, %dma_wait3A_166] : memref<10240x64xf32, #tpu.memory_space<vmem_shared>> -> memref<32x64xf32, #tpu.memory_space<vmem_shared>>
    tpu.wait_dma2 semaphore(%arg15 : memref<!tpu.dma_semaphore, #tpu.memory_space<semaphore_mem>>) src(%arg13 : memref<32x64xf32, #tpu.memory_space<vmem>>) dst(%dma_wait3A_167 : memref<32x64xf32, #tpu.memory_space<vmem_shared>>)
    %dma_wait3A_168 = arith.constant 0 : i32
    %dma_wait3A_169 = tpu.memref_slice %arg17[%add3A_66, %dma_wait3A_168] : memref<10240x64xf32, #tpu.memory_space<vmem_shared>> -> memref<32x64xf32, #tpu.memory_space<vmem_shared>>
    %dma_wait3A_170 = arith.constant 0 : i32
    %dma_wait3A_171 = tpu.memref_slice %arg17[%add3A_66, %dma_wait3A_170] : memref<10240x64xf32, #tpu.memory_space<vmem_shared>> -> memref<32x64xf32, #tpu.memory_space<vmem_shared>>
    tpu.wait_dma2 semaphore(%arg15 : memref<!tpu.dma_semaphore, #tpu.memory_space<semaphore_mem>>) src(%arg13 : memref<32x64xf32, #tpu.memory_space<vmem>>) dst(%dma_wait3A_171 : memref<32x64xf32, #tpu.memory_space<vmem_shared>>)
    %dma_wait3A_172 = arith.constant 0 : i32
    %dma_wait3A_173 = tpu.memref_slice %arg17[%add3A_72, %dma_wait3A_172] : memref<10240x64xf32, #tpu.memory_space<vmem_shared>> -> memref<32x64xf32, #tpu.memory_space<vmem_shared>>
    %dma_wait3A_174 = arith.constant 0 : i32
    %dma_wait3A_175 = tpu.memref_slice %arg17[%add3A_72, %dma_wait3A_174] : memref<10240x64xf32, #tpu.memory_space<vmem_shared>> -> memref<32x64xf32, #tpu.memory_space<vmem_shared>>
    tpu.wait_dma2 semaphore(%arg15 : memref<!tpu.dma_semaphore, #tpu.memory_space<semaphore_mem>>) src(%arg13 : memref<32x64xf32, #tpu.memory_space<vmem>>) dst(%dma_wait3A_175 : memref<32x64xf32, #tpu.memory_space<vmem_shared>>)
    %dma_wait3A_176 = arith.constant 0 : i32
    %dma_wait3A_177 = tpu.memref_slice %arg17[%add3A_78, %dma_wait3A_176] : memref<10240x64xf32, #tpu.memory_space<vmem_shared>> -> memref<32x64xf32, #tpu.memory_space<vmem_shared>>
    %dma_wait3A_178 = arith.constant 0 : i32
    %dma_wait3A_179 = tpu.memref_slice %arg17[%add3A_78, %dma_wait3A_178] : memref<10240x64xf32, #tpu.memory_space<vmem_shared>> -> memref<32x64xf32, #tpu.memory_space<vmem_shared>>
    tpu.wait_dma2 semaphore(%arg15 : memref<!tpu.dma_semaphore, #tpu.memory_space<semaphore_mem>>) src(%arg13 : memref<32x64xf32, #tpu.memory_space<vmem>>) dst(%dma_wait3A_179 : memref<32x64xf32, #tpu.memory_space<vmem_shared>>)
    %dma_wait3A_180 = arith.constant 0 : i32
    %dma_wait3A_181 = tpu.memref_slice %arg17[%add3A_84, %dma_wait3A_180] : memref<10240x64xf32, #tpu.memory_space<vmem_shared>> -> memref<32x64xf32, #tpu.memory_space<vmem_shared>>
    %dma_wait3A_182 = arith.constant 0 : i32
    %dma_wait3A_183 = tpu.memref_slice %arg17[%add3A_84, %dma_wait3A_182] : memref<10240x64xf32, #tpu.memory_space<vmem_shared>> -> memref<32x64xf32, #tpu.memory_space<vmem_shared>>
    tpu.wait_dma2 semaphore(%arg15 : memref<!tpu.dma_semaphore, #tpu.memory_space<semaphore_mem>>) src(%arg13 : memref<32x64xf32, #tpu.memory_space<vmem>>) dst(%dma_wait3A_183 : memref<32x64xf32, #tpu.memory_space<vmem_shared>>)
    %dma_wait3A_184 = arith.constant 0 : i32
    %dma_wait3A_185 = tpu.memref_slice %arg17[%add3A_90, %dma_wait3A_184] : memref<10240x64xf32, #tpu.memory_space<vmem_shared>> -> memref<32x64xf32, #tpu.memory_space<vmem_shared>>
    %dma_wait3A_186 = arith.constant 0 : i32
    %dma_wait3A_187 = tpu.memref_slice %arg17[%add3A_90, %dma_wait3A_186] : memref<10240x64xf32, #tpu.memory_space<vmem_shared>> -> memref<32x64xf32, #tpu.memory_space<vmem_shared>>
    tpu.wait_dma2 semaphore(%arg15 : memref<!tpu.dma_semaphore, #tpu.memory_space<semaphore_mem>>) src(%arg13 : memref<32x64xf32, #tpu.memory_space<vmem>>) dst(%dma_wait3A_187 : memref<32x64xf32, #tpu.memory_space<vmem_shared>>)
    %dma_wait3A_188 = arith.constant 0 : i32
    %dma_wait3A_189 = tpu.memref_slice %arg17[%add3A_96, %dma_wait3A_188] : memref<10240x64xf32, #tpu.memory_space<vmem_shared>> -> memref<32x64xf32, #tpu.memory_space<vmem_shared>>
    %dma_wait3A_190 = arith.constant 0 : i32
    %dma_wait3A_191 = tpu.memref_slice %arg17[%add3A_96, %dma_wait3A_190] : memref<10240x64xf32, #tpu.memory_space<vmem_shared>> -> memref<32x64xf32, #tpu.memory_space<vmem_shared>>
    tpu.wait_dma2 semaphore(%arg15 : memref<!tpu.dma_semaphore, #tpu.memory_space<semaphore_mem>>) src(%arg13 : memref<32x64xf32, #tpu.memory_space<vmem>>) dst(%dma_wait3A_191 : memref<32x64xf32, #tpu.memory_space<vmem_shared>>)
    %dma_wait3A_192 = arith.constant 0 : i32
    %dma_wait3A_193 = tpu.memref_slice %arg17[%add3A_102, %dma_wait3A_192] : memref<10240x64xf32, #tpu.memory_space<vmem_shared>> -> memref<32x64xf32, #tpu.memory_space<vmem_shared>>
    %dma_wait3A_194 = arith.constant 0 : i32
    %dma_wait3A_195 = tpu.memref_slice %arg17[%add3A_102, %dma_wait3A_194] : memref<10240x64xf32, #tpu.memory_space<vmem_shared>> -> memref<32x64xf32, #tpu.memory_space<vmem_shared>>
    tpu.wait_dma2 semaphore(%arg15 : memref<!tpu.dma_semaphore, #tpu.memory_space<semaphore_mem>>) src(%arg13 : memref<32x64xf32, #tpu.memory_space<vmem>>) dst(%dma_wait3A_195 : memref<32x64xf32, #tpu.memory_space<vmem_shared>>)
    %dma_wait3A_196 = arith.constant 0 : i32
    %dma_wait3A_197 = tpu.memref_slice %arg17[%add3A_108, %dma_wait3A_196] : memref<10240x64xf32, #tpu.memory_space<vmem_shared>> -> memref<32x64xf32, #tpu.memory_space<vmem_shared>>
    %dma_wait3A_198 = arith.constant 0 : i32
    %dma_wait3A_199 = tpu.memref_slice %arg17[%add3A_108, %dma_wait3A_198] : memref<10240x64xf32, #tpu.memory_space<vmem_shared>> -> memref<32x64xf32, #tpu.memory_space<vmem_shared>>
    tpu.wait_dma2 semaphore(%arg15 : memref<!tpu.dma_semaphore, #tpu.memory_space<semaphore_mem>>) src(%arg13 : memref<32x64xf32, #tpu.memory_space<vmem>>) dst(%dma_wait3A_199 : memref<32x64xf32, #tpu.memory_space<vmem_shared>>)
    %dma_wait3A_200 = arith.constant 0 : i32
    %dma_wait3A_201 = tpu.memref_slice %arg17[%add3A_114, %dma_wait3A_200] : memref<10240x64xf32, #tpu.memory_space<vmem_shared>> -> memref<32x64xf32, #tpu.memory_space<vmem_shared>>
    %dma_wait3A_202 = arith.constant 0 : i32
    %dma_wait3A_203 = tpu.memref_slice %arg17[%add3A_114, %dma_wait3A_202] : memref<10240x64xf32, #tpu.memory_space<vmem_shared>> -> memref<32x64xf32, #tpu.memory_space<vmem_shared>>
    tpu.wait_dma2 semaphore(%arg15 : memref<!tpu.dma_semaphore, #tpu.memory_space<semaphore_mem>>) src(%arg13 : memref<32x64xf32, #tpu.memory_space<vmem>>) dst(%dma_wait3A_203 : memref<32x64xf32, #tpu.memory_space<vmem_shared>>)
    %dma_wait3A_204 = arith.constant 0 : i32
    %dma_wait3A_205 = tpu.memref_slice %arg17[%add3A_120, %dma_wait3A_204] : memref<10240x64xf32, #tpu.memory_space<vmem_shared>> -> memref<32x64xf32, #tpu.memory_space<vmem_shared>>
    %dma_wait3A_206 = arith.constant 0 : i32
    %dma_wait3A_207 = tpu.memref_slice %arg17[%add3A_120, %dma_wait3A_206] : memref<10240x64xf32, #tpu.memory_space<vmem_shared>> -> memref<32x64xf32, #tpu.memory_space<vmem_shared>>
    tpu.wait_dma2 semaphore(%arg15 : memref<!tpu.dma_semaphore, #tpu.memory_space<semaphore_mem>>) src(%arg13 : memref<32x64xf32, #tpu.memory_space<vmem>>) dst(%dma_wait3A_207 : memref<32x64xf32, #tpu.memory_space<vmem_shared>>)
    %dma_wait3A_208 = arith.constant 0 : i32
    %dma_wait3A_209 = tpu.memref_slice %arg17[%add3A_126, %dma_wait3A_208] : memref<10240x64xf32, #tpu.memory_space<vmem_shared>> -> memref<32x64xf32, #tpu.memory_space<vmem_shared>>
    %dma_wait3A_210 = arith.constant 0 : i32
    %dma_wait3A_211 = tpu.memref_slice %arg17[%add3A_126, %dma_wait3A_210] : memref<10240x64xf32, #tpu.memory_space<vmem_shared>> -> memref<32x64xf32, #tpu.memory_space<vmem_shared>>
    tpu.wait_dma2 semaphore(%arg15 : memref<!tpu.dma_semaphore, #tpu.memory_space<semaphore_mem>>) src(%arg13 : memref<32x64xf32, #tpu.memory_space<vmem>>) dst(%dma_wait3A_211 : memref<32x64xf32, #tpu.memory_space<vmem_shared>>)
    %dma_wait3A_212 = arith.constant 0 : i32
    %dma_wait3A_213 = tpu.memref_slice %arg17[%add3A_132, %dma_wait3A_212] : memref<10240x64xf32, #tpu.memory_space<vmem_shared>> -> memref<32x64xf32, #tpu.memory_space<vmem_shared>>
    %dma_wait3A_214 = arith.constant 0 : i32
    %dma_wait3A_215 = tpu.memref_slice %arg17[%add3A_132, %dma_wait3A_214] : memref<10240x64xf32, #tpu.memory_space<vmem_shared>> -> memref<32x64xf32, #tpu.memory_space<vmem_shared>>
    tpu.wait_dma2 semaphore(%arg15 : memref<!tpu.dma_semaphore, #tpu.memory_space<semaphore_mem>>) src(%arg13 : memref<32x64xf32, #tpu.memory_space<vmem>>) dst(%dma_wait3A_215 : memref<32x64xf32, #tpu.memory_space<vmem_shared>>)
    %dma_wait3A_216 = arith.constant 0 : i32
    %dma_wait3A_217 = tpu.memref_slice %arg3[%mul3A_0, %dma_wait3A_216] : memref<4000x80xi32, #tpu.memory_space<hbm>> -> memref<250x80xi32, #tpu.memory_space<hbm>>
    %dma_wait3A_218 = arith.constant 0 : i32
    %dma_wait3A_219 = tpu.memref_slice %arg3[%mul3A_0, %dma_wait3A_218] : memref<4000x80xi32, #tpu.memory_space<hbm>> -> memref<250x80xi32, #tpu.memory_space<hbm>>
    tpu.wait_dma2 semaphore(%arg16 : memref<!tpu.dma_semaphore, #tpu.memory_space<semaphore_mem>>) src(%dma_wait3A_219 : memref<250x80xi32, #tpu.memory_space<hbm>>) dst(%arg6 : memref<250x80xi32, #tpu.memory_space<vmem>>)
    %dma_wait3A_220 = arith.constant 0 : i32
    %dma_wait3A_221 = tpu.memref_slice %arg4[%mul3A_5, %dma_wait3A_220] : memref<4000x80xi32, #tpu.memory_space<hbm>> -> memref<250x80xi32, #tpu.memory_space<hbm>>
    %dma_wait3A_222 = arith.constant 0 : i32
    %dma_wait3A_223 = tpu.memref_slice %arg4[%mul3A_5, %dma_wait3A_222] : memref<4000x80xi32, #tpu.memory_space<hbm>> -> memref<250x80xi32, #tpu.memory_space<hbm>>
    tpu.wait_dma2 semaphore(%arg16 : memref<!tpu.dma_semaphore, #tpu.memory_space<semaphore_mem>>) src(%dma_wait3A_223 : memref<250x80xi32, #tpu.memory_space<hbm>>) dst(%arg7 : memref<250x80xi32, #tpu.memory_space<vmem>>)
    %scan3A_224 = arith.constant 0 : i32
    %scan3A_225 = arith.constant 0 : i32
    %scan3A_226 = arith.constant 250 : i32
    %scan3A_227 = arith.addi %scan3A_225, %scan3A_226 : i32
    %scan3A_228 = arith.constant 1 : i32
    scf.for %scan3A_275 = %scan3A_225 to %scan3A_227 step %scan3A_228  : i32 {
      %get3A = arith.index_cast %scan3A_275 : i32 to index
      %get3A_276 = arith.constant 0 : index
      %get3A_277 = tpu.vector_load %arg6[%get3A, %get3A_276] {strides = array<i32>} : memref<250x80xi32, #tpu.memory_space<vmem>>, vector<1x16xi32>,
      %get3A_278 = vector.shape_cast %get3A_277 : vector<1x16xi32> to vector<16xi32>
      %mul3A_279 = arith.constant 2 : i32
      %mul3A_280 = vector.broadcast %mul3A_279 : i32 to vector<16xi32>
      %mul3A_281 = arith.muli %get3A_278, %mul3A_280 : vector<16xi32>
      %add3A_282 = vector.broadcast %arg0 : i32 to vector<16xi32>
      %add3A_283 = arith.addi %mul3A_281, %add3A_282 : vector<16xi32>
      %swap3A = arith.index_cast %scan3A_275 : i32 to index
      %swap3A_284 = arith.constant 0 : index
      %swap3A_285 = tpu.vector_load %arg6[%swap3A, %swap3A_284] {strides = array<i32>} : memref<250x80xi32, #tpu.memory_space<vmem>>, vector<1x16xi32>,
      %swap3A_286 = vector.shape_cast %swap3A_285 : vector<1x16xi32> to vector<16xi32>
      %swap3A_287 = vector.shape_cast %add3A_283 : vector<16xi32> to vector<1x16xi32>
      tpu.vector_store %arg6[%swap3A, %swap3A_284], %swap3A_287 {strides = array<i32>} : memref<250x80xi32, #tpu.memory_space<vmem>>, vector<1x16xi32>,
      %get3A_288 = arith.index_cast %scan3A_275 : i32 to index
      %get3A_289 = arith.constant 16 : index
      %get3A_290 = tpu.vector_load %arg6[%get3A_288, %get3A_289] {strides = array<i32>} : memref<250x80xi32, #tpu.memory_space<vmem>>, vector<1x16xi32>,
      %get3A_291 = vector.shape_cast %get3A_290 : vector<1x16xi32> to vector<16xi32>
      %mul3A_292 = arith.constant 2 : i32
      %mul3A_293 = vector.broadcast %mul3A_292 : i32 to vector<16xi32>
      %mul3A_294 = arith.muli %get3A_291, %mul3A_293 : vector<16xi32>
      %add3A_295 = vector.broadcast %arg0 : i32 to vector<16xi32>
      %add3A_296 = arith.addi %mul3A_294, %add3A_295 : vector<16xi32>
      %swap3A_297 = arith.index_cast %scan3A_275 : i32 to index
      %swap3A_298 = arith.constant 16 : index
      %swap3A_299 = tpu.vector_load %arg6[%swap3A_297, %swap3A_298] {strides = array<i32>} : memref<250x80xi32, #tpu.memory_space<vmem>>, vector<1x16xi32>,
      %swap3A_300 = vector.shape_cast %swap3A_299 : vector<1x16xi32> to vector<16xi32>
      %swap3A_301 = vector.shape_cast %add3A_296 : vector<16xi32> to vector<1x16xi32>
      tpu.vector_store %arg6[%swap3A_297, %swap3A_298], %swap3A_301 {strides = array<i32>} : memref<250x80xi32, #tpu.memory_space<vmem>>, vector<1x16xi32>,
      %get3A_302 = arith.index_cast %scan3A_275 : i32 to index
      %get3A_303 = arith.constant 32 : index
      %get3A_304 = tpu.vector_load %arg6[%get3A_302, %get3A_303] {strides = array<i32>} : memref<250x80xi32, #tpu.memory_space<vmem>>, vector<1x16xi32>,
      %get3A_305 = vector.shape_cast %get3A_304 : vector<1x16xi32> to vector<16xi32>
      %mul3A_306 = arith.constant 2 : i32
      %mul3A_307 = vector.broadcast %mul3A_306 : i32 to vector<16xi32>
      %mul3A_308 = arith.muli %get3A_305, %mul3A_307 : vector<16xi32>
      %add3A_309 = vector.broadcast %arg0 : i32 to vector<16xi32>
      %add3A_310 = arith.addi %mul3A_308, %add3A_309 : vector<16xi32>
      %swap3A_311 = arith.index_cast %scan3A_275 : i32 to index
      %swap3A_312 = arith.constant 32 : index
      %swap3A_313 = tpu.vector_load %arg6[%swap3A_311, %swap3A_312] {strides = array<i32>} : memref<250x80xi32, #tpu.memory_space<vmem>>, vector<1x16xi32>,
      %swap3A_314 = vector.shape_cast %swap3A_313 : vector<1x16xi32> to vector<16xi32>
      %swap3A_315 = vector.shape_cast %add3A_310 : vector<16xi32> to vector<1x16xi32>
      tpu.vector_store %arg6[%swap3A_311, %swap3A_312], %swap3A_315 {strides = array<i32>} : memref<250x80xi32, #tpu.memory_space<vmem>>, vector<1x16xi32>,
      %get3A_316 = arith.index_cast %scan3A_275 : i32 to index
      %get3A_317 = arith.constant 48 : index
      %get3A_318 = tpu.vector_load %arg6[%get3A_316, %get3A_317] {strides = array<i32>} : memref<250x80xi32, #tpu.memory_space<vmem>>, vector<1x16xi32>,
      %get3A_319 = vector.shape_cast %get3A_318 : vector<1x16xi32> to vector<16xi32>
      %mul3A_320 = arith.constant 2 : i32
      %mul3A_321 = vector.broadcast %mul3A_320 : i32 to vector<16xi32>
      %mul3A_322 = arith.muli %get3A_319, %mul3A_321 : vector<16xi32>
      %add3A_323 = vector.broadcast %arg0 : i32 to vector<16xi32>
      %add3A_324 = arith.addi %mul3A_322, %add3A_323 : vector<16xi32>
      %swap3A_325 = arith.index_cast %scan3A_275 : i32 to index
      %swap3A_326 = arith.constant 48 : index
      %swap3A_327 = tpu.vector_load %arg6[%swap3A_325, %swap3A_326] {strides = array<i32>} : memref<250x80xi32, #tpu.memory_space<vmem>>, vector<1x16xi32>,
      %swap3A_328 = vector.shape_cast %swap3A_327 : vector<1x16xi32> to vector<16xi32>
      %swap3A_329 = vector.shape_cast %add3A_324 : vector<16xi32> to vector<1x16xi32>
      tpu.vector_store %arg6[%swap3A_325, %swap3A_326], %swap3A_329 {strides = array<i32>} : memref<250x80xi32, #tpu.memory_space<vmem>>, vector<1x16xi32>,
      %get3A_330 = arith.index_cast %scan3A_275 : i32 to index
      %get3A_331 = arith.constant 64 : index
      %get3A_332 = tpu.vector_load %arg6[%get3A_330, %get3A_331] {strides = array<i32>} : memref<250x80xi32, #tpu.memory_space<vmem>>, vector<1x16xi32>,
      %get3A_333 = vector.shape_cast %get3A_332 : vector<1x16xi32> to vector<16xi32>
      %mul3A_334 = arith.constant 2 : i32
      %mul3A_335 = vector.broadcast %mul3A_334 : i32 to vector<16xi32>
      %mul3A_336 = arith.muli %get3A_333, %mul3A_335 : vector<16xi32>
      %add3A_337 = vector.broadcast %arg0 : i32 to vector<16xi32>
      %add3A_338 = arith.addi %mul3A_336, %add3A_337 : vector<16xi32>
      %swap3A_339 = arith.index_cast %scan3A_275 : i32 to index
      %swap3A_340 = arith.constant 64 : index
      %swap3A_341 = tpu.vector_load %arg6[%swap3A_339, %swap3A_340] {strides = array<i32>} : memref<250x80xi32, #tpu.memory_space<vmem>>, vector<1x16xi32>,
      %swap3A_342 = vector.shape_cast %swap3A_341 : vector<1x16xi32> to vector<16xi32>
      %swap3A_343 = vector.shape_cast %add3A_338 : vector<16xi32> to vector<1x16xi32>
      tpu.vector_store %arg6[%swap3A_339, %swap3A_340], %swap3A_343 {strides = array<i32>} : memref<250x80xi32, #tpu.memory_space<vmem>>, vector<1x16xi32>,
    }
    %scan3A_229 = arith.constant 250 : i32
    %barrier3A = arith.constant 0 : index
    tpu.barrier barrier_id(%barrier3A)
    %dma_start3A_230 = arith.constant 0 : i32
    %dma_start3A_231 = arith.constant 0 : i32
    %dma_start3A_232 = tpu.memref_slice %arg6[%dma_start3A_230, %dma_start3A_231] : memref<250x80xi32, #tpu.memory_space<vmem>> -> memref<1x80xi32, #tpu.memory_space<vmem>>
    %dma_start3A_233 = tpu.memref_squeeze %dma_start3A_232 : memref<1x80xi32, #tpu.memory_space<vmem>> -> memref<80xi32, #tpu.memory_space<vmem>>
    %dma_start3A_234 = arith.constant 0 : i32
    %dma_start3A_235 = arith.constant 0 : i32
    %dma_start3A_236 = tpu.memref_slice %arg2[%dma_start3A_234, %dma_start3A_235] : memref<20000x64xf32, #tpu.memory_space<hbm>> -> memref<20000x64xf32, #tpu.memory_space<hbm>>
    tpu.enqueue_indirect_dma source(%dma_start3A_236 : memref<20000x64xf32, #tpu.memory_space<hbm>>) target(%arg8 : memref<80x64xf32, #tpu.memory_space<vmem>>) offsets(%dma_start3A_233 : memref<80xi32, #tpu.memory_space<vmem>>) semaphore(%arg14 : memref<!tpu.dma_semaphore, #tpu.memory_space<semaphore_mem>>)
    %dma_start3A_237 = arith.constant 1 : i32
    %dma_start3A_238 = arith.constant 0 : i32
    %dma_start3A_239 = tpu.memref_slice %arg6[%dma_start3A_237, %dma_start3A_238] : memref<250x80xi32, #tpu.memory_space<vmem>> -> memref<1x80xi32, #tpu.memory_space<vmem>>
    %dma_start3A_240 = tpu.memref_squeeze %dma_start3A_239 : memref<1x80xi32, #tpu.memory_space<vmem>> -> memref<80xi32, #tpu.memory_space<vmem>>
    %dma_start3A_241 = arith.constant 0 : i32
    %dma_start3A_242 = arith.constant 0 : i32
    %dma_start3A_243 = tpu.memref_slice %arg2[%dma_start3A_241, %dma_start3A_242] : memref<20000x64xf32, #tpu.memory_space<hbm>> -> memref<20000x64xf32, #tpu.memory_space<hbm>>
    tpu.enqueue_indirect_dma source(%dma_start3A_243 : memref<20000x64xf32, #tpu.memory_space<hbm>>) target(%arg9 : memref<80x64xf32, #tpu.memory_space<vmem>>) offsets(%dma_start3A_240 : memref<80xi32, #tpu.memory_space<vmem>>) semaphore(%arg14 : memref<!tpu.dma_semaphore, #tpu.memory_space<semaphore_mem>>)
    %dma_start3A_244 = arith.constant 2 : i32
    %dma_start3A_245 = arith.constant 0 : i32
    %dma_start3A_246 = tpu.memref_slice %arg6[%dma_start3A_244, %dma_start3A_245] : memref<250x80xi32, #tpu.memory_space<vmem>> -> memref<1x80xi32, #tpu.memory_space<vmem>>
    %dma_start3A_247 = tpu.memref_squeeze %dma_start3A_246 : memref<1x80xi32, #tpu.memory_space<vmem>> -> memref<80xi32, #tpu.memory_space<vmem>>
    %dma_start3A_248 = arith.constant 0 : i32
    %dma_start3A_249 = arith.constant 0 : i32
    %dma_start3A_250 = tpu.memref_slice %arg2[%dma_start3A_248, %dma_start3A_249] : memref<20000x64xf32, #tpu.memory_space<hbm>> -> memref<20000x64xf32, #tpu.memory_space<hbm>>
    tpu.enqueue_indirect_dma source(%dma_start3A_250 : memref<20000x64xf32, #tpu.memory_space<hbm>>) target(%arg10 : memref<80x64xf32, #tpu.memory_space<vmem>>) offsets(%dma_start3A_247 : memref<80xi32, #tpu.memory_space<vmem>>) semaphore(%arg14 : memref<!tpu.dma_semaphore, #tpu.memory_space<semaphore_mem>>)
    %dma_start3A_251 = arith.constant 3 : i32
    %dma_start3A_252 = arith.constant 0 : i32
    %dma_start3A_253 = tpu.memref_slice %arg6[%dma_start3A_251, %dma_start3A_252] : memref<250x80xi32, #tpu.memory_space<vmem>> -> memref<1x80xi32, #tpu.memory_space<vmem>>
    %dma_start3A_254 = tpu.memref_squeeze %dma_start3A_253 : memref<1x80xi32, #tpu.memory_space<vmem>> -> memref<80xi32, #tpu.memory_space<vmem>>
    %dma_start3A_255 = arith.constant 0 : i32
    %dma_start3A_256 = arith.constant 0 : i32
    %dma_start3A_257 = tpu.memref_slice %arg2[%dma_start3A_255, %dma_start3A_256] : memref<20000x64xf32, #tpu.memory_space<hbm>> -> memref<20000x64xf32, #tpu.memory_space<hbm>>
    tpu.enqueue_indirect_dma source(%dma_start3A_257 : memref<20000x64xf32, #tpu.memory_space<hbm>>) target(%arg11 : memref<80x64xf32, #tpu.memory_space<vmem>>) offsets(%dma_start3A_254 : memref<80xi32, #tpu.memory_space<vmem>>) semaphore(%arg14 : memref<!tpu.dma_semaphore, #tpu.memory_space<semaphore_mem>>)
    %scan3A_258 = arith.constant 0 : i32
    %scan3A_259 = arith.constant 0 : i32
    %scan3A_260 = arith.constant 50 : i32
    %scan3A_261 = arith.addi %scan3A_259, %scan3A_260 : i32
    %scan3A_262 = arith.constant 1 : i32
    scf.for %scan3A_275 = %scan3A_259 to %scan3A_261 step %scan3A_262  : i32 {
      %mul3A_276 = arith.constant 5 : i32
      %mul3A_277 = arith.muli %scan3A_275, %mul3A_276 : i32
      %add3A_278 = arith.constant 0 : i32
      %add3A_279 = arith.addi %mul3A_277, %add3A_278 : i32
      %jit3A = arith.constant 1 : i32
      %div3A = arith.divsi %add3A_279, %jit3A : i32
      %sign3A = arith.constant 0 : i32
      %sign3A_280 = arith.cmpi sgt, %add3A_279, %sign3A : i32
      %sign3A_281 = arith.extui %sign3A_280 : i1 to i32
      %sign3A_282 = arith.constant 0 : i32
      %sign3A_283 = arith.cmpi slt, %add3A_279, %sign3A_282 : i32
      %sign3A_284 = arith.extui %sign3A_283 : i1 to i32
      %sign3A_285 = arith.subi %sign3A_281, %sign3A_284 : i32
      %sign3A_286 = arith.constant 0 : i32
      %sign3A_287 = arith.cmpi sgt, %jit3A, %sign3A_286 : i32
      %sign3A_288 = arith.extui %sign3A_287 : i1 to i32
      %sign3A_289 = arith.constant 0 : i32
      %sign3A_290 = arith.cmpi slt, %jit3A, %sign3A_289 : i32
      %sign3A_291 = arith.extui %sign3A_290 : i1 to i32
      %sign3A_292 = arith.subi %sign3A_288, %sign3A_291 : i32
      %ne3A = arith.cmpi ne, %sign3A_285, %sign3A_292 : i32
      %rem3A = arith.remsi %add3A_279, %jit3A : i32
      %ne3A_293 = arith.constant 0 : i32
      %ne3A_294 = arith.cmpi ne, %rem3A, %ne3A_293 : i32
      %and3A = arith.andi %ne3A, %ne3A_294 : i1
      %sub3A = arith.constant 1 : i32
      %sub3A_295 = arith.subi %div3A, %sub3A : i32
      %select_n3A = arith.select %and3A, %sub3A_295, %div3A : i32
      %dma_wait3A_296 = arith.constant 0 : i32
      %dma_wait3A_297 = tpu.memref_slice %arg6[%select_n3A, %dma_wait3A_296] : memref<250x80xi32, #tpu.memory_space<vmem>> -> memref<1x80xi32, #tpu.memory_space<vmem>>
      %dma_wait3A_298 = tpu.memref_squeeze %dma_wait3A_297 : memref<1x80xi32, #tpu.memory_space<vmem>> -> memref<80xi32, #tpu.memory_space<vmem>>
      %dma_wait3A_299 = arith.constant 0 : i32
      %dma_wait3A_300 = arith.constant 0 : i32
      %dma_wait3A_301 = tpu.memref_slice %arg2[%dma_wait3A_299, %dma_wait3A_300] : memref<20000x64xf32, #tpu.memory_space<hbm>> -> memref<20000x64xf32, #tpu.memory_space<hbm>>
      tpu.wait_indirect_dma semaphore(%arg14 : memref<!tpu.dma_semaphore, #tpu.memory_space<semaphore_mem>>) src(%dma_wait3A_301 : memref<20000x64xf32, #tpu.memory_space<hbm>>) dst(%arg8 : memref<80x64xf32, #tpu.memory_space<vmem>>)
      %dma_start3A_302 = arith.constant 0 : i32
      %dma_start3A_303 = tpu.memref_slice %arg7[%add3A_279, %dma_start3A_302] : memref<250x80xi32, #tpu.memory_space<vmem>> -> memref<1x80xi32, #tpu.memory_space<vmem>>
      %dma_start3A_304 = tpu.memref_squeeze %dma_start3A_303 : memref<1x80xi32, #tpu.memory_space<vmem>> -> memref<80xi32, #tpu.memory_space<vmem>>
      %dma_start3A_305 = arith.constant 0 : i32
      %dma_start3A_306 = arith.constant 0 : i32
      %dma_start3A_307 = tpu.memref_slice %arg17[%dma_start3A_305, %dma_start3A_306] : memref<10240x64xf32, #tpu.memory_space<vmem_shared>> -> memref<10240x64xf32, #tpu.memory_space<vmem_shared>>
      tpu.enqueue_indirect_dma source(%arg8 : memref<80x64xf32, #tpu.memory_space<vmem>>) target(%dma_start3A_307 : memref<10240x64xf32, #tpu.memory_space<vmem_shared>>) offsets(%dma_start3A_304 : memref<80xi32, #tpu.memory_space<vmem>>) semaphore(%arg15 : memref<!tpu.dma_semaphore, #tpu.memory_space<semaphore_mem>>) {add = true}
      %ge3A = arith.constant 1 : i32
      %ge3A_308 = arith.cmpi sge, %add3A_279, %ge3A : i32
      %convert_element_type3A = arith.extui %ge3A_308 : i1 to i32
      %cond3A = arith.constant 0 : i32
      %cond3A_309 = arith.cmpi ne, %convert_element_type3A, %cond3A : i32
      scf.if %cond3A_309 {
        %dma_wait3A_524 = arith.constant 0 : i32
        %dma_wait3A_525 = tpu.memref_slice %arg7[%add3A_279, %dma_wait3A_524] : memref<250x80xi32, #tpu.memory_space<vmem>> -> memref<1x80xi32, #tpu.memory_space<vmem>>
        %dma_wait3A_526 = tpu.memref_squeeze %dma_wait3A_525 : memref<1x80xi32, #tpu.memory_space<vmem>> -> memref<80xi32, #tpu.memory_space<vmem>>
        %dma_wait3A_527 = arith.constant 0 : i32
        %dma_wait3A_528 = arith.constant 0 : i32
        %dma_wait3A_529 = tpu.memref_slice %arg17[%dma_wait3A_527, %dma_wait3A_528] : memref<10240x64xf32, #tpu.memory_space<vmem_shared>> -> memref<10240x64xf32, #tpu.memory_space<vmem_shared>>
        tpu.wait_indirect_dma semaphore(%arg15 : memref<!tpu.dma_semaphore, #tpu.memory_space<semaphore_mem>>) src(%arg8 : memref<80x64xf32, #tpu.memory_space<vmem>>) dst(%dma_wait3A_529 : memref<10240x64xf32, #tpu.memory_space<vmem_shared>>)
      } else {
      }
      %add3A_310 = arith.constant 4 : i32
      %add3A_311 = arith.addi %add3A_279, %add3A_310 : i32
      %lt3A = arith.constant 250 : i32
      %lt3A_312 = arith.cmpi slt, %add3A_311, %lt3A : i32
      %convert_element_type3A_313 = arith.extui %lt3A_312 : i1 to i32
      %cond3A_314 = arith.constant 0 : i32
      %cond3A_315 = arith.cmpi ne, %convert_element_type3A_313, %cond3A_314 : i32
      scf.if %cond3A_315 {
        %add3A_524 = arith.constant 4 : i32
        %add3A_525 = arith.addi %add3A_279, %add3A_524 : i32
        %jit3A_526 = arith.constant 1 : i32
        %div3A_527 = arith.divsi %add3A_525, %jit3A_526 : i32
        %sign3A_528 = arith.constant 0 : i32
        %sign3A_529 = arith.cmpi sgt, %add3A_525, %sign3A_528 : i32
        %sign3A_530 = arith.extui %sign3A_529 : i1 to i32
        %sign3A_531 = arith.constant 0 : i32
        %sign3A_532 = arith.cmpi slt, %add3A_525, %sign3A_531 : i32
        %sign3A_533 = arith.extui %sign3A_532 : i1 to i32
        %sign3A_534 = arith.subi %sign3A_530, %sign3A_533 : i32
        %sign3A_535 = arith.constant 0 : i32
        %sign3A_536 = arith.cmpi sgt, %jit3A_526, %sign3A_535 : i32
        %sign3A_537 = arith.extui %sign3A_536 : i1 to i32
        %sign3A_538 = arith.constant 0 : i32
        %sign3A_539 = arith.cmpi slt, %jit3A_526, %sign3A_538 : i32
        %sign3A_540 = arith.extui %sign3A_539 : i1 to i32
        %sign3A_541 = arith.subi %sign3A_537, %sign3A_540 : i32
        %ne3A_542 = arith.cmpi ne, %sign3A_534, %sign3A_541 : i32
        %rem3A_543 = arith.remsi %add3A_525, %jit3A_526 : i32
        %ne3A_544 = arith.constant 0 : i32
        %ne3A_545 = arith.cmpi ne, %rem3A_543, %ne3A_544 : i32
        %and3A_546 = arith.andi %ne3A_542, %ne3A_545 : i1
        %sub3A_547 = arith.constant 1 : i32
        %sub3A_548 = arith.subi %div3A_527, %sub3A_547 : i32
        %select_n3A_549 = arith.select %and3A_546, %sub3A_548, %div3A_527 : i32
        %dma_start3A_550 = arith.constant 0 : i32
        %dma_start3A_551 = tpu.memref_slice %arg6[%select_n3A_549, %dma_start3A_550] : memref<250x80xi32, #tpu.memory_space<vmem>> -> memref<1x80xi32, #tpu.memory_space<vmem>>
        %dma_start3A_552 = tpu.memref_squeeze %dma_start3A_551 : memref<1x80xi32, #tpu.memory_space<vmem>> -> memref<80xi32, #tpu.memory_space<vmem>>
        %dma_start3A_553 = arith.constant 0 : i32
        %dma_start3A_554 = arith.constant 0 : i32
        %dma_start3A_555 = tpu.memref_slice %arg2[%dma_start3A_553, %dma_start3A_554] : memref<20000x64xf32, #tpu.memory_space<hbm>> -> memref<20000x64xf32, #tpu.memory_space<hbm>>
        tpu.enqueue_indirect_dma source(%dma_start3A_555 : memref<20000x64xf32, #tpu.memory_space<hbm>>) target(%arg12 : memref<80x64xf32, #tpu.memory_space<vmem>>) offsets(%dma_start3A_552 : memref<80xi32, #tpu.memory_space<vmem>>) semaphore(%arg14 : memref<!tpu.dma_semaphore, #tpu.memory_space<semaphore_mem>>)
      } else {
      }
      %mul3A_316 = arith.constant 5 : i32
      %mul3A_317 = arith.muli %scan3A_275, %mul3A_316 : i32
      %add3A_318 = arith.constant 1 : i32
      %add3A_319 = arith.addi %mul3A_317, %add3A_318 : i32
      %jit3A_320 = arith.constant 1 : i32
      %div3A_321 = arith.divsi %add3A_319, %jit3A_320 : i32
      %sign3A_322 = arith.constant 0 : i32
      %sign3A_323 = arith.cmpi sgt, %add3A_319, %sign3A_322 : i32
      %sign3A_324 = arith.extui %sign3A_323 : i1 to i32
      %sign3A_325 = arith.constant 0 : i32
      %sign3A_326 = arith.cmpi slt, %add3A_319, %sign3A_325 : i32
      %sign3A_327 = arith.extui %sign3A_326 : i1 to i32
      %sign3A_328 = arith.subi %sign3A_324, %sign3A_327 : i32
      %sign3A_329 = arith.constant 0 : i32
      %sign3A_330 = arith.cmpi sgt, %jit3A_320, %sign3A_329 : i32
      %sign3A_331 = arith.extui %sign3A_330 : i1 to i32
      %sign3A_332 = arith.constant 0 : i32
      %sign3A_333 = arith.cmpi slt, %jit3A_320, %sign3A_332 : i32
      %sign3A_334 = arith.extui %sign3A_333 : i1 to i32
      %sign3A_335 = arith.subi %sign3A_331, %sign3A_334 : i32
      %ne3A_336 = arith.cmpi ne, %sign3A_328, %sign3A_335 : i32
      %rem3A_337 = arith.remsi %add3A_319, %jit3A_320 : i32
      %ne3A_338 = arith.constant 0 : i32
      %ne3A_339 = arith.cmpi ne, %rem3A_337, %ne3A_338 : i32
      %and3A_340 = arith.andi %ne3A_336, %ne3A_339 : i1
      %sub3A_341 = arith.constant 1 : i32
      %sub3A_342 = arith.subi %div3A_321, %sub3A_341 : i32
      %select_n3A_343 = arith.select %and3A_340, %sub3A_342, %div3A_321 : i32
      %dma_wait3A_344 = arith.constant 0 : i32
      %dma_wait3A_345 = tpu.memref_slice %arg6[%select_n3A_343, %dma_wait3A_344] : memref<250x80xi32, #tpu.memory_space<vmem>> -> memref<1x80xi32, #tpu.memory_space<vmem>>
      %dma_wait3A_346 = tpu.memref_squeeze %dma_wait3A_345 : memref<1x80xi32, #tpu.memory_space<vmem>> -> memref<80xi32, #tpu.memory_space<vmem>>
      %dma_wait3A_347 = arith.constant 0 : i32
      %dma_wait3A_348 = arith.constant 0 : i32
      %dma_wait3A_349 = tpu.memref_slice %arg2[%dma_wait3A_347, %dma_wait3A_348] : memref<20000x64xf32, #tpu.memory_space<hbm>> -> memref<20000x64xf32, #tpu.memory_space<hbm>>
      tpu.wait_indirect_dma semaphore(%arg14 : memref<!tpu.dma_semaphore, #tpu.memory_space<semaphore_mem>>) src(%dma_wait3A_349 : memref<20000x64xf32, #tpu.memory_space<hbm>>) dst(%arg9 : memref<80x64xf32, #tpu.memory_space<vmem>>)
      %dma_start3A_350 = arith.constant 0 : i32
      %dma_start3A_351 = tpu.memref_slice %arg7[%add3A_319, %dma_start3A_350] : memref<250x80xi32, #tpu.memory_space<vmem>> -> memref<1x80xi32, #tpu.memory_space<vmem>>
      %dma_start3A_352 = tpu.memref_squeeze %dma_start3A_351 : memref<1x80xi32, #tpu.memory_space<vmem>> -> memref<80xi32, #tpu.memory_space<vmem>>
      %dma_start3A_353 = arith.constant 0 : i32
      %dma_start3A_354 = arith.constant 0 : i32
      %dma_start3A_355 = tpu.memref_slice %arg17[%dma_start3A_353, %dma_start3A_354] : memref<10240x64xf32, #tpu.memory_space<vmem_shared>> -> memref<10240x64xf32, #tpu.memory_space<vmem_shared>>
      tpu.enqueue_indirect_dma source(%arg9 : memref<80x64xf32, #tpu.memory_space<vmem>>) target(%dma_start3A_355 : memref<10240x64xf32, #tpu.memory_space<vmem_shared>>) offsets(%dma_start3A_352 : memref<80xi32, #tpu.memory_space<vmem>>) semaphore(%arg15 : memref<!tpu.dma_semaphore, #tpu.memory_space<semaphore_mem>>) {add = true}
      %ge3A_356 = arith.constant 1 : i32
      %ge3A_357 = arith.cmpi sge, %add3A_319, %ge3A_356 : i32
      %convert_element_type3A_358 = arith.extui %ge3A_357 : i1 to i32
      %cond3A_359 = arith.constant 0 : i32
      %cond3A_360 = arith.cmpi ne, %convert_element_type3A_358, %cond3A_359 : i32
      scf.if %cond3A_360 {
        %dma_wait3A_524 = arith.constant 0 : i32
        %dma_wait3A_525 = tpu.memref_slice %arg7[%add3A_319, %dma_wait3A_524] : memref<250x80xi32, #tpu.memory_space<vmem>> -> memref<1x80xi32, #tpu.memory_space<vmem>>
        %dma_wait3A_526 = tpu.memref_squeeze %dma_wait3A_525 : memref<1x80xi32, #tpu.memory_space<vmem>> -> memref<80xi32, #tpu.memory_space<vmem>>
        %dma_wait3A_527 = arith.constant 0 : i32
        %dma_wait3A_528 = arith.constant 0 : i32
        %dma_wait3A_529 = tpu.memref_slice %arg17[%dma_wait3A_527, %dma_wait3A_528] : memref<10240x64xf32, #tpu.memory_space<vmem_shared>> -> memref<10240x64xf32, #tpu.memory_space<vmem_shared>>
        tpu.wait_indirect_dma semaphore(%arg15 : memref<!tpu.dma_semaphore, #tpu.memory_space<semaphore_mem>>) src(%arg9 : memref<80x64xf32, #tpu.memory_space<vmem>>) dst(%dma_wait3A_529 : memref<10240x64xf32, #tpu.memory_space<vmem_shared>>)
      } else {
      }
      %add3A_361 = arith.constant 4 : i32
      %add3A_362 = arith.addi %add3A_319, %add3A_361 : i32
      %lt3A_363 = arith.constant 250 : i32
      %lt3A_364 = arith.cmpi slt, %add3A_362, %lt3A_363 : i32
      %convert_element_type3A_365 = arith.extui %lt3A_364 : i1 to i32
      %cond3A_366 = arith.constant 0 : i32
      %cond3A_367 = arith.cmpi ne, %convert_element_type3A_365, %cond3A_366 : i32
      scf.if %cond3A_367 {
        %add3A_524 = arith.constant 4 : i32
        %add3A_525 = arith.addi %add3A_319, %add3A_524 : i32
        %jit3A_526 = arith.constant 1 : i32
        %div3A_527 = arith.divsi %add3A_525, %jit3A_526 : i32
        %sign3A_528 = arith.constant 0 : i32
        %sign3A_529 = arith.cmpi sgt, %add3A_525, %sign3A_528 : i32
        %sign3A_530 = arith.extui %sign3A_529 : i1 to i32
        %sign3A_531 = arith.constant 0 : i32
        %sign3A_532 = arith.cmpi slt, %add3A_525, %sign3A_531 : i32
        %sign3A_533 = arith.extui %sign3A_532 : i1 to i32
        %sign3A_534 = arith.subi %sign3A_530, %sign3A_533 : i32
        %sign3A_535 = arith.constant 0 : i32
        %sign3A_536 = arith.cmpi sgt, %jit3A_526, %sign3A_535 : i32
        %sign3A_537 = arith.extui %sign3A_536 : i1 to i32
        %sign3A_538 = arith.constant 0 : i32
        %sign3A_539 = arith.cmpi slt, %jit3A_526, %sign3A_538 : i32
        %sign3A_540 = arith.extui %sign3A_539 : i1 to i32
        %sign3A_541 = arith.subi %sign3A_537, %sign3A_540 : i32
        %ne3A_542 = arith.cmpi ne, %sign3A_534, %sign3A_541 : i32
        %rem3A_543 = arith.remsi %add3A_525, %jit3A_526 : i32
        %ne3A_544 = arith.constant 0 : i32
        %ne3A_545 = arith.cmpi ne, %rem3A_543, %ne3A_544 : i32
        %and3A_546 = arith.andi %ne3A_542, %ne3A_545 : i1
        %sub3A_547 = arith.constant 1 : i32
        %sub3A_548 = arith.subi %div3A_527, %sub3A_547 : i32
        %select_n3A_549 = arith.select %and3A_546, %sub3A_548, %div3A_527 : i32
        %dma_start3A_550 = arith.constant 0 : i32
        %dma_start3A_551 = tpu.memref_slice %arg6[%select_n3A_549, %dma_start3A_550] : memref<250x80xi32, #tpu.memory_space<vmem>> -> memref<1x80xi32, #tpu.memory_space<vmem>>
        %dma_start3A_552 = tpu.memref_squeeze %dma_start3A_551 : memref<1x80xi32, #tpu.memory_space<vmem>> -> memref<80xi32, #tpu.memory_space<vmem>>
        %dma_start3A_553 = arith.constant 0 : i32
        %dma_start3A_554 = arith.constant 0 : i32
        %dma_start3A_555 = tpu.memref_slice %arg2[%dma_start3A_553, %dma_start3A_554] : memref<20000x64xf32, #tpu.memory_space<hbm>> -> memref<20000x64xf32, #tpu.memory_space<hbm>>
        tpu.enqueue_indirect_dma source(%dma_start3A_555 : memref<20000x64xf32, #tpu.memory_space<hbm>>) target(%arg8 : memref<80x64xf32, #tpu.memory_space<vmem>>) offsets(%dma_start3A_552 : memref<80xi32, #tpu.memory_space<vmem>>) semaphore(%arg14 : memref<!tpu.dma_semaphore, #tpu.memory_space<semaphore_mem>>)
      } else {
      }
      %mul3A_368 = arith.constant 5 : i32
      %mul3A_369 = arith.muli %scan3A_275, %mul3A_368 : i32
      %add3A_370 = arith.constant 2 : i32
      %add3A_371 = arith.addi %mul3A_369, %add3A_370 : i32
      %jit3A_372 = arith.constant 1 : i32
      %div3A_373 = arith.divsi %add3A_371, %jit3A_372 : i32
      %sign3A_374 = arith.constant 0 : i32
      %sign3A_375 = arith.cmpi sgt, %add3A_371, %sign3A_374 : i32
      %sign3A_376 = arith.extui %sign3A_375 : i1 to i32
      %sign3A_377 = arith.constant 0 : i32
      %sign3A_378 = arith.cmpi slt, %add3A_371, %sign3A_377 : i32
      %sign3A_379 = arith.extui %sign3A_378 : i1 to i32
      %sign3A_380 = arith.subi %sign3A_376, %sign3A_379 : i32
      %sign3A_381 = arith.constant 0 : i32
      %sign3A_382 = arith.cmpi sgt, %jit3A_372, %sign3A_381 : i32
      %sign3A_383 = arith.extui %sign3A_382 : i1 to i32
      %sign3A_384 = arith.constant 0 : i32
      %sign3A_385 = arith.cmpi slt, %jit3A_372, %sign3A_384 : i32
      %sign3A_386 = arith.extui %sign3A_385 : i1 to i32
      %sign3A_387 = arith.subi %sign3A_383, %sign3A_386 : i32
      %ne3A_388 = arith.cmpi ne, %sign3A_380, %sign3A_387 : i32
      %rem3A_389 = arith.remsi %add3A_371, %jit3A_372 : i32
      %ne3A_390 = arith.constant 0 : i32
      %ne3A_391 = arith.cmpi ne, %rem3A_389, %ne3A_390 : i32
      %and3A_392 = arith.andi %ne3A_388, %ne3A_391 : i1
      %sub3A_393 = arith.constant 1 : i32
      %sub3A_394 = arith.subi %div3A_373, %sub3A_393 : i32
      %select_n3A_395 = arith.select %and3A_392, %sub3A_394, %div3A_373 : i32
      %dma_wait3A_396 = arith.constant 0 : i32
      %dma_wait3A_397 = tpu.memref_slice %arg6[%select_n3A_395, %dma_wait3A_396] : memref<250x80xi32, #tpu.memory_space<vmem>> -> memref<1x80xi32, #tpu.memory_space<vmem>>
      %dma_wait3A_398 = tpu.memref_squeeze %dma_wait3A_397 : memref<1x80xi32, #tpu.memory_space<vmem>> -> memref<80xi32, #tpu.memory_space<vmem>>
      %dma_wait3A_399 = arith.constant 0 : i32
      %dma_wait3A_400 = arith.constant 0 : i32
      %dma_wait3A_401 = tpu.memref_slice %arg2[%dma_wait3A_399, %dma_wait3A_400] : memref<20000x64xf32, #tpu.memory_space<hbm>> -> memref<20000x64xf32, #tpu.memory_space<hbm>>
      tpu.wait_indirect_dma semaphore(%arg14 : memref<!tpu.dma_semaphore, #tpu.memory_space<semaphore_mem>>) src(%dma_wait3A_401 : memref<20000x64xf32, #tpu.memory_space<hbm>>) dst(%arg10 : memref<80x64xf32, #tpu.memory_space<vmem>>)
      %dma_start3A_402 = arith.constant 0 : i32
      %dma_start3A_403 = tpu.memref_slice %arg7[%add3A_371, %dma_start3A_402] : memref<250x80xi32, #tpu.memory_space<vmem>> -> memref<1x80xi32, #tpu.memory_space<vmem>>
      %dma_start3A_404 = tpu.memref_squeeze %dma_start3A_403 : memref<1x80xi32, #tpu.memory_space<vmem>> -> memref<80xi32, #tpu.memory_space<vmem>>
      %dma_start3A_405 = arith.constant 0 : i32
      %dma_start3A_406 = arith.constant 0 : i32
      %dma_start3A_407 = tpu.memref_slice %arg17[%dma_start3A_405, %dma_start3A_406] : memref<10240x64xf32, #tpu.memory_space<vmem_shared>> -> memref<10240x64xf32, #tpu.memory_space<vmem_shared>>
      tpu.enqueue_indirect_dma source(%arg10 : memref<80x64xf32, #tpu.memory_space<vmem>>) target(%dma_start3A_407 : memref<10240x64xf32, #tpu.memory_space<vmem_shared>>) offsets(%dma_start3A_404 : memref<80xi32, #tpu.memory_space<vmem>>) semaphore(%arg15 : memref<!tpu.dma_semaphore, #tpu.memory_space<semaphore_mem>>) {add = true}
      %ge3A_408 = arith.constant 1 : i32
      %ge3A_409 = arith.cmpi sge, %add3A_371, %ge3A_408 : i32
      %convert_element_type3A_410 = arith.extui %ge3A_409 : i1 to i32
      %cond3A_411 = arith.constant 0 : i32
      %cond3A_412 = arith.cmpi ne, %convert_element_type3A_410, %cond3A_411 : i32
      scf.if %cond3A_412 {
        %dma_wait3A_524 = arith.constant 0 : i32
        %dma_wait3A_525 = tpu.memref_slice %arg7[%add3A_371, %dma_wait3A_524] : memref<250x80xi32, #tpu.memory_space<vmem>> -> memref<1x80xi32, #tpu.memory_space<vmem>>
        %dma_wait3A_526 = tpu.memref_squeeze %dma_wait3A_525 : memref<1x80xi32, #tpu.memory_space<vmem>> -> memref<80xi32, #tpu.memory_space<vmem>>
        %dma_wait3A_527 = arith.constant 0 : i32
        %dma_wait3A_528 = arith.constant 0 : i32
        %dma_wait3A_529 = tpu.memref_slice %arg17[%dma_wait3A_527, %dma_wait3A_528] : memref<10240x64xf32, #tpu.memory_space<vmem_shared>> -> memref<10240x64xf32, #tpu.memory_space<vmem_shared>>
        tpu.wait_indirect_dma semaphore(%arg15 : memref<!tpu.dma_semaphore, #tpu.memory_space<semaphore_mem>>) src(%arg10 : memref<80x64xf32, #tpu.memory_space<vmem>>) dst(%dma_wait3A_529 : memref<10240x64xf32, #tpu.memory_space<vmem_shared>>)
      } else {
      }
      %add3A_413 = arith.constant 4 : i32
      %add3A_414 = arith.addi %add3A_371, %add3A_413 : i32
      %lt3A_415 = arith.constant 250 : i32
      %lt3A_416 = arith.cmpi slt, %add3A_414, %lt3A_415 : i32
      %convert_element_type3A_417 = arith.extui %lt3A_416 : i1 to i32
      %cond3A_418 = arith.constant 0 : i32
      %cond3A_419 = arith.cmpi ne, %convert_element_type3A_417, %cond3A_418 : i32
      scf.if %cond3A_419 {
        %add3A_524 = arith.constant 4 : i32
        %add3A_525 = arith.addi %add3A_371, %add3A_524 : i32
        %jit3A_526 = arith.constant 1 : i32
        %div3A_527 = arith.divsi %add3A_525, %jit3A_526 : i32
        %sign3A_528 = arith.constant 0 : i32
        %sign3A_529 = arith.cmpi sgt, %add3A_525, %sign3A_528 : i32
        %sign3A_530 = arith.extui %sign3A_529 : i1 to i32
        %sign3A_531 = arith.constant 0 : i32
        %sign3A_532 = arith.cmpi slt, %add3A_525, %sign3A_531 : i32
        %sign3A_533 = arith.extui %sign3A_532 : i1 to i32
        %sign3A_534 = arith.subi %sign3A_530, %sign3A_533 : i32
        %sign3A_535 = arith.constant 0 : i32
        %sign3A_536 = arith.cmpi sgt, %jit3A_526, %sign3A_535 : i32
        %sign3A_537 = arith.extui %sign3A_536 : i1 to i32
        %sign3A_538 = arith.constant 0 : i32
        %sign3A_539 = arith.cmpi slt, %jit3A_526, %sign3A_538 : i32
        %sign3A_540 = arith.extui %sign3A_539 : i1 to i32
        %sign3A_541 = arith.subi %sign3A_537, %sign3A_540 : i32
        %ne3A_542 = arith.cmpi ne, %sign3A_534, %sign3A_541 : i32
        %rem3A_543 = arith.remsi %add3A_525, %jit3A_526 : i32
        %ne3A_544 = arith.constant 0 : i32
        %ne3A_545 = arith.cmpi ne, %rem3A_543, %ne3A_544 : i32
        %and3A_546 = arith.andi %ne3A_542, %ne3A_545 : i1
        %sub3A_547 = arith.constant 1 : i32
        %sub3A_548 = arith.subi %div3A_527, %sub3A_547 : i32
        %select_n3A_549 = arith.select %and3A_546, %sub3A_548, %div3A_527 : i32
        %dma_start3A_550 = arith.constant 0 : i32
        %dma_start3A_551 = tpu.memref_slice %arg6[%select_n3A_549, %dma_start3A_550] : memref<250x80xi32, #tpu.memory_space<vmem>> -> memref<1x80xi32, #tpu.memory_space<vmem>>
        %dma_start3A_552 = tpu.memref_squeeze %dma_start3A_551 : memref<1x80xi32, #tpu.memory_space<vmem>> -> memref<80xi32, #tpu.memory_space<vmem>>
        %dma_start3A_553 = arith.constant 0 : i32
        %dma_start3A_554 = arith.constant 0 : i32
        %dma_start3A_555 = tpu.memref_slice %arg2[%dma_start3A_553, %dma_start3A_554] : memref<20000x64xf32, #tpu.memory_space<hbm>> -> memref<20000x64xf32, #tpu.memory_space<hbm>>
        tpu.enqueue_indirect_dma source(%dma_start3A_555 : memref<20000x64xf32, #tpu.memory_space<hbm>>) target(%arg9 : memref<80x64xf32, #tpu.memory_space<vmem>>) offsets(%dma_start3A_552 : memref<80xi32, #tpu.memory_space<vmem>>) semaphore(%arg14 : memref<!tpu.dma_semaphore, #tpu.memory_space<semaphore_mem>>)
      } else {
      }
      %mul3A_420 = arith.constant 5 : i32
      %mul3A_421 = arith.muli %scan3A_275, %mul3A_420 : i32
      %add3A_422 = arith.constant 3 : i32
      %add3A_423 = arith.addi %mul3A_421, %add3A_422 : i32
      %jit3A_424 = arith.constant 1 : i32
      %div3A_425 = arith.divsi %add3A_423, %jit3A_424 : i32
      %sign3A_426 = arith.constant 0 : i32
      %sign3A_427 = arith.cmpi sgt, %add3A_423, %sign3A_426 : i32
      %sign3A_428 = arith.extui %sign3A_427 : i1 to i32
      %sign3A_429 = arith.constant 0 : i32
      %sign3A_430 = arith.cmpi slt, %add3A_423, %sign3A_429 : i32
      %sign3A_431 = arith.extui %sign3A_430 : i1 to i32
      %sign3A_432 = arith.subi %sign3A_428, %sign3A_431 : i32
      %sign3A_433 = arith.constant 0 : i32
      %sign3A_434 = arith.cmpi sgt, %jit3A_424, %sign3A_433 : i32
      %sign3A_435 = arith.extui %sign3A_434 : i1 to i32
      %sign3A_436 = arith.constant 0 : i32
      %sign3A_437 = arith.cmpi slt, %jit3A_424, %sign3A_436 : i32
      %sign3A_438 = arith.extui %sign3A_437 : i1 to i32
      %sign3A_439 = arith.subi %sign3A_435, %sign3A_438 : i32
      %ne3A_440 = arith.cmpi ne, %sign3A_432, %sign3A_439 : i32
      %rem3A_441 = arith.remsi %add3A_423, %jit3A_424 : i32
      %ne3A_442 = arith.constant 0 : i32
      %ne3A_443 = arith.cmpi ne, %rem3A_441, %ne3A_442 : i32
      %and3A_444 = arith.andi %ne3A_440, %ne3A_443 : i1
      %sub3A_445 = arith.constant 1 : i32
      %sub3A_446 = arith.subi %div3A_425, %sub3A_445 : i32
      %select_n3A_447 = arith.select %and3A_444, %sub3A_446, %div3A_425 : i32
      %dma_wait3A_448 = arith.constant 0 : i32
      %dma_wait3A_449 = tpu.memref_slice %arg6[%select_n3A_447, %dma_wait3A_448] : memref<250x80xi32, #tpu.memory_space<vmem>> -> memref<1x80xi32, #tpu.memory_space<vmem>>
      %dma_wait3A_450 = tpu.memref_squeeze %dma_wait3A_449 : memref<1x80xi32, #tpu.memory_space<vmem>> -> memref<80xi32, #tpu.memory_space<vmem>>
      %dma_wait3A_451 = arith.constant 0 : i32
      %dma_wait3A_452 = arith.constant 0 : i32
      %dma_wait3A_453 = tpu.memref_slice %arg2[%dma_wait3A_451, %dma_wait3A_452] : memref<20000x64xf32, #tpu.memory_space<hbm>> -> memref<20000x64xf32, #tpu.memory_space<hbm>>
      tpu.wait_indirect_dma semaphore(%arg14 : memref<!tpu.dma_semaphore, #tpu.memory_space<semaphore_mem>>) src(%dma_wait3A_453 : memref<20000x64xf32, #tpu.memory_space<hbm>>) dst(%arg11 : memref<80x64xf32, #tpu.memory_space<vmem>>)
      %dma_start3A_454 = arith.constant 0 : i32
      %dma_start3A_455 = tpu.memref_slice %arg7[%add3A_423, %dma_start3A_454] : memref<250x80xi32, #tpu.memory_space<vmem>> -> memref<1x80xi32, #tpu.memory_space<vmem>>
      %dma_start3A_456 = tpu.memref_squeeze %dma_start3A_455 : memref<1x80xi32, #tpu.memory_space<vmem>> -> memref<80xi32, #tpu.memory_space<vmem>>
      %dma_start3A_457 = arith.constant 0 : i32
      %dma_start3A_458 = arith.constant 0 : i32
      %dma_start3A_459 = tpu.memref_slice %arg17[%dma_start3A_457, %dma_start3A_458] : memref<10240x64xf32, #tpu.memory_space<vmem_shared>> -> memref<10240x64xf32, #tpu.memory_space<vmem_shared>>
      tpu.enqueue_indirect_dma source(%arg11 : memref<80x64xf32, #tpu.memory_space<vmem>>) target(%dma_start3A_459 : memref<10240x64xf32, #tpu.memory_space<vmem_shared>>) offsets(%dma_start3A_456 : memref<80xi32, #tpu.memory_space<vmem>>) semaphore(%arg15 : memref<!tpu.dma_semaphore, #tpu.memory_space<semaphore_mem>>) {add = true}
      %ge3A_460 = arith.constant 1 : i32
      %ge3A_461 = arith.cmpi sge, %add3A_423, %ge3A_460 : i32
      %convert_element_type3A_462 = arith.extui %ge3A_461 : i1 to i32
      %cond3A_463 = arith.constant 0 : i32
      %cond3A_464 = arith.cmpi ne, %convert_element_type3A_462, %cond3A_463 : i32
      scf.if %cond3A_464 {
        %dma_wait3A_524 = arith.constant 0 : i32
        %dma_wait3A_525 = tpu.memref_slice %arg7[%add3A_423, %dma_wait3A_524] : memref<250x80xi32, #tpu.memory_space<vmem>> -> memref<1x80xi32, #tpu.memory_space<vmem>>
        %dma_wait3A_526 = tpu.memref_squeeze %dma_wait3A_525 : memref<1x80xi32, #tpu.memory_space<vmem>> -> memref<80xi32, #tpu.memory_space<vmem>>
        %dma_wait3A_527 = arith.constant 0 : i32
        %dma_wait3A_528 = arith.constant 0 : i32
        %dma_wait3A_529 = tpu.memref_slice %arg17[%dma_wait3A_527, %dma_wait3A_528] : memref<10240x64xf32, #tpu.memory_space<vmem_shared>> -> memref<10240x64xf32, #tpu.memory_space<vmem_shared>>
        tpu.wait_indirect_dma semaphore(%arg15 : memref<!tpu.dma_semaphore, #tpu.memory_space<semaphore_mem>>) src(%arg11 : memref<80x64xf32, #tpu.memory_space<vmem>>) dst(%dma_wait3A_529 : memref<10240x64xf32, #tpu.memory_space<vmem_shared>>)
      } else {
      }
      %add3A_465 = arith.constant 4 : i32
      %add3A_466 = arith.addi %add3A_423, %add3A_465 : i32
      %lt3A_467 = arith.constant 250 : i32
      %lt3A_468 = arith.cmpi slt, %add3A_466, %lt3A_467 : i32
      %convert_element_type3A_469 = arith.extui %lt3A_468 : i1 to i32
      %cond3A_470 = arith.constant 0 : i32
      %cond3A_471 = arith.cmpi ne, %convert_element_type3A_469, %cond3A_470 : i32
      scf.if %cond3A_471 {
        %add3A_524 = arith.constant 4 : i32
        %add3A_525 = arith.addi %add3A_423, %add3A_524 : i32
        %jit3A_526 = arith.constant 1 : i32
        %div3A_527 = arith.divsi %add3A_525, %jit3A_526 : i32
        %sign3A_528 = arith.constant 0 : i32
        %sign3A_529 = arith.cmpi sgt, %add3A_525, %sign3A_528 : i32
        %sign3A_530 = arith.extui %sign3A_529 : i1 to i32
        %sign3A_531 = arith.constant 0 : i32
        %sign3A_532 = arith.cmpi slt, %add3A_525, %sign3A_531 : i32
        %sign3A_533 = arith.extui %sign3A_532 : i1 to i32
        %sign3A_534 = arith.subi %sign3A_530, %sign3A_533 : i32
        %sign3A_535 = arith.constant 0 : i32
        %sign3A_536 = arith.cmpi sgt, %jit3A_526, %sign3A_535 : i32
        %sign3A_537 = arith.extui %sign3A_536 : i1 to i32
        %sign3A_538 = arith.constant 0 : i32
        %sign3A_539 = arith.cmpi slt, %jit3A_526, %sign3A_538 : i32
        %sign3A_540 = arith.extui %sign3A_539 : i1 to i32
        %sign3A_541 = arith.subi %sign3A_537, %sign3A_540 : i32
        %ne3A_542 = arith.cmpi ne, %sign3A_534, %sign3A_541 : i32
        %rem3A_543 = arith.remsi %add3A_525, %jit3A_526 : i32
        %ne3A_544 = arith.constant 0 : i32
        %ne3A_545 = arith.cmpi ne, %rem3A_543, %ne3A_544 : i32
        %and3A_546 = arith.andi %ne3A_542, %ne3A_545 : i1
        %sub3A_547 = arith.constant 1 : i32
        %sub3A_548 = arith.subi %div3A_527, %sub3A_547 : i32
        %select_n3A_549 = arith.select %and3A_546, %sub3A_548, %div3A_527 : i32
        %dma_start3A_550 = arith.constant 0 : i32
        %dma_start3A_551 = tpu.memref_slice %arg6[%select_n3A_549, %dma_start3A_550] : memref<250x80xi32, #tpu.memory_space<vmem>> -> memref<1x80xi32, #tpu.memory_space<vmem>>
        %dma_start3A_552 = tpu.memref_squeeze %dma_start3A_551 : memref<1x80xi32, #tpu.memory_space<vmem>> -> memref<80xi32, #tpu.memory_space<vmem>>
        %dma_start3A_553 = arith.constant 0 : i32
        %dma_start3A_554 = arith.constant 0 : i32
        %dma_start3A_555 = tpu.memref_slice %arg2[%dma_start3A_553, %dma_start3A_554] : memref<20000x64xf32, #tpu.memory_space<hbm>> -> memref<20000x64xf32, #tpu.memory_space<hbm>>
        tpu.enqueue_indirect_dma source(%dma_start3A_555 : memref<20000x64xf32, #tpu.memory_space<hbm>>) target(%arg10 : memref<80x64xf32, #tpu.memory_space<vmem>>) offsets(%dma_start3A_552 : memref<80xi32, #tpu.memory_space<vmem>>) semaphore(%arg14 : memref<!tpu.dma_semaphore, #tpu.memory_space<semaphore_mem>>)
      } else {
      }
      %mul3A_472 = arith.constant 5 : i32
      %mul3A_473 = arith.muli %scan3A_275, %mul3A_472 : i32
      %add3A_474 = arith.constant 4 : i32
      %add3A_475 = arith.addi %mul3A_473, %add3A_474 : i32
      %jit3A_476 = arith.constant 1 : i32
      %div3A_477 = arith.divsi %add3A_475, %jit3A_476 : i32
      %sign3A_478 = arith.constant 0 : i32
      %sign3A_479 = arith.cmpi sgt, %add3A_475, %sign3A_478 : i32
      %sign3A_480 = arith.extui %sign3A_479 : i1 to i32
      %sign3A_481 = arith.constant 0 : i32
      %sign3A_482 = arith.cmpi slt, %add3A_475, %sign3A_481 : i32
      %sign3A_483 = arith.extui %sign3A_482 : i1 to i32
      %sign3A_484 = arith.subi %sign3A_480, %sign3A_483 : i32
      %sign3A_485 = arith.constant 0 : i32
      %sign3A_486 = arith.cmpi sgt, %jit3A_476, %sign3A_485 : i32
      %sign3A_487 = arith.extui %sign3A_486 : i1 to i32
      %sign3A_488 = arith.constant 0 : i32
      %sign3A_489 = arith.cmpi slt, %jit3A_476, %sign3A_488 : i32
      %sign3A_490 = arith.extui %sign3A_489 : i1 to i32
      %sign3A_491 = arith.subi %sign3A_487, %sign3A_490 : i32
      %ne3A_492 = arith.cmpi ne, %sign3A_484, %sign3A_491 : i32
      %rem3A_493 = arith.remsi %add3A_475, %jit3A_476 : i32
      %ne3A_494 = arith.constant 0 : i32
      %ne3A_495 = arith.cmpi ne, %rem3A_493, %ne3A_494 : i32
      %and3A_496 = arith.andi %ne3A_492, %ne3A_495 : i1
      %sub3A_497 = arith.constant 1 : i32
      %sub3A_498 = arith.subi %div3A_477, %sub3A_497 : i32
      %select_n3A_499 = arith.select %and3A_496, %sub3A_498, %div3A_477 : i32
      %dma_wait3A_500 = arith.constant 0 : i32
      %dma_wait3A_501 = tpu.memref_slice %arg6[%select_n3A_499, %dma_wait3A_500] : memref<250x80xi32, #tpu.memory_space<vmem>> -> memref<1x80xi32, #tpu.memory_space<vmem>>
      %dma_wait3A_502 = tpu.memref_squeeze %dma_wait3A_501 : memref<1x80xi32, #tpu.memory_space<vmem>> -> memref<80xi32, #tpu.memory_space<vmem>>
      %dma_wait3A_503 = arith.constant 0 : i32
      %dma_wait3A_504 = arith.constant 0 : i32
      %dma_wait3A_505 = tpu.memref_slice %arg2[%dma_wait3A_503, %dma_wait3A_504] : memref<20000x64xf32, #tpu.memory_space<hbm>> -> memref<20000x64xf32, #tpu.memory_space<hbm>>
      tpu.wait_indirect_dma semaphore(%arg14 : memref<!tpu.dma_semaphore, #tpu.memory_space<semaphore_mem>>) src(%dma_wait3A_505 : memref<20000x64xf32, #tpu.memory_space<hbm>>) dst(%arg12 : memref<80x64xf32, #tpu.memory_space<vmem>>)
      %dma_start3A_506 = arith.constant 0 : i32
      %dma_start3A_507 = tpu.memref_slice %arg7[%add3A_475, %dma_start3A_506] : memref<250x80xi32, #tpu.memory_space<vmem>> -> memref<1x80xi32, #tpu.memory_space<vmem>>
      %dma_start3A_508 = tpu.memref_squeeze %dma_start3A_507 : memref<1x80xi32, #tpu.memory_space<vmem>> -> memref<80xi32, #tpu.memory_space<vmem>>
      %dma_start3A_509 = arith.constant 0 : i32
      %dma_start3A_510 = arith.constant 0 : i32
      %dma_start3A_511 = tpu.memref_slice %arg17[%dma_start3A_509, %dma_start3A_510] : memref<10240x64xf32, #tpu.memory_space<vmem_shared>> -> memref<10240x64xf32, #tpu.memory_space<vmem_shared>>
      tpu.enqueue_indirect_dma source(%arg12 : memref<80x64xf32, #tpu.memory_space<vmem>>) target(%dma_start3A_511 : memref<10240x64xf32, #tpu.memory_space<vmem_shared>>) offsets(%dma_start3A_508 : memref<80xi32, #tpu.memory_space<vmem>>) semaphore(%arg15 : memref<!tpu.dma_semaphore, #tpu.memory_space<semaphore_mem>>) {add = true}
      %ge3A_512 = arith.constant 1 : i32
      %ge3A_513 = arith.cmpi sge, %add3A_475, %ge3A_512 : i32
      %convert_element_type3A_514 = arith.extui %ge3A_513 : i1 to i32
      %cond3A_515 = arith.constant 0 : i32
      %cond3A_516 = arith.cmpi ne, %convert_element_type3A_514, %cond3A_515 : i32
      scf.if %cond3A_516 {
        %dma_wait3A_524 = arith.constant 0 : i32
        %dma_wait3A_525 = tpu.memref_slice %arg7[%add3A_475, %dma_wait3A_524] : memref<250x80xi32, #tpu.memory_space<vmem>> -> memref<1x80xi32, #tpu.memory_space<vmem>>
        %dma_wait3A_526 = tpu.memref_squeeze %dma_wait3A_525 : memref<1x80xi32, #tpu.memory_space<vmem>> -> memref<80xi32, #tpu.memory_space<vmem>>
        %dma_wait3A_527 = arith.constant 0 : i32
        %dma_wait3A_528 = arith.constant 0 : i32
        %dma_wait3A_529 = tpu.memref_slice %arg17[%dma_wait3A_527, %dma_wait3A_528] : memref<10240x64xf32, #tpu.memory_space<vmem_shared>> -> memref<10240x64xf32, #tpu.memory_space<vmem_shared>>
        tpu.wait_indirect_dma semaphore(%arg15 : memref<!tpu.dma_semaphore, #tpu.memory_space<semaphore_mem>>) src(%arg12 : memref<80x64xf32, #tpu.memory_space<vmem>>) dst(%dma_wait3A_529 : memref<10240x64xf32, #tpu.memory_space<vmem_shared>>)
      } else {
      }
      %add3A_517 = arith.constant 4 : i32
      %add3A_518 = arith.addi %add3A_475, %add3A_517 : i32
      %lt3A_519 = arith.constant 250 : i32
      %lt3A_520 = arith.cmpi slt, %add3A_518, %lt3A_519 : i32
      %convert_element_type3A_521 = arith.extui %lt3A_520 : i1 to i32
      %cond3A_522 = arith.constant 0 : i32
      %cond3A_523 = arith.cmpi ne, %convert_element_type3A_521, %cond3A_522 : i32
      scf.if %cond3A_523 {
        %add3A_524 = arith.constant 4 : i32
        %add3A_525 = arith.addi %add3A_475, %add3A_524 : i32
        %jit3A_526 = arith.constant 1 : i32
        %div3A_527 = arith.divsi %add3A_525, %jit3A_526 : i32
        %sign3A_528 = arith.constant 0 : i32
        %sign3A_529 = arith.cmpi sgt, %add3A_525, %sign3A_528 : i32
        %sign3A_530 = arith.extui %sign3A_529 : i1 to i32
        %sign3A_531 = arith.constant 0 : i32
        %sign3A_532 = arith.cmpi slt, %add3A_525, %sign3A_531 : i32
        %sign3A_533 = arith.extui %sign3A_532 : i1 to i32
        %sign3A_534 = arith.subi %sign3A_530, %sign3A_533 : i32
        %sign3A_535 = arith.constant 0 : i32
        %sign3A_536 = arith.cmpi sgt, %jit3A_526, %sign3A_535 : i32
        %sign3A_537 = arith.extui %sign3A_536 : i1 to i32
        %sign3A_538 = arith.constant 0 : i32
        %sign3A_539 = arith.cmpi slt, %jit3A_526, %sign3A_538 : i32
        %sign3A_540 = arith.extui %sign3A_539 : i1 to i32
        %sign3A_541 = arith.subi %sign3A_537, %sign3A_540 : i32
        %ne3A_542 = arith.cmpi ne, %sign3A_534, %sign3A_541 : i32
        %rem3A_543 = arith.remsi %add3A_525, %jit3A_526 : i32
        %ne3A_544 = arith.constant 0 : i32
        %ne3A_545 = arith.cmpi ne, %rem3A_543, %ne3A_544 : i32
        %and3A_546 = arith.andi %ne3A_542, %ne3A_545 : i1
        %sub3A_547 = arith.constant 1 : i32
        %sub3A_548 = arith.subi %div3A_527, %sub3A_547 : i32
        %select_n3A_549 = arith.select %and3A_546, %sub3A_548, %div3A_527 : i32
        %dma_start3A_550 = arith.constant 0 : i32
        %dma_start3A_551 = tpu.memref_slice %arg6[%select_n3A_549, %dma_start3A_550] : memref<250x80xi32, #tpu.memory_space<vmem>> -> memref<1x80xi32, #tpu.memory_space<vmem>>
        %dma_start3A_552 = tpu.memref_squeeze %dma_start3A_551 : memref<1x80xi32, #tpu.memory_space<vmem>> -> memref<80xi32, #tpu.memory_space<vmem>>
        %dma_start3A_553 = arith.constant 0 : i32
        %dma_start3A_554 = arith.constant 0 : i32
        %dma_start3A_555 = tpu.memref_slice %arg2[%dma_start3A_553, %dma_start3A_554] : memref<20000x64xf32, #tpu.memory_space<hbm>> -> memref<20000x64xf32, #tpu.memory_space<hbm>>
        tpu.enqueue_indirect_dma source(%dma_start3A_555 : memref<20000x64xf32, #tpu.memory_space<hbm>>) target(%arg11 : memref<80x64xf32, #tpu.memory_space<vmem>>) offsets(%dma_start3A_552 : memref<80xi32, #tpu.memory_space<vmem>>) semaphore(%arg14 : memref<!tpu.dma_semaphore, #tpu.memory_space<semaphore_mem>>)
      } else {
      }
    }
    %scan3A_263 = arith.constant 50 : i32
    %dma_wait3A_264 = arith.constant 0 : i32
    %dma_wait3A_265 = arith.constant 0 : i32
    %dma_wait3A_266 = tpu.memref_slice %arg7[%dma_wait3A_264, %dma_wait3A_265] : memref<250x80xi32, #tpu.memory_space<vmem>> -> memref<1x80xi32, #tpu.memory_space<vmem>>
    %dma_wait3A_267 = tpu.memref_squeeze %dma_wait3A_266 : memref<1x80xi32, #tpu.memory_space<vmem>> -> memref<80xi32, #tpu.memory_space<vmem>>
    %dma_wait3A_268 = arith.constant 0 : i32
    %dma_wait3A_269 = arith.constant 0 : i32
    %dma_wait3A_270 = tpu.memref_slice %arg17[%dma_wait3A_268, %dma_wait3A_269] : memref<10240x64xf32, #tpu.memory_space<vmem_shared>> -> memref<10240x64xf32, #tpu.memory_space<vmem_shared>>
    tpu.wait_indirect_dma semaphore(%arg15 : memref<!tpu.dma_semaphore, #tpu.memory_space<semaphore_mem>>) src(%arg8 : memref<80x64xf32, #tpu.memory_space<vmem>>) dst(%dma_wait3A_270 : memref<10240x64xf32, #tpu.memory_space<vmem_shared>>)
    %barrier3A_271 = arith.constant 0 : index
    tpu.barrier barrier_id(%barrier3A_271)
    %mul3A_272 = arith.constant 10240 : i32
    %mul3A_273 = arith.muli %arg0, %mul3A_272 : i32
    %add3A_274 = arith.addi %mul3A_273, %mul3A_17 : i32
    "tpu.region"() ({
      %run_scoped3A = tpu.sem_alloc : memref<!tpu.dma_semaphore, #tpu.memory_space<semaphore_mem>>
      %dma_start3A_275 = arith.constant 0 : i32
      %dma_start3A_276 = tpu.memref_slice %arg5[%add3A_274, %dma_start3A_275] : memref<20480x128xf32, #tpu.memory_space<hbm>> -> memref<640x64xf32, #tpu.memory_space<hbm>>
      %dma_start3A_277 = arith.constant 0 : i32
      %dma_start3A_278 = tpu.memref_slice %arg17[%mul3A_17, %dma_start3A_277] : memref<10240x64xf32, #tpu.memory_space<vmem_shared>> -> memref<640x64xf32, #tpu.memory_space<vmem_shared>>
      tpu.enqueue_dma source(%dma_start3A_278 : memref<640x64xf32, #tpu.memory_space<vmem_shared>>) target(%dma_start3A_276 : memref<640x64xf32, #tpu.memory_space<hbm>>) target_semaphore(%run_scoped3A : memref<!tpu.dma_semaphore, #tpu.memory_space<semaphore_mem>>)
      %dma_wait3A_279 = arith.constant 0 : i32
      %dma_wait3A_280 = tpu.memref_slice %arg5[%add3A_274, %dma_wait3A_279] : memref<20480x128xf32, #tpu.memory_space<hbm>> -> memref<640x64xf32, #tpu.memory_space<hbm>>
      %dma_wait3A_281 = arith.constant 0 : i32
      %dma_wait3A_282 = tpu.memref_slice %arg17[%mul3A_17, %dma_wait3A_281] : memref<10240x64xf32, #tpu.memory_space<vmem_shared>> -> memref<640x64xf32, #tpu.memory_space<vmem_shared>>
      tpu.wait_dma2 semaphore(%run_scoped3A : memref<!tpu.dma_semaphore, #tpu.memory_space<semaphore_mem>>) src(%dma_wait3A_282 : memref<640x64xf32, #tpu.memory_space<vmem_shared>>) dst(%dma_wait3A_280 : memref<640x64xf32, #tpu.memory_space<hbm>>)
      tpu.yield
    }) : () -> ()
    return
  }
}

#map = affine_map<(d0, d1) -> (0, 0)>
module attributes {stable_mosaic.version = 14 : i64} {
  func.func @_agg_body(%arg0: i32, %arg1: i32, %arg2: memref<20000x64xf32, #tpu.memory_space<hbm>>, %arg3: memref<4000x80xi32, #tpu.memory_space<hbm>>, %arg4: memref<4000x80xi32, #tpu.memory_space<hbm>>, %arg5: memref<20480x128xf32, #tpu.memory_space<hbm>>, %arg6: memref<20480x128xf32, #tpu.memory_space<hbm>>, %arg7: memref<250x80xi32, #tpu.memory_space<vmem>>, %arg8: memref<250x80xi32, #tpu.memory_space<vmem>>, %arg9: memref<80x64xf32, #tpu.memory_space<vmem>>, %arg10: memref<80x64xf32, #tpu.memory_space<vmem>>, %arg11: memref<80x64xf32, #tpu.memory_space<vmem>>, %arg12: memref<80x64xf32, #tpu.memory_space<vmem>>, %arg13: memref<80x64xf32, #tpu.memory_space<vmem>>, %arg14: memref<32x64xf32, #tpu.memory_space<vmem>>, %arg15: memref<160x16xf32, #tpu.memory_space<vmem>>, %arg16: memref<80x16xf32, #tpu.memory_space<vmem>>, %arg17: memref<!tpu.dma_semaphore, #tpu.memory_space<semaphore_mem>>, %arg18: memref<!tpu.dma_semaphore, #tpu.memory_space<semaphore_mem>>, %arg19: memref<!tpu.dma_semaphore, #tpu.memory_space<semaphore_mem>>, %arg20: memref<!tpu.dma_semaphore, #tpu.memory_space<semaphore_mem>>, %arg21: memref<10240x64xf32, #tpu.memory_space<vmem_shared>>, %arg22: memref<10240x16xf32, #tpu.memory_space<vmem_shared>>) attributes {dimension_semantics = [#tpu.dimension_semantics<core_parallel>, #tpu.dimension_semantics<subcore_parallel>], iteration_bounds = array<i64: 2, 16>, scalar_prefetch = 0 : i64, scratch_operands = 16 : i64, tpu.core_type = #tpu.core_type<sc_vector_subcore>, window_params = [{transform_indices = #map}, {transform_indices = #map}, {transform_indices = #map}, {transform_indices = #map}, {transform_indices = #map}]} {
    %mul3A = arith.constant 250 : i32
    %mul3A_0 = arith.muli %arg1, %mul3A : i32
    %dma_start3A = arith.constant 0 : i32
    %dma_start3A_1 = tpu.memref_slice %arg3[%mul3A_0, %dma_start3A] : memref<4000x80xi32, #tpu.memory_space<hbm>> -> memref<250x80xi32, #tpu.memory_space<hbm>>
    %dma_start3A_2 = arith.constant 0 : i32
    %dma_start3A_3 = tpu.memref_slice %arg3[%mul3A_0, %dma_start3A_2] : memref<4000x80xi32, #tpu.memory_space<hbm>> -> memref<250x80xi32, #tpu.memory_space<hbm>>
    tpu.enqueue_dma source(%dma_start3A_3 : memref<250x80xi32, #tpu.memory_space<hbm>>) target(%arg7 : memref<250x80xi32, #tpu.memory_space<vmem>>) target_semaphore(%arg20 : memref<!tpu.dma_semaphore, #tpu.memory_space<semaphore_mem>>)
    %mul3A_4 = arith.constant 250 : i32
    %mul3A_5 = arith.muli %arg1, %mul3A_4 : i32
    %dma_start3A_6 = arith.constant 0 : i32
    %dma_start3A_7 = tpu.memref_slice %arg4[%mul3A_5, %dma_start3A_6] : memref<4000x80xi32, #tpu.memory_space<hbm>> -> memref<250x80xi32, #tpu.memory_space<hbm>>
    %dma_start3A_8 = arith.constant 0 : i32
    %dma_start3A_9 = tpu.memref_slice %arg4[%mul3A_5, %dma_start3A_8] : memref<4000x80xi32, #tpu.memory_space<hbm>> -> memref<250x80xi32, #tpu.memory_space<hbm>>
    tpu.enqueue_dma source(%dma_start3A_9 : memref<250x80xi32, #tpu.memory_space<hbm>>) target(%arg8 : memref<250x80xi32, #tpu.memory_space<vmem>>) target_semaphore(%arg20 : memref<!tpu.dma_semaphore, #tpu.memory_space<semaphore_mem>>)
    %broadcast_in_dim3A = arith.constant 0.000000e+00 : f32
    %broadcast_in_dim3A_10 = vector.broadcast %broadcast_in_dim3A : f32 to vector<16xf32>
    %scan3A = arith.constant 0 : i32
    %scan3A_11 = arith.constant 0 : i32
    %scan3A_12 = arith.constant 32 : i32
    %scan3A_13 = arith.addi %scan3A_11, %scan3A_12 : i32
    %scan3A_14 = arith.constant 1 : i32
    scf.for %scan3A_339 = %scan3A_11 to %scan3A_13 step %scan3A_14  : i32 {
      %swap3A = arith.index_cast %scan3A_339 : i32 to index
      %swap3A_340 = arith.constant 0 : index
      %swap3A_341 = tpu.vector_load %arg14[%swap3A, %swap3A_340] {strides = array<i32>} : memref<32x64xf32, #tpu.memory_space<vmem>>, vector<1x16xf32>,
      %swap3A_342 = vector.shape_cast %swap3A_341 : vector<1x16xf32> to vector<16xf32>
      %swap3A_343 = vector.shape_cast %broadcast_in_dim3A_10 : vector<16xf32> to vector<1x16xf32>
      tpu.vector_store %arg14[%swap3A, %swap3A_340], %swap3A_343 {strides = array<i32>} : memref<32x64xf32, #tpu.memory_space<vmem>>, vector<1x16xf32>,
      %swap3A_344 = arith.index_cast %scan3A_339 : i32 to index
      %swap3A_345 = arith.constant 16 : index
      %swap3A_346 = tpu.vector_load %arg14[%swap3A_344, %swap3A_345] {strides = array<i32>} : memref<32x64xf32, #tpu.memory_space<vmem>>, vector<1x16xf32>,
      %swap3A_347 = vector.shape_cast %swap3A_346 : vector<1x16xf32> to vector<16xf32>
      %swap3A_348 = vector.shape_cast %broadcast_in_dim3A_10 : vector<16xf32> to vector<1x16xf32>
      tpu.vector_store %arg14[%swap3A_344, %swap3A_345], %swap3A_348 {strides = array<i32>} : memref<32x64xf32, #tpu.memory_space<vmem>>, vector<1x16xf32>,
      %swap3A_349 = arith.index_cast %scan3A_339 : i32 to index
      %swap3A_350 = arith.constant 32 : index
      %swap3A_351 = tpu.vector_load %arg14[%swap3A_349, %swap3A_350] {strides = array<i32>} : memref<32x64xf32, #tpu.memory_space<vmem>>, vector<1x16xf32>,
      %swap3A_352 = vector.shape_cast %swap3A_351 : vector<1x16xf32> to vector<16xf32>
      %swap3A_353 = vector.shape_cast %broadcast_in_dim3A_10 : vector<16xf32> to vector<1x16xf32>
      tpu.vector_store %arg14[%swap3A_349, %swap3A_350], %swap3A_353 {strides = array<i32>} : memref<32x64xf32, #tpu.memory_space<vmem>>, vector<1x16xf32>,
      %swap3A_354 = arith.index_cast %scan3A_339 : i32 to index
      %swap3A_355 = arith.constant 48 : index
      %swap3A_356 = tpu.vector_load %arg14[%swap3A_354, %swap3A_355] {strides = array<i32>} : memref<32x64xf32, #tpu.memory_space<vmem>>, vector<1x16xf32>,
      %swap3A_357 = vector.shape_cast %swap3A_356 : vector<1x16xf32> to vector<16xf32>
      %swap3A_358 = vector.shape_cast %broadcast_in_dim3A_10 : vector<16xf32> to vector<1x16xf32>
      tpu.vector_store %arg14[%swap3A_354, %swap3A_355], %swap3A_358 {strides = array<i32>} : memref<32x64xf32, #tpu.memory_space<vmem>>, vector<1x16xf32>,
    }
    %scan3A_15 = arith.constant 32 : i32
    %mul3A_16 = arith.constant 640 : i32
    %mul3A_17 = arith.muli %arg1, %mul3A_16 : i32
    %add3A = arith.constant 0 : i32
    %add3A_18 = arith.addi %mul3A_17, %add3A : i32
    %dma_start3A_19 = arith.constant 0 : i32
    %dma_start3A_20 = tpu.memref_slice %arg21[%add3A_18, %dma_start3A_19] : memref<10240x64xf32, #tpu.memory_space<vmem_shared>> -> memref<32x64xf32, #tpu.memory_space<vmem_shared>>
    %dma_start3A_21 = arith.constant 0 : i32
    %dma_start3A_22 = tpu.memref_slice %arg21[%add3A_18, %dma_start3A_21] : memref<10240x64xf32, #tpu.memory_space<vmem_shared>> -> memref<32x64xf32, #tpu.memory_space<vmem_shared>>
    tpu.enqueue_dma source(%arg14 : memref<32x64xf32, #tpu.memory_space<vmem>>) target(%dma_start3A_22 : memref<32x64xf32, #tpu.memory_space<vmem_shared>>) target_semaphore(%arg18 : memref<!tpu.dma_semaphore, #tpu.memory_space<semaphore_mem>>)
    %add3A_23 = arith.constant 32 : i32
    %add3A_24 = arith.addi %mul3A_17, %add3A_23 : i32
    %dma_start3A_25 = arith.constant 0 : i32
    %dma_start3A_26 = tpu.memref_slice %arg21[%add3A_24, %dma_start3A_25] : memref<10240x64xf32, #tpu.memory_space<vmem_shared>> -> memref<32x64xf32, #tpu.memory_space<vmem_shared>>
    %dma_start3A_27 = arith.constant 0 : i32
    %dma_start3A_28 = tpu.memref_slice %arg21[%add3A_24, %dma_start3A_27] : memref<10240x64xf32, #tpu.memory_space<vmem_shared>> -> memref<32x64xf32, #tpu.memory_space<vmem_shared>>
    tpu.enqueue_dma source(%arg14 : memref<32x64xf32, #tpu.memory_space<vmem>>) target(%dma_start3A_28 : memref<32x64xf32, #tpu.memory_space<vmem_shared>>) target_semaphore(%arg18 : memref<!tpu.dma_semaphore, #tpu.memory_space<semaphore_mem>>)
    %add3A_29 = arith.constant 64 : i32
    %add3A_30 = arith.addi %mul3A_17, %add3A_29 : i32
    %dma_start3A_31 = arith.constant 0 : i32
    %dma_start3A_32 = tpu.memref_slice %arg21[%add3A_30, %dma_start3A_31] : memref<10240x64xf32, #tpu.memory_space<vmem_shared>> -> memref<32x64xf32, #tpu.memory_space<vmem_shared>>
    %dma_start3A_33 = arith.constant 0 : i32
    %dma_start3A_34 = tpu.memref_slice %arg21[%add3A_30, %dma_start3A_33] : memref<10240x64xf32, #tpu.memory_space<vmem_shared>> -> memref<32x64xf32, #tpu.memory_space<vmem_shared>>
    tpu.enqueue_dma source(%arg14 : memref<32x64xf32, #tpu.memory_space<vmem>>) target(%dma_start3A_34 : memref<32x64xf32, #tpu.memory_space<vmem_shared>>) target_semaphore(%arg18 : memref<!tpu.dma_semaphore, #tpu.memory_space<semaphore_mem>>)
    %add3A_35 = arith.constant 96 : i32
    %add3A_36 = arith.addi %mul3A_17, %add3A_35 : i32
    %dma_start3A_37 = arith.constant 0 : i32
    %dma_start3A_38 = tpu.memref_slice %arg21[%add3A_36, %dma_start3A_37] : memref<10240x64xf32, #tpu.memory_space<vmem_shared>> -> memref<32x64xf32, #tpu.memory_space<vmem_shared>>
    %dma_start3A_39 = arith.constant 0 : i32
    %dma_start3A_40 = tpu.memref_slice %arg21[%add3A_36, %dma_start3A_39] : memref<10240x64xf32, #tpu.memory_space<vmem_shared>> -> memref<32x64xf32, #tpu.memory_space<vmem_shared>>
    tpu.enqueue_dma source(%arg14 : memref<32x64xf32, #tpu.memory_space<vmem>>) target(%dma_start3A_40 : memref<32x64xf32, #tpu.memory_space<vmem_shared>>) target_semaphore(%arg18 : memref<!tpu.dma_semaphore, #tpu.memory_space<semaphore_mem>>)
    %add3A_41 = arith.constant 128 : i32
    %add3A_42 = arith.addi %mul3A_17, %add3A_41 : i32
    %dma_start3A_43 = arith.constant 0 : i32
    %dma_start3A_44 = tpu.memref_slice %arg21[%add3A_42, %dma_start3A_43] : memref<10240x64xf32, #tpu.memory_space<vmem_shared>> -> memref<32x64xf32, #tpu.memory_space<vmem_shared>>
    %dma_start3A_45 = arith.constant 0 : i32
    %dma_start3A_46 = tpu.memref_slice %arg21[%add3A_42, %dma_start3A_45] : memref<10240x64xf32, #tpu.memory_space<vmem_shared>> -> memref<32x64xf32, #tpu.memory_space<vmem_shared>>
    tpu.enqueue_dma source(%arg14 : memref<32x64xf32, #tpu.memory_space<vmem>>) target(%dma_start3A_46 : memref<32x64xf32, #tpu.memory_space<vmem_shared>>) target_semaphore(%arg18 : memref<!tpu.dma_semaphore, #tpu.memory_space<semaphore_mem>>)
    %add3A_47 = arith.constant 160 : i32
    %add3A_48 = arith.addi %mul3A_17, %add3A_47 : i32
    %dma_start3A_49 = arith.constant 0 : i32
    %dma_start3A_50 = tpu.memref_slice %arg21[%add3A_48, %dma_start3A_49] : memref<10240x64xf32, #tpu.memory_space<vmem_shared>> -> memref<32x64xf32, #tpu.memory_space<vmem_shared>>
    %dma_start3A_51 = arith.constant 0 : i32
    %dma_start3A_52 = tpu.memref_slice %arg21[%add3A_48, %dma_start3A_51] : memref<10240x64xf32, #tpu.memory_space<vmem_shared>> -> memref<32x64xf32, #tpu.memory_space<vmem_shared>>
    tpu.enqueue_dma source(%arg14 : memref<32x64xf32, #tpu.memory_space<vmem>>) target(%dma_start3A_52 : memref<32x64xf32, #tpu.memory_space<vmem_shared>>) target_semaphore(%arg18 : memref<!tpu.dma_semaphore, #tpu.memory_space<semaphore_mem>>)
    %add3A_53 = arith.constant 192 : i32
    %add3A_54 = arith.addi %mul3A_17, %add3A_53 : i32
    %dma_start3A_55 = arith.constant 0 : i32
    %dma_start3A_56 = tpu.memref_slice %arg21[%add3A_54, %dma_start3A_55] : memref<10240x64xf32, #tpu.memory_space<vmem_shared>> -> memref<32x64xf32, #tpu.memory_space<vmem_shared>>
    %dma_start3A_57 = arith.constant 0 : i32
    %dma_start3A_58 = tpu.memref_slice %arg21[%add3A_54, %dma_start3A_57] : memref<10240x64xf32, #tpu.memory_space<vmem_shared>> -> memref<32x64xf32, #tpu.memory_space<vmem_shared>>
    tpu.enqueue_dma source(%arg14 : memref<32x64xf32, #tpu.memory_space<vmem>>) target(%dma_start3A_58 : memref<32x64xf32, #tpu.memory_space<vmem_shared>>) target_semaphore(%arg18 : memref<!tpu.dma_semaphore, #tpu.memory_space<semaphore_mem>>)
    %add3A_59 = arith.constant 224 : i32
    %add3A_60 = arith.addi %mul3A_17, %add3A_59 : i32
    %dma_start3A_61 = arith.constant 0 : i32
    %dma_start3A_62 = tpu.memref_slice %arg21[%add3A_60, %dma_start3A_61] : memref<10240x64xf32, #tpu.memory_space<vmem_shared>> -> memref<32x64xf32, #tpu.memory_space<vmem_shared>>
    %dma_start3A_63 = arith.constant 0 : i32
    %dma_start3A_64 = tpu.memref_slice %arg21[%add3A_60, %dma_start3A_63] : memref<10240x64xf32, #tpu.memory_space<vmem_shared>> -> memref<32x64xf32, #tpu.memory_space<vmem_shared>>
    tpu.enqueue_dma source(%arg14 : memref<32x64xf32, #tpu.memory_space<vmem>>) target(%dma_start3A_64 : memref<32x64xf32, #tpu.memory_space<vmem_shared>>) target_semaphore(%arg18 : memref<!tpu.dma_semaphore, #tpu.memory_space<semaphore_mem>>)
    %add3A_65 = arith.constant 256 : i32
    %add3A_66 = arith.addi %mul3A_17, %add3A_65 : i32
    %dma_start3A_67 = arith.constant 0 : i32
    %dma_start3A_68 = tpu.memref_slice %arg21[%add3A_66, %dma_start3A_67] : memref<10240x64xf32, #tpu.memory_space<vmem_shared>> -> memref<32x64xf32, #tpu.memory_space<vmem_shared>>
    %dma_start3A_69 = arith.constant 0 : i32
    %dma_start3A_70 = tpu.memref_slice %arg21[%add3A_66, %dma_start3A_69] : memref<10240x64xf32, #tpu.memory_space<vmem_shared>> -> memref<32x64xf32, #tpu.memory_space<vmem_shared>>
    tpu.enqueue_dma source(%arg14 : memref<32x64xf32, #tpu.memory_space<vmem>>) target(%dma_start3A_70 : memref<32x64xf32, #tpu.memory_space<vmem_shared>>) target_semaphore(%arg18 : memref<!tpu.dma_semaphore, #tpu.memory_space<semaphore_mem>>)
    %add3A_71 = arith.constant 288 : i32
    %add3A_72 = arith.addi %mul3A_17, %add3A_71 : i32
    %dma_start3A_73 = arith.constant 0 : i32
    %dma_start3A_74 = tpu.memref_slice %arg21[%add3A_72, %dma_start3A_73] : memref<10240x64xf32, #tpu.memory_space<vmem_shared>> -> memref<32x64xf32, #tpu.memory_space<vmem_shared>>
    %dma_start3A_75 = arith.constant 0 : i32
    %dma_start3A_76 = tpu.memref_slice %arg21[%add3A_72, %dma_start3A_75] : memref<10240x64xf32, #tpu.memory_space<vmem_shared>> -> memref<32x64xf32, #tpu.memory_space<vmem_shared>>
    tpu.enqueue_dma source(%arg14 : memref<32x64xf32, #tpu.memory_space<vmem>>) target(%dma_start3A_76 : memref<32x64xf32, #tpu.memory_space<vmem_shared>>) target_semaphore(%arg18 : memref<!tpu.dma_semaphore, #tpu.memory_space<semaphore_mem>>)
    %add3A_77 = arith.constant 320 : i32
    %add3A_78 = arith.addi %mul3A_17, %add3A_77 : i32
    %dma_start3A_79 = arith.constant 0 : i32
    %dma_start3A_80 = tpu.memref_slice %arg21[%add3A_78, %dma_start3A_79] : memref<10240x64xf32, #tpu.memory_space<vmem_shared>> -> memref<32x64xf32, #tpu.memory_space<vmem_shared>>
    %dma_start3A_81 = arith.constant 0 : i32
    %dma_start3A_82 = tpu.memref_slice %arg21[%add3A_78, %dma_start3A_81] : memref<10240x64xf32, #tpu.memory_space<vmem_shared>> -> memref<32x64xf32, #tpu.memory_space<vmem_shared>>
    tpu.enqueue_dma source(%arg14 : memref<32x64xf32, #tpu.memory_space<vmem>>) target(%dma_start3A_82 : memref<32x64xf32, #tpu.memory_space<vmem_shared>>) target_semaphore(%arg18 : memref<!tpu.dma_semaphore, #tpu.memory_space<semaphore_mem>>)
    %add3A_83 = arith.constant 352 : i32
    %add3A_84 = arith.addi %mul3A_17, %add3A_83 : i32
    %dma_start3A_85 = arith.constant 0 : i32
    %dma_start3A_86 = tpu.memref_slice %arg21[%add3A_84, %dma_start3A_85] : memref<10240x64xf32, #tpu.memory_space<vmem_shared>> -> memref<32x64xf32, #tpu.memory_space<vmem_shared>>
    %dma_start3A_87 = arith.constant 0 : i32
    %dma_start3A_88 = tpu.memref_slice %arg21[%add3A_84, %dma_start3A_87] : memref<10240x64xf32, #tpu.memory_space<vmem_shared>> -> memref<32x64xf32, #tpu.memory_space<vmem_shared>>
    tpu.enqueue_dma source(%arg14 : memref<32x64xf32, #tpu.memory_space<vmem>>) target(%dma_start3A_88 : memref<32x64xf32, #tpu.memory_space<vmem_shared>>) target_semaphore(%arg18 : memref<!tpu.dma_semaphore, #tpu.memory_space<semaphore_mem>>)
    %add3A_89 = arith.constant 384 : i32
    %add3A_90 = arith.addi %mul3A_17, %add3A_89 : i32
    %dma_start3A_91 = arith.constant 0 : i32
    %dma_start3A_92 = tpu.memref_slice %arg21[%add3A_90, %dma_start3A_91] : memref<10240x64xf32, #tpu.memory_space<vmem_shared>> -> memref<32x64xf32, #tpu.memory_space<vmem_shared>>
    %dma_start3A_93 = arith.constant 0 : i32
    %dma_start3A_94 = tpu.memref_slice %arg21[%add3A_90, %dma_start3A_93] : memref<10240x64xf32, #tpu.memory_space<vmem_shared>> -> memref<32x64xf32, #tpu.memory_space<vmem_shared>>
    tpu.enqueue_dma source(%arg14 : memref<32x64xf32, #tpu.memory_space<vmem>>) target(%dma_start3A_94 : memref<32x64xf32, #tpu.memory_space<vmem_shared>>) target_semaphore(%arg18 : memref<!tpu.dma_semaphore, #tpu.memory_space<semaphore_mem>>)
    %add3A_95 = arith.constant 416 : i32
    %add3A_96 = arith.addi %mul3A_17, %add3A_95 : i32
    %dma_start3A_97 = arith.constant 0 : i32
    %dma_start3A_98 = tpu.memref_slice %arg21[%add3A_96, %dma_start3A_97] : memref<10240x64xf32, #tpu.memory_space<vmem_shared>> -> memref<32x64xf32, #tpu.memory_space<vmem_shared>>
    %dma_start3A_99 = arith.constant 0 : i32
    %dma_start3A_100 = tpu.memref_slice %arg21[%add3A_96, %dma_start3A_99] : memref<10240x64xf32, #tpu.memory_space<vmem_shared>> -> memref<32x64xf32, #tpu.memory_space<vmem_shared>>
    tpu.enqueue_dma source(%arg14 : memref<32x64xf32, #tpu.memory_space<vmem>>) target(%dma_start3A_100 : memref<32x64xf32, #tpu.memory_space<vmem_shared>>) target_semaphore(%arg18 : memref<!tpu.dma_semaphore, #tpu.memory_space<semaphore_mem>>)
    %add3A_101 = arith.constant 448 : i32
    %add3A_102 = arith.addi %mul3A_17, %add3A_101 : i32
    %dma_start3A_103 = arith.constant 0 : i32
    %dma_start3A_104 = tpu.memref_slice %arg21[%add3A_102, %dma_start3A_103] : memref<10240x64xf32, #tpu.memory_space<vmem_shared>> -> memref<32x64xf32, #tpu.memory_space<vmem_shared>>
    %dma_start3A_105 = arith.constant 0 : i32
    %dma_start3A_106 = tpu.memref_slice %arg21[%add3A_102, %dma_start3A_105] : memref<10240x64xf32, #tpu.memory_space<vmem_shared>> -> memref<32x64xf32, #tpu.memory_space<vmem_shared>>
    tpu.enqueue_dma source(%arg14 : memref<32x64xf32, #tpu.memory_space<vmem>>) target(%dma_start3A_106 : memref<32x64xf32, #tpu.memory_space<vmem_shared>>) target_semaphore(%arg18 : memref<!tpu.dma_semaphore, #tpu.memory_space<semaphore_mem>>)
    %add3A_107 = arith.constant 480 : i32
    %add3A_108 = arith.addi %mul3A_17, %add3A_107 : i32
    %dma_start3A_109 = arith.constant 0 : i32
    %dma_start3A_110 = tpu.memref_slice %arg21[%add3A_108, %dma_start3A_109] : memref<10240x64xf32, #tpu.memory_space<vmem_shared>> -> memref<32x64xf32, #tpu.memory_space<vmem_shared>>
    %dma_start3A_111 = arith.constant 0 : i32
    %dma_start3A_112 = tpu.memref_slice %arg21[%add3A_108, %dma_start3A_111] : memref<10240x64xf32, #tpu.memory_space<vmem_shared>> -> memref<32x64xf32, #tpu.memory_space<vmem_shared>>
    tpu.enqueue_dma source(%arg14 : memref<32x64xf32, #tpu.memory_space<vmem>>) target(%dma_start3A_112 : memref<32x64xf32, #tpu.memory_space<vmem_shared>>) target_semaphore(%arg18 : memref<!tpu.dma_semaphore, #tpu.memory_space<semaphore_mem>>)
    %add3A_113 = arith.constant 512 : i32
    %add3A_114 = arith.addi %mul3A_17, %add3A_113 : i32
    %dma_start3A_115 = arith.constant 0 : i32
    %dma_start3A_116 = tpu.memref_slice %arg21[%add3A_114, %dma_start3A_115] : memref<10240x64xf32, #tpu.memory_space<vmem_shared>> -> memref<32x64xf32, #tpu.memory_space<vmem_shared>>
    %dma_start3A_117 = arith.constant 0 : i32
    %dma_start3A_118 = tpu.memref_slice %arg21[%add3A_114, %dma_start3A_117] : memref<10240x64xf32, #tpu.memory_space<vmem_shared>> -> memref<32x64xf32, #tpu.memory_space<vmem_shared>>
    tpu.enqueue_dma source(%arg14 : memref<32x64xf32, #tpu.memory_space<vmem>>) target(%dma_start3A_118 : memref<32x64xf32, #tpu.memory_space<vmem_shared>>) target_semaphore(%arg18 : memref<!tpu.dma_semaphore, #tpu.memory_space<semaphore_mem>>)
    %add3A_119 = arith.constant 544 : i32
    %add3A_120 = arith.addi %mul3A_17, %add3A_119 : i32
    %dma_start3A_121 = arith.constant 0 : i32
    %dma_start3A_122 = tpu.memref_slice %arg21[%add3A_120, %dma_start3A_121] : memref<10240x64xf32, #tpu.memory_space<vmem_shared>> -> memref<32x64xf32, #tpu.memory_space<vmem_shared>>
    %dma_start3A_123 = arith.constant 0 : i32
    %dma_start3A_124 = tpu.memref_slice %arg21[%add3A_120, %dma_start3A_123] : memref<10240x64xf32, #tpu.memory_space<vmem_shared>> -> memref<32x64xf32, #tpu.memory_space<vmem_shared>>
    tpu.enqueue_dma source(%arg14 : memref<32x64xf32, #tpu.memory_space<vmem>>) target(%dma_start3A_124 : memref<32x64xf32, #tpu.memory_space<vmem_shared>>) target_semaphore(%arg18 : memref<!tpu.dma_semaphore, #tpu.memory_space<semaphore_mem>>)
    %add3A_125 = arith.constant 576 : i32
    %add3A_126 = arith.addi %mul3A_17, %add3A_125 : i32
    %dma_start3A_127 = arith.constant 0 : i32
    %dma_start3A_128 = tpu.memref_slice %arg21[%add3A_126, %dma_start3A_127] : memref<10240x64xf32, #tpu.memory_space<vmem_shared>> -> memref<32x64xf32, #tpu.memory_space<vmem_shared>>
    %dma_start3A_129 = arith.constant 0 : i32
    %dma_start3A_130 = tpu.memref_slice %arg21[%add3A_126, %dma_start3A_129] : memref<10240x64xf32, #tpu.memory_space<vmem_shared>> -> memref<32x64xf32, #tpu.memory_space<vmem_shared>>
    tpu.enqueue_dma source(%arg14 : memref<32x64xf32, #tpu.memory_space<vmem>>) target(%dma_start3A_130 : memref<32x64xf32, #tpu.memory_space<vmem_shared>>) target_semaphore(%arg18 : memref<!tpu.dma_semaphore, #tpu.memory_space<semaphore_mem>>)
    %add3A_131 = arith.constant 608 : i32
    %add3A_132 = arith.addi %mul3A_17, %add3A_131 : i32
    %dma_start3A_133 = arith.constant 0 : i32
    %dma_start3A_134 = tpu.memref_slice %arg21[%add3A_132, %dma_start3A_133] : memref<10240x64xf32, #tpu.memory_space<vmem_shared>> -> memref<32x64xf32, #tpu.memory_space<vmem_shared>>
    %dma_start3A_135 = arith.constant 0 : i32
    %dma_start3A_136 = tpu.memref_slice %arg21[%add3A_132, %dma_start3A_135] : memref<10240x64xf32, #tpu.memory_space<vmem_shared>> -> memref<32x64xf32, #tpu.memory_space<vmem_shared>>
    tpu.enqueue_dma source(%arg14 : memref<32x64xf32, #tpu.memory_space<vmem>>) target(%dma_start3A_136 : memref<32x64xf32, #tpu.memory_space<vmem_shared>>) target_semaphore(%arg18 : memref<!tpu.dma_semaphore, #tpu.memory_space<semaphore_mem>>)
    %scan3A_137 = arith.constant 0 : i32
    %scan3A_138 = arith.constant 0 : i32
    %scan3A_139 = arith.constant 160 : i32
    %scan3A_140 = arith.addi %scan3A_138, %scan3A_139 : i32
    %scan3A_141 = arith.constant 1 : i32
    scf.for %scan3A_339 = %scan3A_138 to %scan3A_140 step %scan3A_141  : i32 {
      %swap3A = arith.index_cast %scan3A_339 : i32 to index
      %swap3A_340 = arith.constant 0 : index
      %swap3A_341 = tpu.vector_load %arg15[%swap3A, %swap3A_340] {strides = array<i32>} : memref<160x16xf32, #tpu.memory_space<vmem>>, vector<1x16xf32>,
      %swap3A_342 = vector.shape_cast %swap3A_341 : vector<1x16xf32> to vector<16xf32>
      %swap3A_343 = vector.shape_cast %broadcast_in_dim3A_10 : vector<16xf32> to vector<1x16xf32>
      tpu.vector_store %arg15[%swap3A, %swap3A_340], %swap3A_343 {strides = array<i32>} : memref<160x16xf32, #tpu.memory_space<vmem>>, vector<1x16xf32>,
    }
    %scan3A_142 = arith.constant 160 : i32
    %iota3A = tpu.iota {dimensions = array<i32: 0>} : vector<16xi32>
    %eq3A = arith.constant 0 : i32
    %eq3A_143 = vector.broadcast %eq3A : i32 to vector<16xi32>
    %eq3A_144 = arith.cmpi eq, %iota3A, %eq3A_143 : vector<16xi32>
    %jit3A = arith.constant 1.000000e+00 : f32
    %jit3A_145 = arith.constant 0.000000e+00 : f32
    %broadcast_in_dim3A_146 = vector.broadcast %jit3A : f32 to vector<16xf32>
    %broadcast_in_dim3A_147 = vector.broadcast %jit3A_145 : f32 to vector<16xf32>
    %select_n3A = arith.select %eq3A_144, %broadcast_in_dim3A_146, %broadcast_in_dim3A_147 : vector<16xi1>, vector<16xf32>
    %scan3A_148 = arith.constant 0 : i32
    %scan3A_149 = arith.constant 0 : i32
    %scan3A_150 = arith.constant 80 : i32
    %scan3A_151 = arith.addi %scan3A_149, %scan3A_150 : i32
    %scan3A_152 = arith.constant 1 : i32
    scf.for %scan3A_339 = %scan3A_149 to %scan3A_151 step %scan3A_152  : i32 {
      %swap3A = arith.index_cast %scan3A_339 : i32 to index
      %swap3A_340 = arith.constant 0 : index
      %swap3A_341 = tpu.vector_load %arg16[%swap3A, %swap3A_340] {strides = array<i32>} : memref<80x16xf32, #tpu.memory_space<vmem>>, vector<1x16xf32>,
      %swap3A_342 = vector.shape_cast %swap3A_341 : vector<1x16xf32> to vector<16xf32>
      %swap3A_343 = vector.shape_cast %select_n3A : vector<16xf32> to vector<1x16xf32>
      tpu.vector_store %arg16[%swap3A, %swap3A_340], %swap3A_343 {strides = array<i32>} : memref<80x16xf32, #tpu.memory_space<vmem>>, vector<1x16xf32>,
    }
    %scan3A_153 = arith.constant 80 : i32
    %add3A_154 = arith.constant 0 : i32
    %add3A_155 = arith.addi %mul3A_17, %add3A_154 : i32
    %dma_start3A_156 = arith.constant 0 : i32
    %dma_start3A_157 = tpu.memref_slice %arg22[%add3A_155, %dma_start3A_156] : memref<10240x16xf32, #tpu.memory_space<vmem_shared>> -> memref<160x16xf32, #tpu.memory_space<vmem_shared>>
    %dma_start3A_158 = arith.constant 0 : i32
    %dma_start3A_159 = tpu.memref_slice %arg22[%add3A_155, %dma_start3A_158] : memref<10240x16xf32, #tpu.memory_space<vmem_shared>> -> memref<160x16xf32, #tpu.memory_space<vmem_shared>>
    tpu.enqueue_dma source(%arg15 : memref<160x16xf32, #tpu.memory_space<vmem>>) target(%dma_start3A_159 : memref<160x16xf32, #tpu.memory_space<vmem_shared>>) target_semaphore(%arg18 : memref<!tpu.dma_semaphore, #tpu.memory_space<semaphore_mem>>)
    %add3A_160 = arith.constant 160 : i32
    %add3A_161 = arith.addi %mul3A_17, %add3A_160 : i32
    %dma_start3A_162 = arith.constant 0 : i32
    %dma_start3A_163 = tpu.memref_slice %arg22[%add3A_161, %dma_start3A_162] : memref<10240x16xf32, #tpu.memory_space<vmem_shared>> -> memref<160x16xf32, #tpu.memory_space<vmem_shared>>
    %dma_start3A_164 = arith.constant 0 : i32
    %dma_start3A_165 = tpu.memref_slice %arg22[%add3A_161, %dma_start3A_164] : memref<10240x16xf32, #tpu.memory_space<vmem_shared>> -> memref<160x16xf32, #tpu.memory_space<vmem_shared>>
    tpu.enqueue_dma source(%arg15 : memref<160x16xf32, #tpu.memory_space<vmem>>) target(%dma_start3A_165 : memref<160x16xf32, #tpu.memory_space<vmem_shared>>) target_semaphore(%arg18 : memref<!tpu.dma_semaphore, #tpu.memory_space<semaphore_mem>>)
    %add3A_166 = arith.constant 320 : i32
    %add3A_167 = arith.addi %mul3A_17, %add3A_166 : i32
    %dma_start3A_168 = arith.constant 0 : i32
    %dma_start3A_169 = tpu.memref_slice %arg22[%add3A_167, %dma_start3A_168] : memref<10240x16xf32, #tpu.memory_space<vmem_shared>> -> memref<160x16xf32, #tpu.memory_space<vmem_shared>>
    %dma_start3A_170 = arith.constant 0 : i32
    %dma_start3A_171 = tpu.memref_slice %arg22[%add3A_167, %dma_start3A_170] : memref<10240x16xf32, #tpu.memory_space<vmem_shared>> -> memref<160x16xf32, #tpu.memory_space<vmem_shared>>
    tpu.enqueue_dma source(%arg15 : memref<160x16xf32, #tpu.memory_space<vmem>>) target(%dma_start3A_171 : memref<160x16xf32, #tpu.memory_space<vmem_shared>>) target_semaphore(%arg18 : memref<!tpu.dma_semaphore, #tpu.memory_space<semaphore_mem>>)
    %add3A_172 = arith.constant 480 : i32
    %add3A_173 = arith.addi %mul3A_17, %add3A_172 : i32
    %dma_start3A_174 = arith.constant 0 : i32
    %dma_start3A_175 = tpu.memref_slice %arg22[%add3A_173, %dma_start3A_174] : memref<10240x16xf32, #tpu.memory_space<vmem_shared>> -> memref<160x16xf32, #tpu.memory_space<vmem_shared>>
    %dma_start3A_176 = arith.constant 0 : i32
    %dma_start3A_177 = tpu.memref_slice %arg22[%add3A_173, %dma_start3A_176] : memref<10240x16xf32, #tpu.memory_space<vmem_shared>> -> memref<160x16xf32, #tpu.memory_space<vmem_shared>>
    tpu.enqueue_dma source(%arg15 : memref<160x16xf32, #tpu.memory_space<vmem>>) target(%dma_start3A_177 : memref<160x16xf32, #tpu.memory_space<vmem_shared>>) target_semaphore(%arg18 : memref<!tpu.dma_semaphore, #tpu.memory_space<semaphore_mem>>)
    %dma_wait3A = arith.constant 0 : i32
    %dma_wait3A_178 = tpu.memref_slice %arg21[%add3A_18, %dma_wait3A] : memref<10240x64xf32, #tpu.memory_space<vmem_shared>> -> memref<32x64xf32, #tpu.memory_space<vmem_shared>>
    %dma_wait3A_179 = arith.constant 0 : i32
    %dma_wait3A_180 = tpu.memref_slice %arg21[%add3A_18, %dma_wait3A_179] : memref<10240x64xf32, #tpu.memory_space<vmem_shared>> -> memref<32x64xf32, #tpu.memory_space<vmem_shared>>
    tpu.wait_dma2 semaphore(%arg18 : memref<!tpu.dma_semaphore, #tpu.memory_space<semaphore_mem>>) src(%arg14 : memref<32x64xf32, #tpu.memory_space<vmem>>) dst(%dma_wait3A_180 : memref<32x64xf32, #tpu.memory_space<vmem_shared>>)
    %dma_wait3A_181 = arith.constant 0 : i32
    %dma_wait3A_182 = tpu.memref_slice %arg21[%add3A_24, %dma_wait3A_181] : memref<10240x64xf32, #tpu.memory_space<vmem_shared>> -> memref<32x64xf32, #tpu.memory_space<vmem_shared>>
    %dma_wait3A_183 = arith.constant 0 : i32
    %dma_wait3A_184 = tpu.memref_slice %arg21[%add3A_24, %dma_wait3A_183] : memref<10240x64xf32, #tpu.memory_space<vmem_shared>> -> memref<32x64xf32, #tpu.memory_space<vmem_shared>>
    tpu.wait_dma2 semaphore(%arg18 : memref<!tpu.dma_semaphore, #tpu.memory_space<semaphore_mem>>) src(%arg14 : memref<32x64xf32, #tpu.memory_space<vmem>>) dst(%dma_wait3A_184 : memref<32x64xf32, #tpu.memory_space<vmem_shared>>)
    %dma_wait3A_185 = arith.constant 0 : i32
    %dma_wait3A_186 = tpu.memref_slice %arg21[%add3A_30, %dma_wait3A_185] : memref<10240x64xf32, #tpu.memory_space<vmem_shared>> -> memref<32x64xf32, #tpu.memory_space<vmem_shared>>
    %dma_wait3A_187 = arith.constant 0 : i32
    %dma_wait3A_188 = tpu.memref_slice %arg21[%add3A_30, %dma_wait3A_187] : memref<10240x64xf32, #tpu.memory_space<vmem_shared>> -> memref<32x64xf32, #tpu.memory_space<vmem_shared>>
    tpu.wait_dma2 semaphore(%arg18 : memref<!tpu.dma_semaphore, #tpu.memory_space<semaphore_mem>>) src(%arg14 : memref<32x64xf32, #tpu.memory_space<vmem>>) dst(%dma_wait3A_188 : memref<32x64xf32, #tpu.memory_space<vmem_shared>>)
    %dma_wait3A_189 = arith.constant 0 : i32
    %dma_wait3A_190 = tpu.memref_slice %arg21[%add3A_36, %dma_wait3A_189] : memref<10240x64xf32, #tpu.memory_space<vmem_shared>> -> memref<32x64xf32, #tpu.memory_space<vmem_shared>>
    %dma_wait3A_191 = arith.constant 0 : i32
    %dma_wait3A_192 = tpu.memref_slice %arg21[%add3A_36, %dma_wait3A_191] : memref<10240x64xf32, #tpu.memory_space<vmem_shared>> -> memref<32x64xf32, #tpu.memory_space<vmem_shared>>
    tpu.wait_dma2 semaphore(%arg18 : memref<!tpu.dma_semaphore, #tpu.memory_space<semaphore_mem>>) src(%arg14 : memref<32x64xf32, #tpu.memory_space<vmem>>) dst(%dma_wait3A_192 : memref<32x64xf32, #tpu.memory_space<vmem_shared>>)
    %dma_wait3A_193 = arith.constant 0 : i32
    %dma_wait3A_194 = tpu.memref_slice %arg21[%add3A_42, %dma_wait3A_193] : memref<10240x64xf32, #tpu.memory_space<vmem_shared>> -> memref<32x64xf32, #tpu.memory_space<vmem_shared>>
    %dma_wait3A_195 = arith.constant 0 : i32
    %dma_wait3A_196 = tpu.memref_slice %arg21[%add3A_42, %dma_wait3A_195] : memref<10240x64xf32, #tpu.memory_space<vmem_shared>> -> memref<32x64xf32, #tpu.memory_space<vmem_shared>>
    tpu.wait_dma2 semaphore(%arg18 : memref<!tpu.dma_semaphore, #tpu.memory_space<semaphore_mem>>) src(%arg14 : memref<32x64xf32, #tpu.memory_space<vmem>>) dst(%dma_wait3A_196 : memref<32x64xf32, #tpu.memory_space<vmem_shared>>)
    %dma_wait3A_197 = arith.constant 0 : i32
    %dma_wait3A_198 = tpu.memref_slice %arg21[%add3A_48, %dma_wait3A_197] : memref<10240x64xf32, #tpu.memory_space<vmem_shared>> -> memref<32x64xf32, #tpu.memory_space<vmem_shared>>
    %dma_wait3A_199 = arith.constant 0 : i32
    %dma_wait3A_200 = tpu.memref_slice %arg21[%add3A_48, %dma_wait3A_199] : memref<10240x64xf32, #tpu.memory_space<vmem_shared>> -> memref<32x64xf32, #tpu.memory_space<vmem_shared>>
    tpu.wait_dma2 semaphore(%arg18 : memref<!tpu.dma_semaphore, #tpu.memory_space<semaphore_mem>>) src(%arg14 : memref<32x64xf32, #tpu.memory_space<vmem>>) dst(%dma_wait3A_200 : memref<32x64xf32, #tpu.memory_space<vmem_shared>>)
    %dma_wait3A_201 = arith.constant 0 : i32
    %dma_wait3A_202 = tpu.memref_slice %arg21[%add3A_54, %dma_wait3A_201] : memref<10240x64xf32, #tpu.memory_space<vmem_shared>> -> memref<32x64xf32, #tpu.memory_space<vmem_shared>>
    %dma_wait3A_203 = arith.constant 0 : i32
    %dma_wait3A_204 = tpu.memref_slice %arg21[%add3A_54, %dma_wait3A_203] : memref<10240x64xf32, #tpu.memory_space<vmem_shared>> -> memref<32x64xf32, #tpu.memory_space<vmem_shared>>
    tpu.wait_dma2 semaphore(%arg18 : memref<!tpu.dma_semaphore, #tpu.memory_space<semaphore_mem>>) src(%arg14 : memref<32x64xf32, #tpu.memory_space<vmem>>) dst(%dma_wait3A_204 : memref<32x64xf32, #tpu.memory_space<vmem_shared>>)
    %dma_wait3A_205 = arith.constant 0 : i32
    %dma_wait3A_206 = tpu.memref_slice %arg21[%add3A_60, %dma_wait3A_205] : memref<10240x64xf32, #tpu.memory_space<vmem_shared>> -> memref<32x64xf32, #tpu.memory_space<vmem_shared>>
    %dma_wait3A_207 = arith.constant 0 : i32
    %dma_wait3A_208 = tpu.memref_slice %arg21[%add3A_60, %dma_wait3A_207] : memref<10240x64xf32, #tpu.memory_space<vmem_shared>> -> memref<32x64xf32, #tpu.memory_space<vmem_shared>>
    tpu.wait_dma2 semaphore(%arg18 : memref<!tpu.dma_semaphore, #tpu.memory_space<semaphore_mem>>) src(%arg14 : memref<32x64xf32, #tpu.memory_space<vmem>>) dst(%dma_wait3A_208 : memref<32x64xf32, #tpu.memory_space<vmem_shared>>)
    %dma_wait3A_209 = arith.constant 0 : i32
    %dma_wait3A_210 = tpu.memref_slice %arg21[%add3A_66, %dma_wait3A_209] : memref<10240x64xf32, #tpu.memory_space<vmem_shared>> -> memref<32x64xf32, #tpu.memory_space<vmem_shared>>
    %dma_wait3A_211 = arith.constant 0 : i32
    %dma_wait3A_212 = tpu.memref_slice %arg21[%add3A_66, %dma_wait3A_211] : memref<10240x64xf32, #tpu.memory_space<vmem_shared>> -> memref<32x64xf32, #tpu.memory_space<vmem_shared>>
    tpu.wait_dma2 semaphore(%arg18 : memref<!tpu.dma_semaphore, #tpu.memory_space<semaphore_mem>>) src(%arg14 : memref<32x64xf32, #tpu.memory_space<vmem>>) dst(%dma_wait3A_212 : memref<32x64xf32, #tpu.memory_space<vmem_shared>>)
    %dma_wait3A_213 = arith.constant 0 : i32
    %dma_wait3A_214 = tpu.memref_slice %arg21[%add3A_72, %dma_wait3A_213] : memref<10240x64xf32, #tpu.memory_space<vmem_shared>> -> memref<32x64xf32, #tpu.memory_space<vmem_shared>>
    %dma_wait3A_215 = arith.constant 0 : i32
    %dma_wait3A_216 = tpu.memref_slice %arg21[%add3A_72, %dma_wait3A_215] : memref<10240x64xf32, #tpu.memory_space<vmem_shared>> -> memref<32x64xf32, #tpu.memory_space<vmem_shared>>
    tpu.wait_dma2 semaphore(%arg18 : memref<!tpu.dma_semaphore, #tpu.memory_space<semaphore_mem>>) src(%arg14 : memref<32x64xf32, #tpu.memory_space<vmem>>) dst(%dma_wait3A_216 : memref<32x64xf32, #tpu.memory_space<vmem_shared>>)
    %dma_wait3A_217 = arith.constant 0 : i32
    %dma_wait3A_218 = tpu.memref_slice %arg21[%add3A_78, %dma_wait3A_217] : memref<10240x64xf32, #tpu.memory_space<vmem_shared>> -> memref<32x64xf32, #tpu.memory_space<vmem_shared>>
    %dma_wait3A_219 = arith.constant 0 : i32
    %dma_wait3A_220 = tpu.memref_slice %arg21[%add3A_78, %dma_wait3A_219] : memref<10240x64xf32, #tpu.memory_space<vmem_shared>> -> memref<32x64xf32, #tpu.memory_space<vmem_shared>>
    tpu.wait_dma2 semaphore(%arg18 : memref<!tpu.dma_semaphore, #tpu.memory_space<semaphore_mem>>) src(%arg14 : memref<32x64xf32, #tpu.memory_space<vmem>>) dst(%dma_wait3A_220 : memref<32x64xf32, #tpu.memory_space<vmem_shared>>)
    %dma_wait3A_221 = arith.constant 0 : i32
    %dma_wait3A_222 = tpu.memref_slice %arg21[%add3A_84, %dma_wait3A_221] : memref<10240x64xf32, #tpu.memory_space<vmem_shared>> -> memref<32x64xf32, #tpu.memory_space<vmem_shared>>
    %dma_wait3A_223 = arith.constant 0 : i32
    %dma_wait3A_224 = tpu.memref_slice %arg21[%add3A_84, %dma_wait3A_223] : memref<10240x64xf32, #tpu.memory_space<vmem_shared>> -> memref<32x64xf32, #tpu.memory_space<vmem_shared>>
    tpu.wait_dma2 semaphore(%arg18 : memref<!tpu.dma_semaphore, #tpu.memory_space<semaphore_mem>>) src(%arg14 : memref<32x64xf32, #tpu.memory_space<vmem>>) dst(%dma_wait3A_224 : memref<32x64xf32, #tpu.memory_space<vmem_shared>>)
    %dma_wait3A_225 = arith.constant 0 : i32
    %dma_wait3A_226 = tpu.memref_slice %arg21[%add3A_90, %dma_wait3A_225] : memref<10240x64xf32, #tpu.memory_space<vmem_shared>> -> memref<32x64xf32, #tpu.memory_space<vmem_shared>>
    %dma_wait3A_227 = arith.constant 0 : i32
    %dma_wait3A_228 = tpu.memref_slice %arg21[%add3A_90, %dma_wait3A_227] : memref<10240x64xf32, #tpu.memory_space<vmem_shared>> -> memref<32x64xf32, #tpu.memory_space<vmem_shared>>
    tpu.wait_dma2 semaphore(%arg18 : memref<!tpu.dma_semaphore, #tpu.memory_space<semaphore_mem>>) src(%arg14 : memref<32x64xf32, #tpu.memory_space<vmem>>) dst(%dma_wait3A_228 : memref<32x64xf32, #tpu.memory_space<vmem_shared>>)
    %dma_wait3A_229 = arith.constant 0 : i32
    %dma_wait3A_230 = tpu.memref_slice %arg21[%add3A_96, %dma_wait3A_229] : memref<10240x64xf32, #tpu.memory_space<vmem_shared>> -> memref<32x64xf32, #tpu.memory_space<vmem_shared>>
    %dma_wait3A_231 = arith.constant 0 : i32
    %dma_wait3A_232 = tpu.memref_slice %arg21[%add3A_96, %dma_wait3A_231] : memref<10240x64xf32, #tpu.memory_space<vmem_shared>> -> memref<32x64xf32, #tpu.memory_space<vmem_shared>>
    tpu.wait_dma2 semaphore(%arg18 : memref<!tpu.dma_semaphore, #tpu.memory_space<semaphore_mem>>) src(%arg14 : memref<32x64xf32, #tpu.memory_space<vmem>>) dst(%dma_wait3A_232 : memref<32x64xf32, #tpu.memory_space<vmem_shared>>)
    %dma_wait3A_233 = arith.constant 0 : i32
    %dma_wait3A_234 = tpu.memref_slice %arg21[%add3A_102, %dma_wait3A_233] : memref<10240x64xf32, #tpu.memory_space<vmem_shared>> -> memref<32x64xf32, #tpu.memory_space<vmem_shared>>
    %dma_wait3A_235 = arith.constant 0 : i32
    %dma_wait3A_236 = tpu.memref_slice %arg21[%add3A_102, %dma_wait3A_235] : memref<10240x64xf32, #tpu.memory_space<vmem_shared>> -> memref<32x64xf32, #tpu.memory_space<vmem_shared>>
    tpu.wait_dma2 semaphore(%arg18 : memref<!tpu.dma_semaphore, #tpu.memory_space<semaphore_mem>>) src(%arg14 : memref<32x64xf32, #tpu.memory_space<vmem>>) dst(%dma_wait3A_236 : memref<32x64xf32, #tpu.memory_space<vmem_shared>>)
    %dma_wait3A_237 = arith.constant 0 : i32
    %dma_wait3A_238 = tpu.memref_slice %arg21[%add3A_108, %dma_wait3A_237] : memref<10240x64xf32, #tpu.memory_space<vmem_shared>> -> memref<32x64xf32, #tpu.memory_space<vmem_shared>>
    %dma_wait3A_239 = arith.constant 0 : i32
    %dma_wait3A_240 = tpu.memref_slice %arg21[%add3A_108, %dma_wait3A_239] : memref<10240x64xf32, #tpu.memory_space<vmem_shared>> -> memref<32x64xf32, #tpu.memory_space<vmem_shared>>
    tpu.wait_dma2 semaphore(%arg18 : memref<!tpu.dma_semaphore, #tpu.memory_space<semaphore_mem>>) src(%arg14 : memref<32x64xf32, #tpu.memory_space<vmem>>) dst(%dma_wait3A_240 : memref<32x64xf32, #tpu.memory_space<vmem_shared>>)
    %dma_wait3A_241 = arith.constant 0 : i32
    %dma_wait3A_242 = tpu.memref_slice %arg21[%add3A_114, %dma_wait3A_241] : memref<10240x64xf32, #tpu.memory_space<vmem_shared>> -> memref<32x64xf32, #tpu.memory_space<vmem_shared>>
    %dma_wait3A_243 = arith.constant 0 : i32
    %dma_wait3A_244 = tpu.memref_slice %arg21[%add3A_114, %dma_wait3A_243] : memref<10240x64xf32, #tpu.memory_space<vmem_shared>> -> memref<32x64xf32, #tpu.memory_space<vmem_shared>>
    tpu.wait_dma2 semaphore(%arg18 : memref<!tpu.dma_semaphore, #tpu.memory_space<semaphore_mem>>) src(%arg14 : memref<32x64xf32, #tpu.memory_space<vmem>>) dst(%dma_wait3A_244 : memref<32x64xf32, #tpu.memory_space<vmem_shared>>)
    %dma_wait3A_245 = arith.constant 0 : i32
    %dma_wait3A_246 = tpu.memref_slice %arg21[%add3A_120, %dma_wait3A_245] : memref<10240x64xf32, #tpu.memory_space<vmem_shared>> -> memref<32x64xf32, #tpu.memory_space<vmem_shared>>
    %dma_wait3A_247 = arith.constant 0 : i32
    %dma_wait3A_248 = tpu.memref_slice %arg21[%add3A_120, %dma_wait3A_247] : memref<10240x64xf32, #tpu.memory_space<vmem_shared>> -> memref<32x64xf32, #tpu.memory_space<vmem_shared>>
    tpu.wait_dma2 semaphore(%arg18 : memref<!tpu.dma_semaphore, #tpu.memory_space<semaphore_mem>>) src(%arg14 : memref<32x64xf32, #tpu.memory_space<vmem>>) dst(%dma_wait3A_248 : memref<32x64xf32, #tpu.memory_space<vmem_shared>>)
    %dma_wait3A_249 = arith.constant 0 : i32
    %dma_wait3A_250 = tpu.memref_slice %arg21[%add3A_126, %dma_wait3A_249] : memref<10240x64xf32, #tpu.memory_space<vmem_shared>> -> memref<32x64xf32, #tpu.memory_space<vmem_shared>>
    %dma_wait3A_251 = arith.constant 0 : i32
    %dma_wait3A_252 = tpu.memref_slice %arg21[%add3A_126, %dma_wait3A_251] : memref<10240x64xf32, #tpu.memory_space<vmem_shared>> -> memref<32x64xf32, #tpu.memory_space<vmem_shared>>
    tpu.wait_dma2 semaphore(%arg18 : memref<!tpu.dma_semaphore, #tpu.memory_space<semaphore_mem>>) src(%arg14 : memref<32x64xf32, #tpu.memory_space<vmem>>) dst(%dma_wait3A_252 : memref<32x64xf32, #tpu.memory_space<vmem_shared>>)
    %dma_wait3A_253 = arith.constant 0 : i32
    %dma_wait3A_254 = tpu.memref_slice %arg21[%add3A_132, %dma_wait3A_253] : memref<10240x64xf32, #tpu.memory_space<vmem_shared>> -> memref<32x64xf32, #tpu.memory_space<vmem_shared>>
    %dma_wait3A_255 = arith.constant 0 : i32
    %dma_wait3A_256 = tpu.memref_slice %arg21[%add3A_132, %dma_wait3A_255] : memref<10240x64xf32, #tpu.memory_space<vmem_shared>> -> memref<32x64xf32, #tpu.memory_space<vmem_shared>>
    tpu.wait_dma2 semaphore(%arg18 : memref<!tpu.dma_semaphore, #tpu.memory_space<semaphore_mem>>) src(%arg14 : memref<32x64xf32, #tpu.memory_space<vmem>>) dst(%dma_wait3A_256 : memref<32x64xf32, #tpu.memory_space<vmem_shared>>)
    %dma_wait3A_257 = arith.constant 0 : i32
    %dma_wait3A_258 = tpu.memref_slice %arg22[%add3A_155, %dma_wait3A_257] : memref<10240x16xf32, #tpu.memory_space<vmem_shared>> -> memref<160x16xf32, #tpu.memory_space<vmem_shared>>
    %dma_wait3A_259 = arith.constant 0 : i32
    %dma_wait3A_260 = tpu.memref_slice %arg22[%add3A_155, %dma_wait3A_259] : memref<10240x16xf32, #tpu.memory_space<vmem_shared>> -> memref<160x16xf32, #tpu.memory_space<vmem_shared>>
    tpu.wait_dma2 semaphore(%arg18 : memref<!tpu.dma_semaphore, #tpu.memory_space<semaphore_mem>>) src(%arg15 : memref<160x16xf32, #tpu.memory_space<vmem>>) dst(%dma_wait3A_260 : memref<160x16xf32, #tpu.memory_space<vmem_shared>>)
    %dma_wait3A_261 = arith.constant 0 : i32
    %dma_wait3A_262 = tpu.memref_slice %arg22[%add3A_161, %dma_wait3A_261] : memref<10240x16xf32, #tpu.memory_space<vmem_shared>> -> memref<160x16xf32, #tpu.memory_space<vmem_shared>>
    %dma_wait3A_263 = arith.constant 0 : i32
    %dma_wait3A_264 = tpu.memref_slice %arg22[%add3A_161, %dma_wait3A_263] : memref<10240x16xf32, #tpu.memory_space<vmem_shared>> -> memref<160x16xf32, #tpu.memory_space<vmem_shared>>
    tpu.wait_dma2 semaphore(%arg18 : memref<!tpu.dma_semaphore, #tpu.memory_space<semaphore_mem>>) src(%arg15 : memref<160x16xf32, #tpu.memory_space<vmem>>) dst(%dma_wait3A_264 : memref<160x16xf32, #tpu.memory_space<vmem_shared>>)
    %dma_wait3A_265 = arith.constant 0 : i32
    %dma_wait3A_266 = tpu.memref_slice %arg22[%add3A_167, %dma_wait3A_265] : memref<10240x16xf32, #tpu.memory_space<vmem_shared>> -> memref<160x16xf32, #tpu.memory_space<vmem_shared>>
    %dma_wait3A_267 = arith.constant 0 : i32
    %dma_wait3A_268 = tpu.memref_slice %arg22[%add3A_167, %dma_wait3A_267] : memref<10240x16xf32, #tpu.memory_space<vmem_shared>> -> memref<160x16xf32, #tpu.memory_space<vmem_shared>>
    tpu.wait_dma2 semaphore(%arg18 : memref<!tpu.dma_semaphore, #tpu.memory_space<semaphore_mem>>) src(%arg15 : memref<160x16xf32, #tpu.memory_space<vmem>>) dst(%dma_wait3A_268 : memref<160x16xf32, #tpu.memory_space<vmem_shared>>)
    %dma_wait3A_269 = arith.constant 0 : i32
    %dma_wait3A_270 = tpu.memref_slice %arg22[%add3A_173, %dma_wait3A_269] : memref<10240x16xf32, #tpu.memory_space<vmem_shared>> -> memref<160x16xf32, #tpu.memory_space<vmem_shared>>
    %dma_wait3A_271 = arith.constant 0 : i32
    %dma_wait3A_272 = tpu.memref_slice %arg22[%add3A_173, %dma_wait3A_271] : memref<10240x16xf32, #tpu.memory_space<vmem_shared>> -> memref<160x16xf32, #tpu.memory_space<vmem_shared>>
    tpu.wait_dma2 semaphore(%arg18 : memref<!tpu.dma_semaphore, #tpu.memory_space<semaphore_mem>>) src(%arg15 : memref<160x16xf32, #tpu.memory_space<vmem>>) dst(%dma_wait3A_272 : memref<160x16xf32, #tpu.memory_space<vmem_shared>>)
    %dma_wait3A_273 = arith.constant 0 : i32
    %dma_wait3A_274 = tpu.memref_slice %arg3[%mul3A_0, %dma_wait3A_273] : memref<4000x80xi32, #tpu.memory_space<hbm>> -> memref<250x80xi32, #tpu.memory_space<hbm>>
    %dma_wait3A_275 = arith.constant 0 : i32
    %dma_wait3A_276 = tpu.memref_slice %arg3[%mul3A_0, %dma_wait3A_275] : memref<4000x80xi32, #tpu.memory_space<hbm>> -> memref<250x80xi32, #tpu.memory_space<hbm>>
    tpu.wait_dma2 semaphore(%arg20 : memref<!tpu.dma_semaphore, #tpu.memory_space<semaphore_mem>>) src(%dma_wait3A_276 : memref<250x80xi32, #tpu.memory_space<hbm>>) dst(%arg7 : memref<250x80xi32, #tpu.memory_space<vmem>>)
    %dma_wait3A_277 = arith.constant 0 : i32
    %dma_wait3A_278 = tpu.memref_slice %arg4[%mul3A_5, %dma_wait3A_277] : memref<4000x80xi32, #tpu.memory_space<hbm>> -> memref<250x80xi32, #tpu.memory_space<hbm>>
    %dma_wait3A_279 = arith.constant 0 : i32
    %dma_wait3A_280 = tpu.memref_slice %arg4[%mul3A_5, %dma_wait3A_279] : memref<4000x80xi32, #tpu.memory_space<hbm>> -> memref<250x80xi32, #tpu.memory_space<hbm>>
    tpu.wait_dma2 semaphore(%arg20 : memref<!tpu.dma_semaphore, #tpu.memory_space<semaphore_mem>>) src(%dma_wait3A_280 : memref<250x80xi32, #tpu.memory_space<hbm>>) dst(%arg8 : memref<250x80xi32, #tpu.memory_space<vmem>>)
    %scan3A_281 = arith.constant 0 : i32
    %scan3A_282 = arith.constant 0 : i32
    %scan3A_283 = arith.constant 250 : i32
    %scan3A_284 = arith.addi %scan3A_282, %scan3A_283 : i32
    %scan3A_285 = arith.constant 1 : i32
    scf.for %scan3A_339 = %scan3A_282 to %scan3A_284 step %scan3A_285  : i32 {
      %get3A = arith.index_cast %scan3A_339 : i32 to index
      %get3A_340 = arith.constant 0 : index
      %get3A_341 = tpu.vector_load %arg7[%get3A, %get3A_340] {strides = array<i32>} : memref<250x80xi32, #tpu.memory_space<vmem>>, vector<1x16xi32>,
      %get3A_342 = vector.shape_cast %get3A_341 : vector<1x16xi32> to vector<16xi32>
      %mul3A_343 = arith.constant 2 : i32
      %mul3A_344 = vector.broadcast %mul3A_343 : i32 to vector<16xi32>
      %mul3A_345 = arith.muli %get3A_342, %mul3A_344 : vector<16xi32>
      %add3A_346 = vector.broadcast %arg0 : i32 to vector<16xi32>
      %add3A_347 = arith.addi %mul3A_345, %add3A_346 : vector<16xi32>
      %swap3A = arith.index_cast %scan3A_339 : i32 to index
      %swap3A_348 = arith.constant 0 : index
      %swap3A_349 = tpu.vector_load %arg7[%swap3A, %swap3A_348] {strides = array<i32>} : memref<250x80xi32, #tpu.memory_space<vmem>>, vector<1x16xi32>,
      %swap3A_350 = vector.shape_cast %swap3A_349 : vector<1x16xi32> to vector<16xi32>
      %swap3A_351 = vector.shape_cast %add3A_347 : vector<16xi32> to vector<1x16xi32>
      tpu.vector_store %arg7[%swap3A, %swap3A_348], %swap3A_351 {strides = array<i32>} : memref<250x80xi32, #tpu.memory_space<vmem>>, vector<1x16xi32>,
      %get3A_352 = arith.index_cast %scan3A_339 : i32 to index
      %get3A_353 = arith.constant 16 : index
      %get3A_354 = tpu.vector_load %arg7[%get3A_352, %get3A_353] {strides = array<i32>} : memref<250x80xi32, #tpu.memory_space<vmem>>, vector<1x16xi32>,
      %get3A_355 = vector.shape_cast %get3A_354 : vector<1x16xi32> to vector<16xi32>
      %mul3A_356 = arith.constant 2 : i32
      %mul3A_357 = vector.broadcast %mul3A_356 : i32 to vector<16xi32>
      %mul3A_358 = arith.muli %get3A_355, %mul3A_357 : vector<16xi32>
      %add3A_359 = vector.broadcast %arg0 : i32 to vector<16xi32>
      %add3A_360 = arith.addi %mul3A_358, %add3A_359 : vector<16xi32>
      %swap3A_361 = arith.index_cast %scan3A_339 : i32 to index
      %swap3A_362 = arith.constant 16 : index
      %swap3A_363 = tpu.vector_load %arg7[%swap3A_361, %swap3A_362] {strides = array<i32>} : memref<250x80xi32, #tpu.memory_space<vmem>>, vector<1x16xi32>,
      %swap3A_364 = vector.shape_cast %swap3A_363 : vector<1x16xi32> to vector<16xi32>
      %swap3A_365 = vector.shape_cast %add3A_360 : vector<16xi32> to vector<1x16xi32>
      tpu.vector_store %arg7[%swap3A_361, %swap3A_362], %swap3A_365 {strides = array<i32>} : memref<250x80xi32, #tpu.memory_space<vmem>>, vector<1x16xi32>,
      %get3A_366 = arith.index_cast %scan3A_339 : i32 to index
      %get3A_367 = arith.constant 32 : index
      %get3A_368 = tpu.vector_load %arg7[%get3A_366, %get3A_367] {strides = array<i32>} : memref<250x80xi32, #tpu.memory_space<vmem>>, vector<1x16xi32>,
      %get3A_369 = vector.shape_cast %get3A_368 : vector<1x16xi32> to vector<16xi32>
      %mul3A_370 = arith.constant 2 : i32
      %mul3A_371 = vector.broadcast %mul3A_370 : i32 to vector<16xi32>
      %mul3A_372 = arith.muli %get3A_369, %mul3A_371 : vector<16xi32>
      %add3A_373 = vector.broadcast %arg0 : i32 to vector<16xi32>
      %add3A_374 = arith.addi %mul3A_372, %add3A_373 : vector<16xi32>
      %swap3A_375 = arith.index_cast %scan3A_339 : i32 to index
      %swap3A_376 = arith.constant 32 : index
      %swap3A_377 = tpu.vector_load %arg7[%swap3A_375, %swap3A_376] {strides = array<i32>} : memref<250x80xi32, #tpu.memory_space<vmem>>, vector<1x16xi32>,
      %swap3A_378 = vector.shape_cast %swap3A_377 : vector<1x16xi32> to vector<16xi32>
      %swap3A_379 = vector.shape_cast %add3A_374 : vector<16xi32> to vector<1x16xi32>
      tpu.vector_store %arg7[%swap3A_375, %swap3A_376], %swap3A_379 {strides = array<i32>} : memref<250x80xi32, #tpu.memory_space<vmem>>, vector<1x16xi32>,
      %get3A_380 = arith.index_cast %scan3A_339 : i32 to index
      %get3A_381 = arith.constant 48 : index
      %get3A_382 = tpu.vector_load %arg7[%get3A_380, %get3A_381] {strides = array<i32>} : memref<250x80xi32, #tpu.memory_space<vmem>>, vector<1x16xi32>,
      %get3A_383 = vector.shape_cast %get3A_382 : vector<1x16xi32> to vector<16xi32>
      %mul3A_384 = arith.constant 2 : i32
      %mul3A_385 = vector.broadcast %mul3A_384 : i32 to vector<16xi32>
      %mul3A_386 = arith.muli %get3A_383, %mul3A_385 : vector<16xi32>
      %add3A_387 = vector.broadcast %arg0 : i32 to vector<16xi32>
      %add3A_388 = arith.addi %mul3A_386, %add3A_387 : vector<16xi32>
      %swap3A_389 = arith.index_cast %scan3A_339 : i32 to index
      %swap3A_390 = arith.constant 48 : index
      %swap3A_391 = tpu.vector_load %arg7[%swap3A_389, %swap3A_390] {strides = array<i32>} : memref<250x80xi32, #tpu.memory_space<vmem>>, vector<1x16xi32>,
      %swap3A_392 = vector.shape_cast %swap3A_391 : vector<1x16xi32> to vector<16xi32>
      %swap3A_393 = vector.shape_cast %add3A_388 : vector<16xi32> to vector<1x16xi32>
      tpu.vector_store %arg7[%swap3A_389, %swap3A_390], %swap3A_393 {strides = array<i32>} : memref<250x80xi32, #tpu.memory_space<vmem>>, vector<1x16xi32>,
      %get3A_394 = arith.index_cast %scan3A_339 : i32 to index
      %get3A_395 = arith.constant 64 : index
      %get3A_396 = tpu.vector_load %arg7[%get3A_394, %get3A_395] {strides = array<i32>} : memref<250x80xi32, #tpu.memory_space<vmem>>, vector<1x16xi32>,
      %get3A_397 = vector.shape_cast %get3A_396 : vector<1x16xi32> to vector<16xi32>
      %mul3A_398 = arith.constant 2 : i32
      %mul3A_399 = vector.broadcast %mul3A_398 : i32 to vector<16xi32>
      %mul3A_400 = arith.muli %get3A_397, %mul3A_399 : vector<16xi32>
      %add3A_401 = vector.broadcast %arg0 : i32 to vector<16xi32>
      %add3A_402 = arith.addi %mul3A_400, %add3A_401 : vector<16xi32>
      %swap3A_403 = arith.index_cast %scan3A_339 : i32 to index
      %swap3A_404 = arith.constant 64 : index
      %swap3A_405 = tpu.vector_load %arg7[%swap3A_403, %swap3A_404] {strides = array<i32>} : memref<250x80xi32, #tpu.memory_space<vmem>>, vector<1x16xi32>,
      %swap3A_406 = vector.shape_cast %swap3A_405 : vector<1x16xi32> to vector<16xi32>
      %swap3A_407 = vector.shape_cast %add3A_402 : vector<16xi32> to vector<1x16xi32>
      tpu.vector_store %arg7[%swap3A_403, %swap3A_404], %swap3A_407 {strides = array<i32>} : memref<250x80xi32, #tpu.memory_space<vmem>>, vector<1x16xi32>,
    }
    %scan3A_286 = arith.constant 250 : i32
    %barrier3A = arith.constant 0 : index
    tpu.barrier barrier_id(%barrier3A)
    %dma_start3A_287 = arith.constant 0 : i32
    %dma_start3A_288 = arith.constant 0 : i32
    %dma_start3A_289 = tpu.memref_slice %arg7[%dma_start3A_287, %dma_start3A_288] : memref<250x80xi32, #tpu.memory_space<vmem>> -> memref<1x80xi32, #tpu.memory_space<vmem>>
    %dma_start3A_290 = tpu.memref_squeeze %dma_start3A_289 : memref<1x80xi32, #tpu.memory_space<vmem>> -> memref<80xi32, #tpu.memory_space<vmem>>
    %dma_start3A_291 = arith.constant 0 : i32
    %dma_start3A_292 = arith.constant 0 : i32
    %dma_start3A_293 = tpu.memref_slice %arg2[%dma_start3A_291, %dma_start3A_292] : memref<20000x64xf32, #tpu.memory_space<hbm>> -> memref<20000x64xf32, #tpu.memory_space<hbm>>
    tpu.enqueue_indirect_dma source(%dma_start3A_293 : memref<20000x64xf32, #tpu.memory_space<hbm>>) target(%arg9 : memref<80x64xf32, #tpu.memory_space<vmem>>) offsets(%dma_start3A_290 : memref<80xi32, #tpu.memory_space<vmem>>) semaphore(%arg17 : memref<!tpu.dma_semaphore, #tpu.memory_space<semaphore_mem>>)
    %dma_start3A_294 = arith.constant 1 : i32
    %dma_start3A_295 = arith.constant 0 : i32
    %dma_start3A_296 = tpu.memref_slice %arg7[%dma_start3A_294, %dma_start3A_295] : memref<250x80xi32, #tpu.memory_space<vmem>> -> memref<1x80xi32, #tpu.memory_space<vmem>>
    %dma_start3A_297 = tpu.memref_squeeze %dma_start3A_296 : memref<1x80xi32, #tpu.memory_space<vmem>> -> memref<80xi32, #tpu.memory_space<vmem>>
    %dma_start3A_298 = arith.constant 0 : i32
    %dma_start3A_299 = arith.constant 0 : i32
    %dma_start3A_300 = tpu.memref_slice %arg2[%dma_start3A_298, %dma_start3A_299] : memref<20000x64xf32, #tpu.memory_space<hbm>> -> memref<20000x64xf32, #tpu.memory_space<hbm>>
    tpu.enqueue_indirect_dma source(%dma_start3A_300 : memref<20000x64xf32, #tpu.memory_space<hbm>>) target(%arg10 : memref<80x64xf32, #tpu.memory_space<vmem>>) offsets(%dma_start3A_297 : memref<80xi32, #tpu.memory_space<vmem>>) semaphore(%arg17 : memref<!tpu.dma_semaphore, #tpu.memory_space<semaphore_mem>>)
    %dma_start3A_301 = arith.constant 2 : i32
    %dma_start3A_302 = arith.constant 0 : i32
    %dma_start3A_303 = tpu.memref_slice %arg7[%dma_start3A_301, %dma_start3A_302] : memref<250x80xi32, #tpu.memory_space<vmem>> -> memref<1x80xi32, #tpu.memory_space<vmem>>
    %dma_start3A_304 = tpu.memref_squeeze %dma_start3A_303 : memref<1x80xi32, #tpu.memory_space<vmem>> -> memref<80xi32, #tpu.memory_space<vmem>>
    %dma_start3A_305 = arith.constant 0 : i32
    %dma_start3A_306 = arith.constant 0 : i32
    %dma_start3A_307 = tpu.memref_slice %arg2[%dma_start3A_305, %dma_start3A_306] : memref<20000x64xf32, #tpu.memory_space<hbm>> -> memref<20000x64xf32, #tpu.memory_space<hbm>>
    tpu.enqueue_indirect_dma source(%dma_start3A_307 : memref<20000x64xf32, #tpu.memory_space<hbm>>) target(%arg11 : memref<80x64xf32, #tpu.memory_space<vmem>>) offsets(%dma_start3A_304 : memref<80xi32, #tpu.memory_space<vmem>>) semaphore(%arg17 : memref<!tpu.dma_semaphore, #tpu.memory_space<semaphore_mem>>)
    %dma_start3A_308 = arith.constant 3 : i32
    %dma_start3A_309 = arith.constant 0 : i32
    %dma_start3A_310 = tpu.memref_slice %arg7[%dma_start3A_308, %dma_start3A_309] : memref<250x80xi32, #tpu.memory_space<vmem>> -> memref<1x80xi32, #tpu.memory_space<vmem>>
    %dma_start3A_311 = tpu.memref_squeeze %dma_start3A_310 : memref<1x80xi32, #tpu.memory_space<vmem>> -> memref<80xi32, #tpu.memory_space<vmem>>
    %dma_start3A_312 = arith.constant 0 : i32
    %dma_start3A_313 = arith.constant 0 : i32
    %dma_start3A_314 = tpu.memref_slice %arg2[%dma_start3A_312, %dma_start3A_313] : memref<20000x64xf32, #tpu.memory_space<hbm>> -> memref<20000x64xf32, #tpu.memory_space<hbm>>
    tpu.enqueue_indirect_dma source(%dma_start3A_314 : memref<20000x64xf32, #tpu.memory_space<hbm>>) target(%arg12 : memref<80x64xf32, #tpu.memory_space<vmem>>) offsets(%dma_start3A_311 : memref<80xi32, #tpu.memory_space<vmem>>) semaphore(%arg17 : memref<!tpu.dma_semaphore, #tpu.memory_space<semaphore_mem>>)
    %scan3A_315 = arith.constant 0 : i32
    %scan3A_316 = arith.constant 0 : i32
    %scan3A_317 = arith.constant 50 : i32
    %scan3A_318 = arith.addi %scan3A_316, %scan3A_317 : i32
    %scan3A_319 = arith.constant 1 : i32
    scf.for %scan3A_339 = %scan3A_316 to %scan3A_318 step %scan3A_319  : i32 {
      %mul3A_340 = arith.constant 5 : i32
      %mul3A_341 = arith.muli %scan3A_339, %mul3A_340 : i32
      %add3A_342 = arith.constant 0 : i32
      %add3A_343 = arith.addi %mul3A_341, %add3A_342 : i32
      %jit3A_344 = arith.constant 1 : i32
      %div3A = arith.divsi %add3A_343, %jit3A_344 : i32
      %sign3A = arith.constant 0 : i32
      %sign3A_345 = arith.cmpi sgt, %add3A_343, %sign3A : i32
      %sign3A_346 = arith.extui %sign3A_345 : i1 to i32
      %sign3A_347 = arith.constant 0 : i32
      %sign3A_348 = arith.cmpi slt, %add3A_343, %sign3A_347 : i32
      %sign3A_349 = arith.extui %sign3A_348 : i1 to i32
      %sign3A_350 = arith.subi %sign3A_346, %sign3A_349 : i32
      %sign3A_351 = arith.constant 0 : i32
      %sign3A_352 = arith.cmpi sgt, %jit3A_344, %sign3A_351 : i32
      %sign3A_353 = arith.extui %sign3A_352 : i1 to i32
      %sign3A_354 = arith.constant 0 : i32
      %sign3A_355 = arith.cmpi slt, %jit3A_344, %sign3A_354 : i32
      %sign3A_356 = arith.extui %sign3A_355 : i1 to i32
      %sign3A_357 = arith.subi %sign3A_353, %sign3A_356 : i32
      %ne3A = arith.cmpi ne, %sign3A_350, %sign3A_357 : i32
      %rem3A = arith.remsi %add3A_343, %jit3A_344 : i32
      %ne3A_358 = arith.constant 0 : i32
      %ne3A_359 = arith.cmpi ne, %rem3A, %ne3A_358 : i32
      %and3A = arith.andi %ne3A, %ne3A_359 : i1
      %sub3A = arith.constant 1 : i32
      %sub3A_360 = arith.subi %div3A, %sub3A : i32
      %select_n3A_361 = arith.select %and3A, %sub3A_360, %div3A : i32
      %dma_wait3A_362 = arith.constant 0 : i32
      %dma_wait3A_363 = tpu.memref_slice %arg7[%select_n3A_361, %dma_wait3A_362] : memref<250x80xi32, #tpu.memory_space<vmem>> -> memref<1x80xi32, #tpu.memory_space<vmem>>
      %dma_wait3A_364 = tpu.memref_squeeze %dma_wait3A_363 : memref<1x80xi32, #tpu.memory_space<vmem>> -> memref<80xi32, #tpu.memory_space<vmem>>
      %dma_wait3A_365 = arith.constant 0 : i32
      %dma_wait3A_366 = arith.constant 0 : i32
      %dma_wait3A_367 = tpu.memref_slice %arg2[%dma_wait3A_365, %dma_wait3A_366] : memref<20000x64xf32, #tpu.memory_space<hbm>> -> memref<20000x64xf32, #tpu.memory_space<hbm>>
      tpu.wait_indirect_dma semaphore(%arg17 : memref<!tpu.dma_semaphore, #tpu.memory_space<semaphore_mem>>) src(%dma_wait3A_367 : memref<20000x64xf32, #tpu.memory_space<hbm>>) dst(%arg9 : memref<80x64xf32, #tpu.memory_space<vmem>>)
      %dma_start3A_368 = arith.constant 0 : i32
      %dma_start3A_369 = tpu.memref_slice %arg8[%add3A_343, %dma_start3A_368] : memref<250x80xi32, #tpu.memory_space<vmem>> -> memref<1x80xi32, #tpu.memory_space<vmem>>
      %dma_start3A_370 = tpu.memref_squeeze %dma_start3A_369 : memref<1x80xi32, #tpu.memory_space<vmem>> -> memref<80xi32, #tpu.memory_space<vmem>>
      %dma_start3A_371 = arith.constant 0 : i32
      %dma_start3A_372 = arith.constant 0 : i32
      %dma_start3A_373 = tpu.memref_slice %arg21[%dma_start3A_371, %dma_start3A_372] : memref<10240x64xf32, #tpu.memory_space<vmem_shared>> -> memref<10240x64xf32, #tpu.memory_space<vmem_shared>>
      tpu.enqueue_indirect_dma source(%arg9 : memref<80x64xf32, #tpu.memory_space<vmem>>) target(%dma_start3A_373 : memref<10240x64xf32, #tpu.memory_space<vmem_shared>>) offsets(%dma_start3A_370 : memref<80xi32, #tpu.memory_space<vmem>>) semaphore(%arg18 : memref<!tpu.dma_semaphore, #tpu.memory_space<semaphore_mem>>) {add = true}
      %jit3A_374 = arith.constant 2 : i32
      %eq3A_375 = arith.constant 0 : i32
      %eq3A_376 = arith.cmpi eq, %jit3A_374, %eq3A_375 : i32
      %jit3A_377 = arith.constant 1 : i32
      %select_n3A_378 = arith.select %eq3A_376, %jit3A_377, %jit3A_374 : i32
      %rem3A_379 = arith.remsi %add3A_343, %select_n3A_378 : i32
      %ne3A_380 = arith.constant 0 : i32
      %ne3A_381 = arith.cmpi ne, %rem3A_379, %ne3A_380 : i32
      %lt3A = arith.constant 0 : i32
      %lt3A_382 = arith.cmpi slt, %rem3A_379, %lt3A : i32
      %lt3A_383 = arith.constant 0 : i32
      %lt3A_384 = arith.cmpi slt, %select_n3A_378, %lt3A_383 : i32
      %ne3A_385 = arith.xori %lt3A_382, %lt3A_384 : i1
      %and3A_386 = arith.andi %ne3A_385, %ne3A_381 : i1
      %add3A_387 = arith.addi %rem3A_379, %select_n3A_378 : i32
      %select_n3A_388 = arith.select %and3A_386, %add3A_387, %rem3A_379 : i32
      %eq3A_389 = arith.cmpi eq, %select_n3A_388, %arg0 : i32
      %convert_element_type3A = arith.extui %eq3A_389 : i1 to i32
      %cond3A = arith.constant 0 : i32
      %cond3A_390 = arith.cmpi ne, %convert_element_type3A, %cond3A : i32
      scf.if %cond3A_390 {
        %dma_start3A_690 = arith.constant 0 : i32
        %dma_start3A_691 = tpu.memref_slice %arg8[%add3A_343, %dma_start3A_690] : memref<250x80xi32, #tpu.memory_space<vmem>> -> memref<1x80xi32, #tpu.memory_space<vmem>>
        %dma_start3A_692 = tpu.memref_squeeze %dma_start3A_691 : memref<1x80xi32, #tpu.memory_space<vmem>> -> memref<80xi32, #tpu.memory_space<vmem>>
        %dma_start3A_693 = arith.constant 0 : i32
        %dma_start3A_694 = arith.constant 0 : i32
        %dma_start3A_695 = tpu.memref_slice %arg22[%dma_start3A_693, %dma_start3A_694] : memref<10240x16xf32, #tpu.memory_space<vmem_shared>> -> memref<10240x16xf32, #tpu.memory_space<vmem_shared>>
        tpu.enqueue_indirect_dma source(%arg16 : memref<80x16xf32, #tpu.memory_space<vmem>>) target(%dma_start3A_695 : memref<10240x16xf32, #tpu.memory_space<vmem_shared>>) offsets(%dma_start3A_692 : memref<80xi32, #tpu.memory_space<vmem>>) semaphore(%arg19 : memref<!tpu.dma_semaphore, #tpu.memory_space<semaphore_mem>>) {add = true}
        %ge3A_696 = arith.constant 2 : i32
        %ge3A_697 = arith.cmpi sge, %add3A_343, %ge3A_696 : i32
        %convert_element_type3A_698 = arith.extui %ge3A_697 : i1 to i32
        %cond3A_699 = arith.constant 0 : i32
        %cond3A_700 = arith.cmpi ne, %convert_element_type3A_698, %cond3A_699 : i32
        scf.if %cond3A_700 {
          %dma_wait3A_701 = arith.constant 0 : i32
          %dma_wait3A_702 = tpu.memref_slice %arg8[%add3A_343, %dma_wait3A_701] : memref<250x80xi32, #tpu.memory_space<vmem>> -> memref<1x80xi32, #tpu.memory_space<vmem>>
          %dma_wait3A_703 = tpu.memref_squeeze %dma_wait3A_702 : memref<1x80xi32, #tpu.memory_space<vmem>> -> memref<80xi32, #tpu.memory_space<vmem>>
          %dma_wait3A_704 = arith.constant 0 : i32
          %dma_wait3A_705 = arith.constant 0 : i32
          %dma_wait3A_706 = tpu.memref_slice %arg22[%dma_wait3A_704, %dma_wait3A_705] : memref<10240x16xf32, #tpu.memory_space<vmem_shared>> -> memref<10240x16xf32, #tpu.memory_space<vmem_shared>>
          tpu.wait_indirect_dma semaphore(%arg19 : memref<!tpu.dma_semaphore, #tpu.memory_space<semaphore_mem>>) src(%arg16 : memref<80x16xf32, #tpu.memory_space<vmem>>) dst(%dma_wait3A_706 : memref<10240x16xf32, #tpu.memory_space<vmem_shared>>)
        } else {
        }
      } else {
      }
      %ge3A = arith.constant 1 : i32
      %ge3A_391 = arith.cmpi sge, %add3A_343, %ge3A : i32
      %convert_element_type3A_392 = arith.extui %ge3A_391 : i1 to i32
      %cond3A_393 = arith.constant 0 : i32
      %cond3A_394 = arith.cmpi ne, %convert_element_type3A_392, %cond3A_393 : i32
      scf.if %cond3A_394 {
        %dma_wait3A_690 = arith.constant 0 : i32
        %dma_wait3A_691 = tpu.memref_slice %arg8[%add3A_343, %dma_wait3A_690] : memref<250x80xi32, #tpu.memory_space<vmem>> -> memref<1x80xi32, #tpu.memory_space<vmem>>
        %dma_wait3A_692 = tpu.memref_squeeze %dma_wait3A_691 : memref<1x80xi32, #tpu.memory_space<vmem>> -> memref<80xi32, #tpu.memory_space<vmem>>
        %dma_wait3A_693 = arith.constant 0 : i32
        %dma_wait3A_694 = arith.constant 0 : i32
        %dma_wait3A_695 = tpu.memref_slice %arg21[%dma_wait3A_693, %dma_wait3A_694] : memref<10240x64xf32, #tpu.memory_space<vmem_shared>> -> memref<10240x64xf32, #tpu.memory_space<vmem_shared>>
        tpu.wait_indirect_dma semaphore(%arg18 : memref<!tpu.dma_semaphore, #tpu.memory_space<semaphore_mem>>) src(%arg9 : memref<80x64xf32, #tpu.memory_space<vmem>>) dst(%dma_wait3A_695 : memref<10240x64xf32, #tpu.memory_space<vmem_shared>>)
      } else {
      }
      %add3A_395 = arith.constant 4 : i32
      %add3A_396 = arith.addi %add3A_343, %add3A_395 : i32
      %lt3A_397 = arith.constant 250 : i32
      %lt3A_398 = arith.cmpi slt, %add3A_396, %lt3A_397 : i32
      %convert_element_type3A_399 = arith.extui %lt3A_398 : i1 to i32
      %cond3A_400 = arith.constant 0 : i32
      %cond3A_401 = arith.cmpi ne, %convert_element_type3A_399, %cond3A_400 : i32
      scf.if %cond3A_401 {
        %add3A_690 = arith.constant 4 : i32
        %add3A_691 = arith.addi %add3A_343, %add3A_690 : i32
        %jit3A_692 = arith.constant 1 : i32
        %div3A_693 = arith.divsi %add3A_691, %jit3A_692 : i32
        %sign3A_694 = arith.constant 0 : i32
        %sign3A_695 = arith.cmpi sgt, %add3A_691, %sign3A_694 : i32
        %sign3A_696 = arith.extui %sign3A_695 : i1 to i32
        %sign3A_697 = arith.constant 0 : i32
        %sign3A_698 = arith.cmpi slt, %add3A_691, %sign3A_697 : i32
        %sign3A_699 = arith.extui %sign3A_698 : i1 to i32
        %sign3A_700 = arith.subi %sign3A_696, %sign3A_699 : i32
        %sign3A_701 = arith.constant 0 : i32
        %sign3A_702 = arith.cmpi sgt, %jit3A_692, %sign3A_701 : i32
        %sign3A_703 = arith.extui %sign3A_702 : i1 to i32
        %sign3A_704 = arith.constant 0 : i32
        %sign3A_705 = arith.cmpi slt, %jit3A_692, %sign3A_704 : i32
        %sign3A_706 = arith.extui %sign3A_705 : i1 to i32
        %sign3A_707 = arith.subi %sign3A_703, %sign3A_706 : i32
        %ne3A_708 = arith.cmpi ne, %sign3A_700, %sign3A_707 : i32
        %rem3A_709 = arith.remsi %add3A_691, %jit3A_692 : i32
        %ne3A_710 = arith.constant 0 : i32
        %ne3A_711 = arith.cmpi ne, %rem3A_709, %ne3A_710 : i32
        %and3A_712 = arith.andi %ne3A_708, %ne3A_711 : i1
        %sub3A_713 = arith.constant 1 : i32
        %sub3A_714 = arith.subi %div3A_693, %sub3A_713 : i32
        %select_n3A_715 = arith.select %and3A_712, %sub3A_714, %div3A_693 : i32
        %dma_start3A_716 = arith.constant 0 : i32
        %dma_start3A_717 = tpu.memref_slice %arg7[%select_n3A_715, %dma_start3A_716] : memref<250x80xi32, #tpu.memory_space<vmem>> -> memref<1x80xi32, #tpu.memory_space<vmem>>
        %dma_start3A_718 = tpu.memref_squeeze %dma_start3A_717 : memref<1x80xi32, #tpu.memory_space<vmem>> -> memref<80xi32, #tpu.memory_space<vmem>>
        %dma_start3A_719 = arith.constant 0 : i32
        %dma_start3A_720 = arith.constant 0 : i32
        %dma_start3A_721 = tpu.memref_slice %arg2[%dma_start3A_719, %dma_start3A_720] : memref<20000x64xf32, #tpu.memory_space<hbm>> -> memref<20000x64xf32, #tpu.memory_space<hbm>>
        tpu.enqueue_indirect_dma source(%dma_start3A_721 : memref<20000x64xf32, #tpu.memory_space<hbm>>) target(%arg13 : memref<80x64xf32, #tpu.memory_space<vmem>>) offsets(%dma_start3A_718 : memref<80xi32, #tpu.memory_space<vmem>>) semaphore(%arg17 : memref<!tpu.dma_semaphore, #tpu.memory_space<semaphore_mem>>)
      } else {
      }
      %mul3A_402 = arith.constant 5 : i32
      %mul3A_403 = arith.muli %scan3A_339, %mul3A_402 : i32
      %add3A_404 = arith.constant 1 : i32
      %add3A_405 = arith.addi %mul3A_403, %add3A_404 : i32
      %jit3A_406 = arith.constant 1 : i32
      %div3A_407 = arith.divsi %add3A_405, %jit3A_406 : i32
      %sign3A_408 = arith.constant 0 : i32
      %sign3A_409 = arith.cmpi sgt, %add3A_405, %sign3A_408 : i32
      %sign3A_410 = arith.extui %sign3A_409 : i1 to i32
      %sign3A_411 = arith.constant 0 : i32
      %sign3A_412 = arith.cmpi slt, %add3A_405, %sign3A_411 : i32
      %sign3A_413 = arith.extui %sign3A_412 : i1 to i32
      %sign3A_414 = arith.subi %sign3A_410, %sign3A_413 : i32
      %sign3A_415 = arith.constant 0 : i32
      %sign3A_416 = arith.cmpi sgt, %jit3A_406, %sign3A_415 : i32
      %sign3A_417 = arith.extui %sign3A_416 : i1 to i32
      %sign3A_418 = arith.constant 0 : i32
      %sign3A_419 = arith.cmpi slt, %jit3A_406, %sign3A_418 : i32
      %sign3A_420 = arith.extui %sign3A_419 : i1 to i32
      %sign3A_421 = arith.subi %sign3A_417, %sign3A_420 : i32
      %ne3A_422 = arith.cmpi ne, %sign3A_414, %sign3A_421 : i32
      %rem3A_423 = arith.remsi %add3A_405, %jit3A_406 : i32
      %ne3A_424 = arith.constant 0 : i32
      %ne3A_425 = arith.cmpi ne, %rem3A_423, %ne3A_424 : i32
      %and3A_426 = arith.andi %ne3A_422, %ne3A_425 : i1
      %sub3A_427 = arith.constant 1 : i32
      %sub3A_428 = arith.subi %div3A_407, %sub3A_427 : i32
      %select_n3A_429 = arith.select %and3A_426, %sub3A_428, %div3A_407 : i32
      %dma_wait3A_430 = arith.constant 0 : i32
      %dma_wait3A_431 = tpu.memref_slice %arg7[%select_n3A_429, %dma_wait3A_430] : memref<250x80xi32, #tpu.memory_space<vmem>> -> memref<1x80xi32, #tpu.memory_space<vmem>>
      %dma_wait3A_432 = tpu.memref_squeeze %dma_wait3A_431 : memref<1x80xi32, #tpu.memory_space<vmem>> -> memref<80xi32, #tpu.memory_space<vmem>>
      %dma_wait3A_433 = arith.constant 0 : i32
      %dma_wait3A_434 = arith.constant 0 : i32
      %dma_wait3A_435 = tpu.memref_slice %arg2[%dma_wait3A_433, %dma_wait3A_434] : memref<20000x64xf32, #tpu.memory_space<hbm>> -> memref<20000x64xf32, #tpu.memory_space<hbm>>
      tpu.wait_indirect_dma semaphore(%arg17 : memref<!tpu.dma_semaphore, #tpu.memory_space<semaphore_mem>>) src(%dma_wait3A_435 : memref<20000x64xf32, #tpu.memory_space<hbm>>) dst(%arg10 : memref<80x64xf32, #tpu.memory_space<vmem>>)
      %dma_start3A_436 = arith.constant 0 : i32
      %dma_start3A_437 = tpu.memref_slice %arg8[%add3A_405, %dma_start3A_436] : memref<250x80xi32, #tpu.memory_space<vmem>> -> memref<1x80xi32, #tpu.memory_space<vmem>>
      %dma_start3A_438 = tpu.memref_squeeze %dma_start3A_437 : memref<1x80xi32, #tpu.memory_space<vmem>> -> memref<80xi32, #tpu.memory_space<vmem>>
      %dma_start3A_439 = arith.constant 0 : i32
      %dma_start3A_440 = arith.constant 0 : i32
      %dma_start3A_441 = tpu.memref_slice %arg21[%dma_start3A_439, %dma_start3A_440] : memref<10240x64xf32, #tpu.memory_space<vmem_shared>> -> memref<10240x64xf32, #tpu.memory_space<vmem_shared>>
      tpu.enqueue_indirect_dma source(%arg10 : memref<80x64xf32, #tpu.memory_space<vmem>>) target(%dma_start3A_441 : memref<10240x64xf32, #tpu.memory_space<vmem_shared>>) offsets(%dma_start3A_438 : memref<80xi32, #tpu.memory_space<vmem>>) semaphore(%arg18 : memref<!tpu.dma_semaphore, #tpu.memory_space<semaphore_mem>>) {add = true}
      %jit3A_442 = arith.constant 2 : i32
      %eq3A_443 = arith.constant 0 : i32
      %eq3A_444 = arith.cmpi eq, %jit3A_442, %eq3A_443 : i32
      %jit3A_445 = arith.constant 1 : i32
      %select_n3A_446 = arith.select %eq3A_444, %jit3A_445, %jit3A_442 : i32
      %rem3A_447 = arith.remsi %add3A_405, %select_n3A_446 : i32
      %ne3A_448 = arith.constant 0 : i32
      %ne3A_449 = arith.cmpi ne, %rem3A_447, %ne3A_448 : i32
      %lt3A_450 = arith.constant 0 : i32
      %lt3A_451 = arith.cmpi slt, %rem3A_447, %lt3A_450 : i32
      %lt3A_452 = arith.constant 0 : i32
      %lt3A_453 = arith.cmpi slt, %select_n3A_446, %lt3A_452 : i32
      %ne3A_454 = arith.xori %lt3A_451, %lt3A_453 : i1
      %and3A_455 = arith.andi %ne3A_454, %ne3A_449 : i1
      %add3A_456 = arith.addi %rem3A_447, %select_n3A_446 : i32
      %select_n3A_457 = arith.select %and3A_455, %add3A_456, %rem3A_447 : i32
      %eq3A_458 = arith.cmpi eq, %select_n3A_457, %arg0 : i32
      %convert_element_type3A_459 = arith.extui %eq3A_458 : i1 to i32
      %cond3A_460 = arith.constant 0 : i32
      %cond3A_461 = arith.cmpi ne, %convert_element_type3A_459, %cond3A_460 : i32
      scf.if %cond3A_461 {
        %dma_start3A_690 = arith.constant 0 : i32
        %dma_start3A_691 = tpu.memref_slice %arg8[%add3A_405, %dma_start3A_690] : memref<250x80xi32, #tpu.memory_space<vmem>> -> memref<1x80xi32, #tpu.memory_space<vmem>>
        %dma_start3A_692 = tpu.memref_squeeze %dma_start3A_691 : memref<1x80xi32, #tpu.memory_space<vmem>> -> memref<80xi32, #tpu.memory_space<vmem>>
        %dma_start3A_693 = arith.constant 0 : i32
        %dma_start3A_694 = arith.constant 0 : i32
        %dma_start3A_695 = tpu.memref_slice %arg22[%dma_start3A_693, %dma_start3A_694] : memref<10240x16xf32, #tpu.memory_space<vmem_shared>> -> memref<10240x16xf32, #tpu.memory_space<vmem_shared>>
        tpu.enqueue_indirect_dma source(%arg16 : memref<80x16xf32, #tpu.memory_space<vmem>>) target(%dma_start3A_695 : memref<10240x16xf32, #tpu.memory_space<vmem_shared>>) offsets(%dma_start3A_692 : memref<80xi32, #tpu.memory_space<vmem>>) semaphore(%arg19 : memref<!tpu.dma_semaphore, #tpu.memory_space<semaphore_mem>>) {add = true}
        %ge3A_696 = arith.constant 2 : i32
        %ge3A_697 = arith.cmpi sge, %add3A_405, %ge3A_696 : i32
        %convert_element_type3A_698 = arith.extui %ge3A_697 : i1 to i32
        %cond3A_699 = arith.constant 0 : i32
        %cond3A_700 = arith.cmpi ne, %convert_element_type3A_698, %cond3A_699 : i32
        scf.if %cond3A_700 {
          %dma_wait3A_701 = arith.constant 0 : i32
          %dma_wait3A_702 = tpu.memref_slice %arg8[%add3A_405, %dma_wait3A_701] : memref<250x80xi32, #tpu.memory_space<vmem>> -> memref<1x80xi32, #tpu.memory_space<vmem>>
          %dma_wait3A_703 = tpu.memref_squeeze %dma_wait3A_702 : memref<1x80xi32, #tpu.memory_space<vmem>> -> memref<80xi32, #tpu.memory_space<vmem>>
          %dma_wait3A_704 = arith.constant 0 : i32
          %dma_wait3A_705 = arith.constant 0 : i32
          %dma_wait3A_706 = tpu.memref_slice %arg22[%dma_wait3A_704, %dma_wait3A_705] : memref<10240x16xf32, #tpu.memory_space<vmem_shared>> -> memref<10240x16xf32, #tpu.memory_space<vmem_shared>>
          tpu.wait_indirect_dma semaphore(%arg19 : memref<!tpu.dma_semaphore, #tpu.memory_space<semaphore_mem>>) src(%arg16 : memref<80x16xf32, #tpu.memory_space<vmem>>) dst(%dma_wait3A_706 : memref<10240x16xf32, #tpu.memory_space<vmem_shared>>)
        } else {
        }
      } else {
      }
      %ge3A_462 = arith.constant 1 : i32
      %ge3A_463 = arith.cmpi sge, %add3A_405, %ge3A_462 : i32
      %convert_element_type3A_464 = arith.extui %ge3A_463 : i1 to i32
      %cond3A_465 = arith.constant 0 : i32
      %cond3A_466 = arith.cmpi ne, %convert_element_type3A_464, %cond3A_465 : i32
      scf.if %cond3A_466 {
        %dma_wait3A_690 = arith.constant 0 : i32
        %dma_wait3A_691 = tpu.memref_slice %arg8[%add3A_405, %dma_wait3A_690] : memref<250x80xi32, #tpu.memory_space<vmem>> -> memref<1x80xi32, #tpu.memory_space<vmem>>
        %dma_wait3A_692 = tpu.memref_squeeze %dma_wait3A_691 : memref<1x80xi32, #tpu.memory_space<vmem>> -> memref<80xi32, #tpu.memory_space<vmem>>
        %dma_wait3A_693 = arith.constant 0 : i32
        %dma_wait3A_694 = arith.constant 0 : i32
        %dma_wait3A_695 = tpu.memref_slice %arg21[%dma_wait3A_693, %dma_wait3A_694] : memref<10240x64xf32, #tpu.memory_space<vmem_shared>> -> memref<10240x64xf32, #tpu.memory_space<vmem_shared>>
        tpu.wait_indirect_dma semaphore(%arg18 : memref<!tpu.dma_semaphore, #tpu.memory_space<semaphore_mem>>) src(%arg10 : memref<80x64xf32, #tpu.memory_space<vmem>>) dst(%dma_wait3A_695 : memref<10240x64xf32, #tpu.memory_space<vmem_shared>>)
      } else {
      }
      %add3A_467 = arith.constant 4 : i32
      %add3A_468 = arith.addi %add3A_405, %add3A_467 : i32
      %lt3A_469 = arith.constant 250 : i32
      %lt3A_470 = arith.cmpi slt, %add3A_468, %lt3A_469 : i32
      %convert_element_type3A_471 = arith.extui %lt3A_470 : i1 to i32
      %cond3A_472 = arith.constant 0 : i32
      %cond3A_473 = arith.cmpi ne, %convert_element_type3A_471, %cond3A_472 : i32
      scf.if %cond3A_473 {
        %add3A_690 = arith.constant 4 : i32
        %add3A_691 = arith.addi %add3A_405, %add3A_690 : i32
        %jit3A_692 = arith.constant 1 : i32
        %div3A_693 = arith.divsi %add3A_691, %jit3A_692 : i32
        %sign3A_694 = arith.constant 0 : i32
        %sign3A_695 = arith.cmpi sgt, %add3A_691, %sign3A_694 : i32
        %sign3A_696 = arith.extui %sign3A_695 : i1 to i32
        %sign3A_697 = arith.constant 0 : i32
        %sign3A_698 = arith.cmpi slt, %add3A_691, %sign3A_697 : i32
        %sign3A_699 = arith.extui %sign3A_698 : i1 to i32
        %sign3A_700 = arith.subi %sign3A_696, %sign3A_699 : i32
        %sign3A_701 = arith.constant 0 : i32
        %sign3A_702 = arith.cmpi sgt, %jit3A_692, %sign3A_701 : i32
        %sign3A_703 = arith.extui %sign3A_702 : i1 to i32
        %sign3A_704 = arith.constant 0 : i32
        %sign3A_705 = arith.cmpi slt, %jit3A_692, %sign3A_704 : i32
        %sign3A_706 = arith.extui %sign3A_705 : i1 to i32
        %sign3A_707 = arith.subi %sign3A_703, %sign3A_706 : i32
        %ne3A_708 = arith.cmpi ne, %sign3A_700, %sign3A_707 : i32
        %rem3A_709 = arith.remsi %add3A_691, %jit3A_692 : i32
        %ne3A_710 = arith.constant 0 : i32
        %ne3A_711 = arith.cmpi ne, %rem3A_709, %ne3A_710 : i32
        %and3A_712 = arith.andi %ne3A_708, %ne3A_711 : i1
        %sub3A_713 = arith.constant 1 : i32
        %sub3A_714 = arith.subi %div3A_693, %sub3A_713 : i32
        %select_n3A_715 = arith.select %and3A_712, %sub3A_714, %div3A_693 : i32
        %dma_start3A_716 = arith.constant 0 : i32
        %dma_start3A_717 = tpu.memref_slice %arg7[%select_n3A_715, %dma_start3A_716] : memref<250x80xi32, #tpu.memory_space<vmem>> -> memref<1x80xi32, #tpu.memory_space<vmem>>
        %dma_start3A_718 = tpu.memref_squeeze %dma_start3A_717 : memref<1x80xi32, #tpu.memory_space<vmem>> -> memref<80xi32, #tpu.memory_space<vmem>>
        %dma_start3A_719 = arith.constant 0 : i32
        %dma_start3A_720 = arith.constant 0 : i32
        %dma_start3A_721 = tpu.memref_slice %arg2[%dma_start3A_719, %dma_start3A_720] : memref<20000x64xf32, #tpu.memory_space<hbm>> -> memref<20000x64xf32, #tpu.memory_space<hbm>>
        tpu.enqueue_indirect_dma source(%dma_start3A_721 : memref<20000x64xf32, #tpu.memory_space<hbm>>) target(%arg9 : memref<80x64xf32, #tpu.memory_space<vmem>>) offsets(%dma_start3A_718 : memref<80xi32, #tpu.memory_space<vmem>>) semaphore(%arg17 : memref<!tpu.dma_semaphore, #tpu.memory_space<semaphore_mem>>)
      } else {
      }
      %mul3A_474 = arith.constant 5 : i32
      %mul3A_475 = arith.muli %scan3A_339, %mul3A_474 : i32
      %add3A_476 = arith.constant 2 : i32
      %add3A_477 = arith.addi %mul3A_475, %add3A_476 : i32
      %jit3A_478 = arith.constant 1 : i32
      %div3A_479 = arith.divsi %add3A_477, %jit3A_478 : i32
      %sign3A_480 = arith.constant 0 : i32
      %sign3A_481 = arith.cmpi sgt, %add3A_477, %sign3A_480 : i32
      %sign3A_482 = arith.extui %sign3A_481 : i1 to i32
      %sign3A_483 = arith.constant 0 : i32
      %sign3A_484 = arith.cmpi slt, %add3A_477, %sign3A_483 : i32
      %sign3A_485 = arith.extui %sign3A_484 : i1 to i32
      %sign3A_486 = arith.subi %sign3A_482, %sign3A_485 : i32
      %sign3A_487 = arith.constant 0 : i32
      %sign3A_488 = arith.cmpi sgt, %jit3A_478, %sign3A_487 : i32
      %sign3A_489 = arith.extui %sign3A_488 : i1 to i32
      %sign3A_490 = arith.constant 0 : i32
      %sign3A_491 = arith.cmpi slt, %jit3A_478, %sign3A_490 : i32
      %sign3A_492 = arith.extui %sign3A_491 : i1 to i32
      %sign3A_493 = arith.subi %sign3A_489, %sign3A_492 : i32
      %ne3A_494 = arith.cmpi ne, %sign3A_486, %sign3A_493 : i32
      %rem3A_495 = arith.remsi %add3A_477, %jit3A_478 : i32
      %ne3A_496 = arith.constant 0 : i32
      %ne3A_497 = arith.cmpi ne, %rem3A_495, %ne3A_496 : i32
      %and3A_498 = arith.andi %ne3A_494, %ne3A_497 : i1
      %sub3A_499 = arith.constant 1 : i32
      %sub3A_500 = arith.subi %div3A_479, %sub3A_499 : i32
      %select_n3A_501 = arith.select %and3A_498, %sub3A_500, %div3A_479 : i32
      %dma_wait3A_502 = arith.constant 0 : i32
      %dma_wait3A_503 = tpu.memref_slice %arg7[%select_n3A_501, %dma_wait3A_502] : memref<250x80xi32, #tpu.memory_space<vmem>> -> memref<1x80xi32, #tpu.memory_space<vmem>>
      %dma_wait3A_504 = tpu.memref_squeeze %dma_wait3A_503 : memref<1x80xi32, #tpu.memory_space<vmem>> -> memref<80xi32, #tpu.memory_space<vmem>>
      %dma_wait3A_505 = arith.constant 0 : i32
      %dma_wait3A_506 = arith.constant 0 : i32
      %dma_wait3A_507 = tpu.memref_slice %arg2[%dma_wait3A_505, %dma_wait3A_506] : memref<20000x64xf32, #tpu.memory_space<hbm>> -> memref<20000x64xf32, #tpu.memory_space<hbm>>
      tpu.wait_indirect_dma semaphore(%arg17 : memref<!tpu.dma_semaphore, #tpu.memory_space<semaphore_mem>>) src(%dma_wait3A_507 : memref<20000x64xf32, #tpu.memory_space<hbm>>) dst(%arg11 : memref<80x64xf32, #tpu.memory_space<vmem>>)
      %dma_start3A_508 = arith.constant 0 : i32
      %dma_start3A_509 = tpu.memref_slice %arg8[%add3A_477, %dma_start3A_508] : memref<250x80xi32, #tpu.memory_space<vmem>> -> memref<1x80xi32, #tpu.memory_space<vmem>>
      %dma_start3A_510 = tpu.memref_squeeze %dma_start3A_509 : memref<1x80xi32, #tpu.memory_space<vmem>> -> memref<80xi32, #tpu.memory_space<vmem>>
      %dma_start3A_511 = arith.constant 0 : i32
      %dma_start3A_512 = arith.constant 0 : i32
      %dma_start3A_513 = tpu.memref_slice %arg21[%dma_start3A_511, %dma_start3A_512] : memref<10240x64xf32, #tpu.memory_space<vmem_shared>> -> memref<10240x64xf32, #tpu.memory_space<vmem_shared>>
      tpu.enqueue_indirect_dma source(%arg11 : memref<80x64xf32, #tpu.memory_space<vmem>>) target(%dma_start3A_513 : memref<10240x64xf32, #tpu.memory_space<vmem_shared>>) offsets(%dma_start3A_510 : memref<80xi32, #tpu.memory_space<vmem>>) semaphore(%arg18 : memref<!tpu.dma_semaphore, #tpu.memory_space<semaphore_mem>>) {add = true}
      %jit3A_514 = arith.constant 2 : i32
      %eq3A_515 = arith.constant 0 : i32
      %eq3A_516 = arith.cmpi eq, %jit3A_514, %eq3A_515 : i32
      %jit3A_517 = arith.constant 1 : i32
      %select_n3A_518 = arith.select %eq3A_516, %jit3A_517, %jit3A_514 : i32
      %rem3A_519 = arith.remsi %add3A_477, %select_n3A_518 : i32
      %ne3A_520 = arith.constant 0 : i32
      %ne3A_521 = arith.cmpi ne, %rem3A_519, %ne3A_520 : i32
      %lt3A_522 = arith.constant 0 : i32
      %lt3A_523 = arith.cmpi slt, %rem3A_519, %lt3A_522 : i32
      %lt3A_524 = arith.constant 0 : i32
      %lt3A_525 = arith.cmpi slt, %select_n3A_518, %lt3A_524 : i32
      %ne3A_526 = arith.xori %lt3A_523, %lt3A_525 : i1
      %and3A_527 = arith.andi %ne3A_526, %ne3A_521 : i1
      %add3A_528 = arith.addi %rem3A_519, %select_n3A_518 : i32
      %select_n3A_529 = arith.select %and3A_527, %add3A_528, %rem3A_519 : i32
      %eq3A_530 = arith.cmpi eq, %select_n3A_529, %arg0 : i32
      %convert_element_type3A_531 = arith.extui %eq3A_530 : i1 to i32
      %cond3A_532 = arith.constant 0 : i32
      %cond3A_533 = arith.cmpi ne, %convert_element_type3A_531, %cond3A_532 : i32
      scf.if %cond3A_533 {
        %dma_start3A_690 = arith.constant 0 : i32
        %dma_start3A_691 = tpu.memref_slice %arg8[%add3A_477, %dma_start3A_690] : memref<250x80xi32, #tpu.memory_space<vmem>> -> memref<1x80xi32, #tpu.memory_space<vmem>>
        %dma_start3A_692 = tpu.memref_squeeze %dma_start3A_691 : memref<1x80xi32, #tpu.memory_space<vmem>> -> memref<80xi32, #tpu.memory_space<vmem>>
        %dma_start3A_693 = arith.constant 0 : i32
        %dma_start3A_694 = arith.constant 0 : i32
        %dma_start3A_695 = tpu.memref_slice %arg22[%dma_start3A_693, %dma_start3A_694] : memref<10240x16xf32, #tpu.memory_space<vmem_shared>> -> memref<10240x16xf32, #tpu.memory_space<vmem_shared>>
        tpu.enqueue_indirect_dma source(%arg16 : memref<80x16xf32, #tpu.memory_space<vmem>>) target(%dma_start3A_695 : memref<10240x16xf32, #tpu.memory_space<vmem_shared>>) offsets(%dma_start3A_692 : memref<80xi32, #tpu.memory_space<vmem>>) semaphore(%arg19 : memref<!tpu.dma_semaphore, #tpu.memory_space<semaphore_mem>>) {add = true}
        %ge3A_696 = arith.constant 2 : i32
        %ge3A_697 = arith.cmpi sge, %add3A_477, %ge3A_696 : i32
        %convert_element_type3A_698 = arith.extui %ge3A_697 : i1 to i32
        %cond3A_699 = arith.constant 0 : i32
        %cond3A_700 = arith.cmpi ne, %convert_element_type3A_698, %cond3A_699 : i32
        scf.if %cond3A_700 {
          %dma_wait3A_701 = arith.constant 0 : i32
          %dma_wait3A_702 = tpu.memref_slice %arg8[%add3A_477, %dma_wait3A_701] : memref<250x80xi32, #tpu.memory_space<vmem>> -> memref<1x80xi32, #tpu.memory_space<vmem>>
          %dma_wait3A_703 = tpu.memref_squeeze %dma_wait3A_702 : memref<1x80xi32, #tpu.memory_space<vmem>> -> memref<80xi32, #tpu.memory_space<vmem>>
          %dma_wait3A_704 = arith.constant 0 : i32
          %dma_wait3A_705 = arith.constant 0 : i32
          %dma_wait3A_706 = tpu.memref_slice %arg22[%dma_wait3A_704, %dma_wait3A_705] : memref<10240x16xf32, #tpu.memory_space<vmem_shared>> -> memref<10240x16xf32, #tpu.memory_space<vmem_shared>>
          tpu.wait_indirect_dma semaphore(%arg19 : memref<!tpu.dma_semaphore, #tpu.memory_space<semaphore_mem>>) src(%arg16 : memref<80x16xf32, #tpu.memory_space<vmem>>) dst(%dma_wait3A_706 : memref<10240x16xf32, #tpu.memory_space<vmem_shared>>)
        } else {
        }
      } else {
      }
      %ge3A_534 = arith.constant 1 : i32
      %ge3A_535 = arith.cmpi sge, %add3A_477, %ge3A_534 : i32
      %convert_element_type3A_536 = arith.extui %ge3A_535 : i1 to i32
      %cond3A_537 = arith.constant 0 : i32
      %cond3A_538 = arith.cmpi ne, %convert_element_type3A_536, %cond3A_537 : i32
      scf.if %cond3A_538 {
        %dma_wait3A_690 = arith.constant 0 : i32
        %dma_wait3A_691 = tpu.memref_slice %arg8[%add3A_477, %dma_wait3A_690] : memref<250x80xi32, #tpu.memory_space<vmem>> -> memref<1x80xi32, #tpu.memory_space<vmem>>
        %dma_wait3A_692 = tpu.memref_squeeze %dma_wait3A_691 : memref<1x80xi32, #tpu.memory_space<vmem>> -> memref<80xi32, #tpu.memory_space<vmem>>
        %dma_wait3A_693 = arith.constant 0 : i32
        %dma_wait3A_694 = arith.constant 0 : i32
        %dma_wait3A_695 = tpu.memref_slice %arg21[%dma_wait3A_693, %dma_wait3A_694] : memref<10240x64xf32, #tpu.memory_space<vmem_shared>> -> memref<10240x64xf32, #tpu.memory_space<vmem_shared>>
        tpu.wait_indirect_dma semaphore(%arg18 : memref<!tpu.dma_semaphore, #tpu.memory_space<semaphore_mem>>) src(%arg11 : memref<80x64xf32, #tpu.memory_space<vmem>>) dst(%dma_wait3A_695 : memref<10240x64xf32, #tpu.memory_space<vmem_shared>>)
      } else {
      }
      %add3A_539 = arith.constant 4 : i32
      %add3A_540 = arith.addi %add3A_477, %add3A_539 : i32
      %lt3A_541 = arith.constant 250 : i32
      %lt3A_542 = arith.cmpi slt, %add3A_540, %lt3A_541 : i32
      %convert_element_type3A_543 = arith.extui %lt3A_542 : i1 to i32
      %cond3A_544 = arith.constant 0 : i32
      %cond3A_545 = arith.cmpi ne, %convert_element_type3A_543, %cond3A_544 : i32
      scf.if %cond3A_545 {
        %add3A_690 = arith.constant 4 : i32
        %add3A_691 = arith.addi %add3A_477, %add3A_690 : i32
        %jit3A_692 = arith.constant 1 : i32
        %div3A_693 = arith.divsi %add3A_691, %jit3A_692 : i32
        %sign3A_694 = arith.constant 0 : i32
        %sign3A_695 = arith.cmpi sgt, %add3A_691, %sign3A_694 : i32
        %sign3A_696 = arith.extui %sign3A_695 : i1 to i32
        %sign3A_697 = arith.constant 0 : i32
        %sign3A_698 = arith.cmpi slt, %add3A_691, %sign3A_697 : i32
        %sign3A_699 = arith.extui %sign3A_698 : i1 to i32
        %sign3A_700 = arith.subi %sign3A_696, %sign3A_699 : i32
        %sign3A_701 = arith.constant 0 : i32
        %sign3A_702 = arith.cmpi sgt, %jit3A_692, %sign3A_701 : i32
        %sign3A_703 = arith.extui %sign3A_702 : i1 to i32
        %sign3A_704 = arith.constant 0 : i32
        %sign3A_705 = arith.cmpi slt, %jit3A_692, %sign3A_704 : i32
        %sign3A_706 = arith.extui %sign3A_705 : i1 to i32
        %sign3A_707 = arith.subi %sign3A_703, %sign3A_706 : i32
        %ne3A_708 = arith.cmpi ne, %sign3A_700, %sign3A_707 : i32
        %rem3A_709 = arith.remsi %add3A_691, %jit3A_692 : i32
        %ne3A_710 = arith.constant 0 : i32
        %ne3A_711 = arith.cmpi ne, %rem3A_709, %ne3A_710 : i32
        %and3A_712 = arith.andi %ne3A_708, %ne3A_711 : i1
        %sub3A_713 = arith.constant 1 : i32
        %sub3A_714 = arith.subi %div3A_693, %sub3A_713 : i32
        %select_n3A_715 = arith.select %and3A_712, %sub3A_714, %div3A_693 : i32
        %dma_start3A_716 = arith.constant 0 : i32
        %dma_start3A_717 = tpu.memref_slice %arg7[%select_n3A_715, %dma_start3A_716] : memref<250x80xi32, #tpu.memory_space<vmem>> -> memref<1x80xi32, #tpu.memory_space<vmem>>
        %dma_start3A_718 = tpu.memref_squeeze %dma_start3A_717 : memref<1x80xi32, #tpu.memory_space<vmem>> -> memref<80xi32, #tpu.memory_space<vmem>>
        %dma_start3A_719 = arith.constant 0 : i32
        %dma_start3A_720 = arith.constant 0 : i32
        %dma_start3A_721 = tpu.memref_slice %arg2[%dma_start3A_719, %dma_start3A_720] : memref<20000x64xf32, #tpu.memory_space<hbm>> -> memref<20000x64xf32, #tpu.memory_space<hbm>>
        tpu.enqueue_indirect_dma source(%dma_start3A_721 : memref<20000x64xf32, #tpu.memory_space<hbm>>) target(%arg10 : memref<80x64xf32, #tpu.memory_space<vmem>>) offsets(%dma_start3A_718 : memref<80xi32, #tpu.memory_space<vmem>>) semaphore(%arg17 : memref<!tpu.dma_semaphore, #tpu.memory_space<semaphore_mem>>)
      } else {
      }
      %mul3A_546 = arith.constant 5 : i32
      %mul3A_547 = arith.muli %scan3A_339, %mul3A_546 : i32
      %add3A_548 = arith.constant 3 : i32
      %add3A_549 = arith.addi %mul3A_547, %add3A_548 : i32
      %jit3A_550 = arith.constant 1 : i32
      %div3A_551 = arith.divsi %add3A_549, %jit3A_550 : i32
      %sign3A_552 = arith.constant 0 : i32
      %sign3A_553 = arith.cmpi sgt, %add3A_549, %sign3A_552 : i32
      %sign3A_554 = arith.extui %sign3A_553 : i1 to i32
      %sign3A_555 = arith.constant 0 : i32
      %sign3A_556 = arith.cmpi slt, %add3A_549, %sign3A_555 : i32
      %sign3A_557 = arith.extui %sign3A_556 : i1 to i32
      %sign3A_558 = arith.subi %sign3A_554, %sign3A_557 : i32
      %sign3A_559 = arith.constant 0 : i32
      %sign3A_560 = arith.cmpi sgt, %jit3A_550, %sign3A_559 : i32
      %sign3A_561 = arith.extui %sign3A_560 : i1 to i32
      %sign3A_562 = arith.constant 0 : i32
      %sign3A_563 = arith.cmpi slt, %jit3A_550, %sign3A_562 : i32
      %sign3A_564 = arith.extui %sign3A_563 : i1 to i32
      %sign3A_565 = arith.subi %sign3A_561, %sign3A_564 : i32
      %ne3A_566 = arith.cmpi ne, %sign3A_558, %sign3A_565 : i32
      %rem3A_567 = arith.remsi %add3A_549, %jit3A_550 : i32
      %ne3A_568 = arith.constant 0 : i32
      %ne3A_569 = arith.cmpi ne, %rem3A_567, %ne3A_568 : i32
      %and3A_570 = arith.andi %ne3A_566, %ne3A_569 : i1
      %sub3A_571 = arith.constant 1 : i32
      %sub3A_572 = arith.subi %div3A_551, %sub3A_571 : i32
      %select_n3A_573 = arith.select %and3A_570, %sub3A_572, %div3A_551 : i32
      %dma_wait3A_574 = arith.constant 0 : i32
      %dma_wait3A_575 = tpu.memref_slice %arg7[%select_n3A_573, %dma_wait3A_574] : memref<250x80xi32, #tpu.memory_space<vmem>> -> memref<1x80xi32, #tpu.memory_space<vmem>>
      %dma_wait3A_576 = tpu.memref_squeeze %dma_wait3A_575 : memref<1x80xi32, #tpu.memory_space<vmem>> -> memref<80xi32, #tpu.memory_space<vmem>>
      %dma_wait3A_577 = arith.constant 0 : i32
      %dma_wait3A_578 = arith.constant 0 : i32
      %dma_wait3A_579 = tpu.memref_slice %arg2[%dma_wait3A_577, %dma_wait3A_578] : memref<20000x64xf32, #tpu.memory_space<hbm>> -> memref<20000x64xf32, #tpu.memory_space<hbm>>
      tpu.wait_indirect_dma semaphore(%arg17 : memref<!tpu.dma_semaphore, #tpu.memory_space<semaphore_mem>>) src(%dma_wait3A_579 : memref<20000x64xf32, #tpu.memory_space<hbm>>) dst(%arg12 : memref<80x64xf32, #tpu.memory_space<vmem>>)
      %dma_start3A_580 = arith.constant 0 : i32
      %dma_start3A_581 = tpu.memref_slice %arg8[%add3A_549, %dma_start3A_580] : memref<250x80xi32, #tpu.memory_space<vmem>> -> memref<1x80xi32, #tpu.memory_space<vmem>>
      %dma_start3A_582 = tpu.memref_squeeze %dma_start3A_581 : memref<1x80xi32, #tpu.memory_space<vmem>> -> memref<80xi32, #tpu.memory_space<vmem>>
      %dma_start3A_583 = arith.constant 0 : i32
      %dma_start3A_584 = arith.constant 0 : i32
      %dma_start3A_585 = tpu.memref_slice %arg21[%dma_start3A_583, %dma_start3A_584] : memref<10240x64xf32, #tpu.memory_space<vmem_shared>> -> memref<10240x64xf32, #tpu.memory_space<vmem_shared>>
      tpu.enqueue_indirect_dma source(%arg12 : memref<80x64xf32, #tpu.memory_space<vmem>>) target(%dma_start3A_585 : memref<10240x64xf32, #tpu.memory_space<vmem_shared>>) offsets(%dma_start3A_582 : memref<80xi32, #tpu.memory_space<vmem>>) semaphore(%arg18 : memref<!tpu.dma_semaphore, #tpu.memory_space<semaphore_mem>>) {add = true}
      %jit3A_586 = arith.constant 2 : i32
      %eq3A_587 = arith.constant 0 : i32
      %eq3A_588 = arith.cmpi eq, %jit3A_586, %eq3A_587 : i32
      %jit3A_589 = arith.constant 1 : i32
      %select_n3A_590 = arith.select %eq3A_588, %jit3A_589, %jit3A_586 : i32
      %rem3A_591 = arith.remsi %add3A_549, %select_n3A_590 : i32
      %ne3A_592 = arith.constant 0 : i32
      %ne3A_593 = arith.cmpi ne, %rem3A_591, %ne3A_592 : i32
      %lt3A_594 = arith.constant 0 : i32
      %lt3A_595 = arith.cmpi slt, %rem3A_591, %lt3A_594 : i32
      %lt3A_596 = arith.constant 0 : i32
      %lt3A_597 = arith.cmpi slt, %select_n3A_590, %lt3A_596 : i32
      %ne3A_598 = arith.xori %lt3A_595, %lt3A_597 : i1
      %and3A_599 = arith.andi %ne3A_598, %ne3A_593 : i1
      %add3A_600 = arith.addi %rem3A_591, %select_n3A_590 : i32
      %select_n3A_601 = arith.select %and3A_599, %add3A_600, %rem3A_591 : i32
      %eq3A_602 = arith.cmpi eq, %select_n3A_601, %arg0 : i32
      %convert_element_type3A_603 = arith.extui %eq3A_602 : i1 to i32
      %cond3A_604 = arith.constant 0 : i32
      %cond3A_605 = arith.cmpi ne, %convert_element_type3A_603, %cond3A_604 : i32
      scf.if %cond3A_605 {
        %dma_start3A_690 = arith.constant 0 : i32
        %dma_start3A_691 = tpu.memref_slice %arg8[%add3A_549, %dma_start3A_690] : memref<250x80xi32, #tpu.memory_space<vmem>> -> memref<1x80xi32, #tpu.memory_space<vmem>>
        %dma_start3A_692 = tpu.memref_squeeze %dma_start3A_691 : memref<1x80xi32, #tpu.memory_space<vmem>> -> memref<80xi32, #tpu.memory_space<vmem>>
        %dma_start3A_693 = arith.constant 0 : i32
        %dma_start3A_694 = arith.constant 0 : i32
        %dma_start3A_695 = tpu.memref_slice %arg22[%dma_start3A_693, %dma_start3A_694] : memref<10240x16xf32, #tpu.memory_space<vmem_shared>> -> memref<10240x16xf32, #tpu.memory_space<vmem_shared>>
        tpu.enqueue_indirect_dma source(%arg16 : memref<80x16xf32, #tpu.memory_space<vmem>>) target(%dma_start3A_695 : memref<10240x16xf32, #tpu.memory_space<vmem_shared>>) offsets(%dma_start3A_692 : memref<80xi32, #tpu.memory_space<vmem>>) semaphore(%arg19 : memref<!tpu.dma_semaphore, #tpu.memory_space<semaphore_mem>>) {add = true}
        %ge3A_696 = arith.constant 2 : i32
        %ge3A_697 = arith.cmpi sge, %add3A_549, %ge3A_696 : i32
        %convert_element_type3A_698 = arith.extui %ge3A_697 : i1 to i32
        %cond3A_699 = arith.constant 0 : i32
        %cond3A_700 = arith.cmpi ne, %convert_element_type3A_698, %cond3A_699 : i32
        scf.if %cond3A_700 {
          %dma_wait3A_701 = arith.constant 0 : i32
          %dma_wait3A_702 = tpu.memref_slice %arg8[%add3A_549, %dma_wait3A_701] : memref<250x80xi32, #tpu.memory_space<vmem>> -> memref<1x80xi32, #tpu.memory_space<vmem>>
          %dma_wait3A_703 = tpu.memref_squeeze %dma_wait3A_702 : memref<1x80xi32, #tpu.memory_space<vmem>> -> memref<80xi32, #tpu.memory_space<vmem>>
          %dma_wait3A_704 = arith.constant 0 : i32
          %dma_wait3A_705 = arith.constant 0 : i32
          %dma_wait3A_706 = tpu.memref_slice %arg22[%dma_wait3A_704, %dma_wait3A_705] : memref<10240x16xf32, #tpu.memory_space<vmem_shared>> -> memref<10240x16xf32, #tpu.memory_space<vmem_shared>>
          tpu.wait_indirect_dma semaphore(%arg19 : memref<!tpu.dma_semaphore, #tpu.memory_space<semaphore_mem>>) src(%arg16 : memref<80x16xf32, #tpu.memory_space<vmem>>) dst(%dma_wait3A_706 : memref<10240x16xf32, #tpu.memory_space<vmem_shared>>)
        } else {
        }
      } else {
      }
      %ge3A_606 = arith.constant 1 : i32
      %ge3A_607 = arith.cmpi sge, %add3A_549, %ge3A_606 : i32
      %convert_element_type3A_608 = arith.extui %ge3A_607 : i1 to i32
      %cond3A_609 = arith.constant 0 : i32
      %cond3A_610 = arith.cmpi ne, %convert_element_type3A_608, %cond3A_609 : i32
      scf.if %cond3A_610 {
        %dma_wait3A_690 = arith.constant 0 : i32
        %dma_wait3A_691 = tpu.memref_slice %arg8[%add3A_549, %dma_wait3A_690] : memref<250x80xi32, #tpu.memory_space<vmem>> -> memref<1x80xi32, #tpu.memory_space<vmem>>
        %dma_wait3A_692 = tpu.memref_squeeze %dma_wait3A_691 : memref<1x80xi32, #tpu.memory_space<vmem>> -> memref<80xi32, #tpu.memory_space<vmem>>
        %dma_wait3A_693 = arith.constant 0 : i32
        %dma_wait3A_694 = arith.constant 0 : i32
        %dma_wait3A_695 = tpu.memref_slice %arg21[%dma_wait3A_693, %dma_wait3A_694] : memref<10240x64xf32, #tpu.memory_space<vmem_shared>> -> memref<10240x64xf32, #tpu.memory_space<vmem_shared>>
        tpu.wait_indirect_dma semaphore(%arg18 : memref<!tpu.dma_semaphore, #tpu.memory_space<semaphore_mem>>) src(%arg12 : memref<80x64xf32, #tpu.memory_space<vmem>>) dst(%dma_wait3A_695 : memref<10240x64xf32, #tpu.memory_space<vmem_shared>>)
      } else {
      }
      %add3A_611 = arith.constant 4 : i32
      %add3A_612 = arith.addi %add3A_549, %add3A_611 : i32
      %lt3A_613 = arith.constant 250 : i32
      %lt3A_614 = arith.cmpi slt, %add3A_612, %lt3A_613 : i32
      %convert_element_type3A_615 = arith.extui %lt3A_614 : i1 to i32
      %cond3A_616 = arith.constant 0 : i32
      %cond3A_617 = arith.cmpi ne, %convert_element_type3A_615, %cond3A_616 : i32
      scf.if %cond3A_617 {
        %add3A_690 = arith.constant 4 : i32
        %add3A_691 = arith.addi %add3A_549, %add3A_690 : i32
        %jit3A_692 = arith.constant 1 : i32
        %div3A_693 = arith.divsi %add3A_691, %jit3A_692 : i32
        %sign3A_694 = arith.constant 0 : i32
        %sign3A_695 = arith.cmpi sgt, %add3A_691, %sign3A_694 : i32
        %sign3A_696 = arith.extui %sign3A_695 : i1 to i32
        %sign3A_697 = arith.constant 0 : i32
        %sign3A_698 = arith.cmpi slt, %add3A_691, %sign3A_697 : i32
        %sign3A_699 = arith.extui %sign3A_698 : i1 to i32
        %sign3A_700 = arith.subi %sign3A_696, %sign3A_699 : i32
        %sign3A_701 = arith.constant 0 : i32
        %sign3A_702 = arith.cmpi sgt, %jit3A_692, %sign3A_701 : i32
        %sign3A_703 = arith.extui %sign3A_702 : i1 to i32
        %sign3A_704 = arith.constant 0 : i32
        %sign3A_705 = arith.cmpi slt, %jit3A_692, %sign3A_704 : i32
        %sign3A_706 = arith.extui %sign3A_705 : i1 to i32
        %sign3A_707 = arith.subi %sign3A_703, %sign3A_706 : i32
        %ne3A_708 = arith.cmpi ne, %sign3A_700, %sign3A_707 : i32
        %rem3A_709 = arith.remsi %add3A_691, %jit3A_692 : i32
        %ne3A_710 = arith.constant 0 : i32
        %ne3A_711 = arith.cmpi ne, %rem3A_709, %ne3A_710 : i32
        %and3A_712 = arith.andi %ne3A_708, %ne3A_711 : i1
        %sub3A_713 = arith.constant 1 : i32
        %sub3A_714 = arith.subi %div3A_693, %sub3A_713 : i32
        %select_n3A_715 = arith.select %and3A_712, %sub3A_714, %div3A_693 : i32
        %dma_start3A_716 = arith.constant 0 : i32
        %dma_start3A_717 = tpu.memref_slice %arg7[%select_n3A_715, %dma_start3A_716] : memref<250x80xi32, #tpu.memory_space<vmem>> -> memref<1x80xi32, #tpu.memory_space<vmem>>
        %dma_start3A_718 = tpu.memref_squeeze %dma_start3A_717 : memref<1x80xi32, #tpu.memory_space<vmem>> -> memref<80xi32, #tpu.memory_space<vmem>>
        %dma_start3A_719 = arith.constant 0 : i32
        %dma_start3A_720 = arith.constant 0 : i32
        %dma_start3A_721 = tpu.memref_slice %arg2[%dma_start3A_719, %dma_start3A_720] : memref<20000x64xf32, #tpu.memory_space<hbm>> -> memref<20000x64xf32, #tpu.memory_space<hbm>>
        tpu.enqueue_indirect_dma source(%dma_start3A_721 : memref<20000x64xf32, #tpu.memory_space<hbm>>) target(%arg11 : memref<80x64xf32, #tpu.memory_space<vmem>>) offsets(%dma_start3A_718 : memref<80xi32, #tpu.memory_space<vmem>>) semaphore(%arg17 : memref<!tpu.dma_semaphore, #tpu.memory_space<semaphore_mem>>)
      } else {
      }
      %mul3A_618 = arith.constant 5 : i32
      %mul3A_619 = arith.muli %scan3A_339, %mul3A_618 : i32
      %add3A_620 = arith.constant 4 : i32
      %add3A_621 = arith.addi %mul3A_619, %add3A_620 : i32
      %jit3A_622 = arith.constant 1 : i32
      %div3A_623 = arith.divsi %add3A_621, %jit3A_622 : i32
      %sign3A_624 = arith.constant 0 : i32
      %sign3A_625 = arith.cmpi sgt, %add3A_621, %sign3A_624 : i32
      %sign3A_626 = arith.extui %sign3A_625 : i1 to i32
      %sign3A_627 = arith.constant 0 : i32
      %sign3A_628 = arith.cmpi slt, %add3A_621, %sign3A_627 : i32
      %sign3A_629 = arith.extui %sign3A_628 : i1 to i32
      %sign3A_630 = arith.subi %sign3A_626, %sign3A_629 : i32
      %sign3A_631 = arith.constant 0 : i32
      %sign3A_632 = arith.cmpi sgt, %jit3A_622, %sign3A_631 : i32
      %sign3A_633 = arith.extui %sign3A_632 : i1 to i32
      %sign3A_634 = arith.constant 0 : i32
      %sign3A_635 = arith.cmpi slt, %jit3A_622, %sign3A_634 : i32
      %sign3A_636 = arith.extui %sign3A_635 : i1 to i32
      %sign3A_637 = arith.subi %sign3A_633, %sign3A_636 : i32
      %ne3A_638 = arith.cmpi ne, %sign3A_630, %sign3A_637 : i32
      %rem3A_639 = arith.remsi %add3A_621, %jit3A_622 : i32
      %ne3A_640 = arith.constant 0 : i32
      %ne3A_641 = arith.cmpi ne, %rem3A_639, %ne3A_640 : i32
      %and3A_642 = arith.andi %ne3A_638, %ne3A_641 : i1
      %sub3A_643 = arith.constant 1 : i32
      %sub3A_644 = arith.subi %div3A_623, %sub3A_643 : i32
      %select_n3A_645 = arith.select %and3A_642, %sub3A_644, %div3A_623 : i32
      %dma_wait3A_646 = arith.constant 0 : i32
      %dma_wait3A_647 = tpu.memref_slice %arg7[%select_n3A_645, %dma_wait3A_646] : memref<250x80xi32, #tpu.memory_space<vmem>> -> memref<1x80xi32, #tpu.memory_space<vmem>>
      %dma_wait3A_648 = tpu.memref_squeeze %dma_wait3A_647 : memref<1x80xi32, #tpu.memory_space<vmem>> -> memref<80xi32, #tpu.memory_space<vmem>>
      %dma_wait3A_649 = arith.constant 0 : i32
      %dma_wait3A_650 = arith.constant 0 : i32
      %dma_wait3A_651 = tpu.memref_slice %arg2[%dma_wait3A_649, %dma_wait3A_650] : memref<20000x64xf32, #tpu.memory_space<hbm>> -> memref<20000x64xf32, #tpu.memory_space<hbm>>
      tpu.wait_indirect_dma semaphore(%arg17 : memref<!tpu.dma_semaphore, #tpu.memory_space<semaphore_mem>>) src(%dma_wait3A_651 : memref<20000x64xf32, #tpu.memory_space<hbm>>) dst(%arg13 : memref<80x64xf32, #tpu.memory_space<vmem>>)
      %dma_start3A_652 = arith.constant 0 : i32
      %dma_start3A_653 = tpu.memref_slice %arg8[%add3A_621, %dma_start3A_652] : memref<250x80xi32, #tpu.memory_space<vmem>> -> memref<1x80xi32, #tpu.memory_space<vmem>>
      %dma_start3A_654 = tpu.memref_squeeze %dma_start3A_653 : memref<1x80xi32, #tpu.memory_space<vmem>> -> memref<80xi32, #tpu.memory_space<vmem>>
      %dma_start3A_655 = arith.constant 0 : i32
      %dma_start3A_656 = arith.constant 0 : i32
      %dma_start3A_657 = tpu.memref_slice %arg21[%dma_start3A_655, %dma_start3A_656] : memref<10240x64xf32, #tpu.memory_space<vmem_shared>> -> memref<10240x64xf32, #tpu.memory_space<vmem_shared>>
      tpu.enqueue_indirect_dma source(%arg13 : memref<80x64xf32, #tpu.memory_space<vmem>>) target(%dma_start3A_657 : memref<10240x64xf32, #tpu.memory_space<vmem_shared>>) offsets(%dma_start3A_654 : memref<80xi32, #tpu.memory_space<vmem>>) semaphore(%arg18 : memref<!tpu.dma_semaphore, #tpu.memory_space<semaphore_mem>>) {add = true}
      %jit3A_658 = arith.constant 2 : i32
      %eq3A_659 = arith.constant 0 : i32
      %eq3A_660 = arith.cmpi eq, %jit3A_658, %eq3A_659 : i32
      %jit3A_661 = arith.constant 1 : i32
      %select_n3A_662 = arith.select %eq3A_660, %jit3A_661, %jit3A_658 : i32
      %rem3A_663 = arith.remsi %add3A_621, %select_n3A_662 : i32
      %ne3A_664 = arith.constant 0 : i32
      %ne3A_665 = arith.cmpi ne, %rem3A_663, %ne3A_664 : i32
      %lt3A_666 = arith.constant 0 : i32
      %lt3A_667 = arith.cmpi slt, %rem3A_663, %lt3A_666 : i32
      %lt3A_668 = arith.constant 0 : i32
      %lt3A_669 = arith.cmpi slt, %select_n3A_662, %lt3A_668 : i32
      %ne3A_670 = arith.xori %lt3A_667, %lt3A_669 : i1
      %and3A_671 = arith.andi %ne3A_670, %ne3A_665 : i1
      %add3A_672 = arith.addi %rem3A_663, %select_n3A_662 : i32
      %select_n3A_673 = arith.select %and3A_671, %add3A_672, %rem3A_663 : i32
      %eq3A_674 = arith.cmpi eq, %select_n3A_673, %arg0 : i32
      %convert_element_type3A_675 = arith.extui %eq3A_674 : i1 to i32
      %cond3A_676 = arith.constant 0 : i32
      %cond3A_677 = arith.cmpi ne, %convert_element_type3A_675, %cond3A_676 : i32
      scf.if %cond3A_677 {
        %dma_start3A_690 = arith.constant 0 : i32
        %dma_start3A_691 = tpu.memref_slice %arg8[%add3A_621, %dma_start3A_690] : memref<250x80xi32, #tpu.memory_space<vmem>> -> memref<1x80xi32, #tpu.memory_space<vmem>>
        %dma_start3A_692 = tpu.memref_squeeze %dma_start3A_691 : memref<1x80xi32, #tpu.memory_space<vmem>> -> memref<80xi32, #tpu.memory_space<vmem>>
        %dma_start3A_693 = arith.constant 0 : i32
        %dma_start3A_694 = arith.constant 0 : i32
        %dma_start3A_695 = tpu.memref_slice %arg22[%dma_start3A_693, %dma_start3A_694] : memref<10240x16xf32, #tpu.memory_space<vmem_shared>> -> memref<10240x16xf32, #tpu.memory_space<vmem_shared>>
        tpu.enqueue_indirect_dma source(%arg16 : memref<80x16xf32, #tpu.memory_space<vmem>>) target(%dma_start3A_695 : memref<10240x16xf32, #tpu.memory_space<vmem_shared>>) offsets(%dma_start3A_692 : memref<80xi32, #tpu.memory_space<vmem>>) semaphore(%arg19 : memref<!tpu.dma_semaphore, #tpu.memory_space<semaphore_mem>>) {add = true}
        %ge3A_696 = arith.constant 2 : i32
        %ge3A_697 = arith.cmpi sge, %add3A_621, %ge3A_696 : i32
        %convert_element_type3A_698 = arith.extui %ge3A_697 : i1 to i32
        %cond3A_699 = arith.constant 0 : i32
        %cond3A_700 = arith.cmpi ne, %convert_element_type3A_698, %cond3A_699 : i32
        scf.if %cond3A_700 {
          %dma_wait3A_701 = arith.constant 0 : i32
          %dma_wait3A_702 = tpu.memref_slice %arg8[%add3A_621, %dma_wait3A_701] : memref<250x80xi32, #tpu.memory_space<vmem>> -> memref<1x80xi32, #tpu.memory_space<vmem>>
          %dma_wait3A_703 = tpu.memref_squeeze %dma_wait3A_702 : memref<1x80xi32, #tpu.memory_space<vmem>> -> memref<80xi32, #tpu.memory_space<vmem>>
          %dma_wait3A_704 = arith.constant 0 : i32
          %dma_wait3A_705 = arith.constant 0 : i32
          %dma_wait3A_706 = tpu.memref_slice %arg22[%dma_wait3A_704, %dma_wait3A_705] : memref<10240x16xf32, #tpu.memory_space<vmem_shared>> -> memref<10240x16xf32, #tpu.memory_space<vmem_shared>>
          tpu.wait_indirect_dma semaphore(%arg19 : memref<!tpu.dma_semaphore, #tpu.memory_space<semaphore_mem>>) src(%arg16 : memref<80x16xf32, #tpu.memory_space<vmem>>) dst(%dma_wait3A_706 : memref<10240x16xf32, #tpu.memory_space<vmem_shared>>)
        } else {
        }
      } else {
      }
      %ge3A_678 = arith.constant 1 : i32
      %ge3A_679 = arith.cmpi sge, %add3A_621, %ge3A_678 : i32
      %convert_element_type3A_680 = arith.extui %ge3A_679 : i1 to i32
      %cond3A_681 = arith.constant 0 : i32
      %cond3A_682 = arith.cmpi ne, %convert_element_type3A_680, %cond3A_681 : i32
      scf.if %cond3A_682 {
        %dma_wait3A_690 = arith.constant 0 : i32
        %dma_wait3A_691 = tpu.memref_slice %arg8[%add3A_621, %dma_wait3A_690] : memref<250x80xi32, #tpu.memory_space<vmem>> -> memref<1x80xi32, #tpu.memory_space<vmem>>
        %dma_wait3A_692 = tpu.memref_squeeze %dma_wait3A_691 : memref<1x80xi32, #tpu.memory_space<vmem>> -> memref<80xi32, #tpu.memory_space<vmem>>
        %dma_wait3A_693 = arith.constant 0 : i32
        %dma_wait3A_694 = arith.constant 0 : i32
        %dma_wait3A_695 = tpu.memref_slice %arg21[%dma_wait3A_693, %dma_wait3A_694] : memref<10240x64xf32, #tpu.memory_space<vmem_shared>> -> memref<10240x64xf32, #tpu.memory_space<vmem_shared>>
        tpu.wait_indirect_dma semaphore(%arg18 : memref<!tpu.dma_semaphore, #tpu.memory_space<semaphore_mem>>) src(%arg13 : memref<80x64xf32, #tpu.memory_space<vmem>>) dst(%dma_wait3A_695 : memref<10240x64xf32, #tpu.memory_space<vmem_shared>>)
      } else {
      }
      %add3A_683 = arith.constant 4 : i32
      %add3A_684 = arith.addi %add3A_621, %add3A_683 : i32
      %lt3A_685 = arith.constant 250 : i32
      %lt3A_686 = arith.cmpi slt, %add3A_684, %lt3A_685 : i32
      %convert_element_type3A_687 = arith.extui %lt3A_686 : i1 to i32
      %cond3A_688 = arith.constant 0 : i32
      %cond3A_689 = arith.cmpi ne, %convert_element_type3A_687, %cond3A_688 : i32
      scf.if %cond3A_689 {
        %add3A_690 = arith.constant 4 : i32
        %add3A_691 = arith.addi %add3A_621, %add3A_690 : i32
        %jit3A_692 = arith.constant 1 : i32
        %div3A_693 = arith.divsi %add3A_691, %jit3A_692 : i32
        %sign3A_694 = arith.constant 0 : i32
        %sign3A_695 = arith.cmpi sgt, %add3A_691, %sign3A_694 : i32
        %sign3A_696 = arith.extui %sign3A_695 : i1 to i32
        %sign3A_697 = arith.constant 0 : i32
        %sign3A_698 = arith.cmpi slt, %add3A_691, %sign3A_697 : i32
        %sign3A_699 = arith.extui %sign3A_698 : i1 to i32
        %sign3A_700 = arith.subi %sign3A_696, %sign3A_699 : i32
        %sign3A_701 = arith.constant 0 : i32
        %sign3A_702 = arith.cmpi sgt, %jit3A_692, %sign3A_701 : i32
        %sign3A_703 = arith.extui %sign3A_702 : i1 to i32
        %sign3A_704 = arith.constant 0 : i32
        %sign3A_705 = arith.cmpi slt, %jit3A_692, %sign3A_704 : i32
        %sign3A_706 = arith.extui %sign3A_705 : i1 to i32
        %sign3A_707 = arith.subi %sign3A_703, %sign3A_706 : i32
        %ne3A_708 = arith.cmpi ne, %sign3A_700, %sign3A_707 : i32
        %rem3A_709 = arith.remsi %add3A_691, %jit3A_692 : i32
        %ne3A_710 = arith.constant 0 : i32
        %ne3A_711 = arith.cmpi ne, %rem3A_709, %ne3A_710 : i32
        %and3A_712 = arith.andi %ne3A_708, %ne3A_711 : i1
        %sub3A_713 = arith.constant 1 : i32
        %sub3A_714 = arith.subi %div3A_693, %sub3A_713 : i32
        %select_n3A_715 = arith.select %and3A_712, %sub3A_714, %div3A_693 : i32
        %dma_start3A_716 = arith.constant 0 : i32
        %dma_start3A_717 = tpu.memref_slice %arg7[%select_n3A_715, %dma_start3A_716] : memref<250x80xi32, #tpu.memory_space<vmem>> -> memref<1x80xi32, #tpu.memory_space<vmem>>
        %dma_start3A_718 = tpu.memref_squeeze %dma_start3A_717 : memref<1x80xi32, #tpu.memory_space<vmem>> -> memref<80xi32, #tpu.memory_space<vmem>>
        %dma_start3A_719 = arith.constant 0 : i32
        %dma_start3A_720 = arith.constant 0 : i32
        %dma_start3A_721 = tpu.memref_slice %arg2[%dma_start3A_719, %dma_start3A_720] : memref<20000x64xf32, #tpu.memory_space<hbm>> -> memref<20000x64xf32, #tpu.memory_space<hbm>>
        tpu.enqueue_indirect_dma source(%dma_start3A_721 : memref<20000x64xf32, #tpu.memory_space<hbm>>) target(%arg12 : memref<80x64xf32, #tpu.memory_space<vmem>>) offsets(%dma_start3A_718 : memref<80xi32, #tpu.memory_space<vmem>>) semaphore(%arg17 : memref<!tpu.dma_semaphore, #tpu.memory_space<semaphore_mem>>)
      } else {
      }
    }
    %scan3A_320 = arith.constant 50 : i32
    %dma_wait3A_321 = arith.constant 0 : i32
    %dma_wait3A_322 = arith.constant 0 : i32
    %dma_wait3A_323 = tpu.memref_slice %arg8[%dma_wait3A_321, %dma_wait3A_322] : memref<250x80xi32, #tpu.memory_space<vmem>> -> memref<1x80xi32, #tpu.memory_space<vmem>>
    %dma_wait3A_324 = tpu.memref_squeeze %dma_wait3A_323 : memref<1x80xi32, #tpu.memory_space<vmem>> -> memref<80xi32, #tpu.memory_space<vmem>>
    %dma_wait3A_325 = arith.constant 0 : i32
    %dma_wait3A_326 = arith.constant 0 : i32
    %dma_wait3A_327 = tpu.memref_slice %arg21[%dma_wait3A_325, %dma_wait3A_326] : memref<10240x64xf32, #tpu.memory_space<vmem_shared>> -> memref<10240x64xf32, #tpu.memory_space<vmem_shared>>
    tpu.wait_indirect_dma semaphore(%arg18 : memref<!tpu.dma_semaphore, #tpu.memory_space<semaphore_mem>>) src(%arg9 : memref<80x64xf32, #tpu.memory_space<vmem>>) dst(%dma_wait3A_327 : memref<10240x64xf32, #tpu.memory_space<vmem_shared>>)
    %dma_wait3A_328 = arith.constant 0 : i32
    %dma_wait3A_329 = arith.constant 0 : i32
    %dma_wait3A_330 = tpu.memref_slice %arg8[%dma_wait3A_328, %dma_wait3A_329] : memref<250x80xi32, #tpu.memory_space<vmem>> -> memref<1x80xi32, #tpu.memory_space<vmem>>
    %dma_wait3A_331 = tpu.memref_squeeze %dma_wait3A_330 : memref<1x80xi32, #tpu.memory_space<vmem>> -> memref<80xi32, #tpu.memory_space<vmem>>
    %dma_wait3A_332 = arith.constant 0 : i32
    %dma_wait3A_333 = arith.constant 0 : i32
    %dma_wait3A_334 = tpu.memref_slice %arg22[%dma_wait3A_332, %dma_wait3A_333] : memref<10240x16xf32, #tpu.memory_space<vmem_shared>> -> memref<10240x16xf32, #tpu.memory_space<vmem_shared>>
    tpu.wait_indirect_dma semaphore(%arg19 : memref<!tpu.dma_semaphore, #tpu.memory_space<semaphore_mem>>) src(%arg16 : memref<80x16xf32, #tpu.memory_space<vmem>>) dst(%dma_wait3A_334 : memref<10240x16xf32, #tpu.memory_space<vmem_shared>>)
    %barrier3A_335 = arith.constant 0 : index
    tpu.barrier barrier_id(%barrier3A_335)
    %mul3A_336 = arith.constant 10240 : i32
    %mul3A_337 = arith.muli %arg0, %mul3A_336 : i32
    %add3A_338 = arith.addi %mul3A_337, %mul3A_17 : i32
    "tpu.region"() ({
      %run_scoped3A = tpu.sem_alloc : memref<!tpu.dma_semaphore, #tpu.memory_space<semaphore_mem>>
      %dma_start3A_339 = arith.constant 0 : i32
      %dma_start3A_340 = tpu.memref_slice %arg5[%add3A_338, %dma_start3A_339] : memref<20480x128xf32, #tpu.memory_space<hbm>> -> memref<640x64xf32, #tpu.memory_space<hbm>>
      %dma_start3A_341 = arith.constant 0 : i32
      %dma_start3A_342 = tpu.memref_slice %arg21[%mul3A_17, %dma_start3A_341] : memref<10240x64xf32, #tpu.memory_space<vmem_shared>> -> memref<640x64xf32, #tpu.memory_space<vmem_shared>>
      tpu.enqueue_dma source(%dma_start3A_342 : memref<640x64xf32, #tpu.memory_space<vmem_shared>>) target(%dma_start3A_340 : memref<640x64xf32, #tpu.memory_space<hbm>>) target_semaphore(%run_scoped3A : memref<!tpu.dma_semaphore, #tpu.memory_space<semaphore_mem>>)
      %dma_wait3A_343 = arith.constant 0 : i32
      %dma_wait3A_344 = tpu.memref_slice %arg5[%add3A_338, %dma_wait3A_343] : memref<20480x128xf32, #tpu.memory_space<hbm>> -> memref<640x64xf32, #tpu.memory_space<hbm>>
      %dma_wait3A_345 = arith.constant 0 : i32
      %dma_wait3A_346 = tpu.memref_slice %arg21[%mul3A_17, %dma_wait3A_345] : memref<10240x64xf32, #tpu.memory_space<vmem_shared>> -> memref<640x64xf32, #tpu.memory_space<vmem_shared>>
      tpu.wait_dma2 semaphore(%run_scoped3A : memref<!tpu.dma_semaphore, #tpu.memory_space<semaphore_mem>>) src(%dma_wait3A_346 : memref<640x64xf32, #tpu.memory_space<vmem_shared>>) dst(%dma_wait3A_344 : memref<640x64xf32, #tpu.memory_space<hbm>>)
      tpu.yield
    }) : () -> ()
    "tpu.region"() ({
      %run_scoped3A = tpu.sem_alloc : memref<!tpu.dma_semaphore, #tpu.memory_space<semaphore_mem>>
      %dma_start3A_339 = arith.constant 0 : i32
      %dma_start3A_340 = tpu.memref_slice %arg6[%add3A_338, %dma_start3A_339] : memref<20480x128xf32, #tpu.memory_space<hbm>> -> memref<640x16xf32, #tpu.memory_space<hbm>>
      %dma_start3A_341 = arith.constant 0 : i32
      %dma_start3A_342 = tpu.memref_slice %arg22[%mul3A_17, %dma_start3A_341] : memref<10240x16xf32, #tpu.memory_space<vmem_shared>> -> memref<640x16xf32, #tpu.memory_space<vmem_shared>>
      tpu.enqueue_dma source(%dma_start3A_342 : memref<640x16xf32, #tpu.memory_space<vmem_shared>>) target(%dma_start3A_340 : memref<640x16xf32, #tpu.memory_space<hbm>>) target_semaphore(%run_scoped3A : memref<!tpu.dma_semaphore, #tpu.memory_space<semaphore_mem>>)
      %dma_wait3A_343 = arith.constant 0 : i32
      %dma_wait3A_344 = tpu.memref_slice %arg6[%add3A_338, %dma_wait3A_343] : memref<20480x128xf32, #tpu.memory_space<hbm>> -> memref<640x16xf32, #tpu.memory_space<hbm>>
      %dma_wait3A_345 = arith.constant 0 : i32
      %dma_wait3A_346 = tpu.memref_slice %arg22[%mul3A_17, %dma_wait3A_345] : memref<10240x16xf32, #tpu.memory_space<vmem_shared>> -> memref<640x16xf32, #tpu.memory_space<vmem_shared>>
      tpu.wait_dma2 semaphore(%run_scoped3A : memref<!tpu.dma_semaphore, #tpu.memory_space<semaphore_mem>>) src(%dma_wait3A_346 : memref<640x16xf32, #tpu.memory_space<vmem_shared>>) dst(%dma_wait3A_344 : memref<640x16xf32, #tpu.memory_space<hbm>>)
      tpu.yield
    }) : () -> ()
    return
  }
}

module attributes {stable_mosaic.version = 14 : i64} {
  func.func @_tc_body(%arg0: i32, %arg1: memref<2x2000x128xf32, #tpu.memory_space<vmem>>, %arg2: memref<2x2000x128xf32, #tpu.memory_space<vmem>>, %arg3: memref<2000x128xf32, #tpu.memory_space<vmem>>, %arg4: memref<128x128xf32, #tpu.memory_space<vmem>>, %arg5: memref<1x128xf32, #tpu.memory_space<vmem>>, %arg6: memref<128x128xf32, #tpu.memory_space<vmem>>, %arg7: memref<2000x128xf32, #tpu.memory_space<vmem>>) attributes {dimension_semantics = [#tpu.dimension_semantics<arbitrary>], iteration_bounds = array<i64: 5>, scalar_prefetch = 0 : i64, scratch_operands = 0 : i64, tpu.core_type = #tpu.core_type<tc>, window_params = [{transform_indices = @transform_0, window_bounds = array<i64: 2, 2000, 128>}, {transform_indices = @transform_1, window_bounds = array<i64: 2, 2000, 128>}, {transform_indices = @transform_2, window_bounds = array<i64: 2000, 128>}, {pipeline_mode = #tpu.pipeline_mode<synchronous>, transform_indices = @transform_3, window_bounds = array<i64: 128, 128>}, {pipeline_mode = #tpu.pipeline_mode<synchronous>, transform_indices = @transform_4, window_bounds = array<i64: 1, 128>}, {pipeline_mode = #tpu.pipeline_mode<synchronous>, transform_indices = @transform_5, window_bounds = array<i64: 128, 128>}, {transform_indices = @transform_6, window_bounds = array<i64: 2000, 128>}]} {
    %get3A = arith.constant 0 : index
    %get3A_0 = arith.constant 0 : index
    %get3A_1 = arith.constant 0 : index
    %get3A_2 = vector.load %arg2[%get3A, %get3A_0, %get3A_1] : memref<2x2000x128xf32, #tpu.memory_space<vmem>>, vector<1x2000x16xf32>
    %get3A_3 = vector.shape_cast %get3A_2 : vector<1x2000x16xf32> to vector<2000x16xf32>
    %get3A_4 = arith.constant 1 : index
    %get3A_5 = arith.constant 0 : index
    %get3A_6 = arith.constant 0 : index
    %get3A_7 = vector.load %arg2[%get3A_4, %get3A_5, %get3A_6] : memref<2x2000x128xf32, #tpu.memory_space<vmem>>, vector<1x2000x16xf32>
    %get3A_8 = vector.shape_cast %get3A_7 : vector<1x2000x16xf32> to vector<2000x16xf32>
    %add3A = arith.addf %get3A_3, %get3A_8 : vector<2000x16xf32>
    %reduce_sum3A = arith.constant dense<0.000000e+00> : vector<2000xf32>
    %reduce_sum3A_9 = vector.multi_reduction <add>, %add3A, %reduce_sum3A [1] : vector<2000x16xf32> to vector<2000xf32>
    %broadcast_in_dim3A = vector.shape_cast %reduce_sum3A_9 : vector<2000xf32> to vector<2000x1xf32>
    %max3A = arith.constant 1.000000e+00 : f32
    %max3A_10 = vector.broadcast %max3A : f32 to vector<2000x1xf32>
    %max3A_11 = arith.maximumf %broadcast_in_dim3A, %max3A_10 : vector<2000x1xf32>
    %div3A = arith.constant 1.000000e+00 : f32
    %div3A_12 = vector.broadcast %div3A : f32 to vector<2000x1xf32>
    %div3A_13 = arith.divf %div3A_12, %max3A_11 : vector<2000x1xf32>
    %get3A_14 = arith.constant 0 : index
    %get3A_15 = arith.constant 0 : index
    %get3A_16 = arith.constant 0 : index
    %get3A_17 = vector.load %arg1[%get3A_14, %get3A_15, %get3A_16] : memref<2x2000x128xf32, #tpu.memory_space<vmem>>, vector<1x2000x64xf32>
    %get3A_18 = vector.shape_cast %get3A_17 : vector<1x2000x64xf32> to vector<2000x64xf32>
    %mul3A = vector.broadcast %div3A_13 : vector<2000x1xf32> to vector<2000x64xf32>
    %mul3A_19 = arith.mulf %get3A_18, %mul3A : vector<2000x64xf32>
    %get3A_20 = arith.constant 1 : index
    %get3A_21 = arith.constant 0 : index
    %get3A_22 = arith.constant 0 : index
    %get3A_23 = vector.load %arg1[%get3A_20, %get3A_21, %get3A_22] : memref<2x2000x128xf32, #tpu.memory_space<vmem>>, vector<1x2000x64xf32>
    %get3A_24 = vector.shape_cast %get3A_23 : vector<1x2000x64xf32> to vector<2000x64xf32>
    %mul3A_25 = vector.broadcast %div3A_13 : vector<2000x1xf32> to vector<2000x64xf32>
    %mul3A_26 = arith.mulf %get3A_24, %mul3A_25 : vector<2000x64xf32>
    %get3A_27 = arith.constant 0 : index
    %get3A_28 = arith.constant 0 : index
    %get3A_29 = vector.load %arg3[%get3A_27, %get3A_28] : memref<2000x128xf32, #tpu.memory_space<vmem>>, vector<2000x128xf32>
    %get3A_30 = arith.constant 0 : index
    %get3A_31 = arith.constant 0 : index
    %get3A_32 = vector.load %arg4[%get3A_30, %get3A_31] : memref<128x128xf32, #tpu.memory_space<vmem>>, vector<128x64xf32>
    %dot_general3A = arith.constant dense<0.000000e+00> : vector<2000x128xf32>
    %dot_general3A_33 = tpu.matmul %mul3A_19, %get3A_32, %dot_general3A {dimension_numbers = #tpu.dot_dimension_numbers<[1], [1], [0], [0], [0, 0, 1, 0], [], []>, transpose_lhs_hint = false} : vector<2000x64xf32>, vector<128x64xf32>, vector<2000x128xf32> -> vector<2000x128xf32>
    %get3A_34 = arith.constant 0 : index
    %get3A_35 = arith.constant 64 : index
    %get3A_36 = vector.load %arg4[%get3A_34, %get3A_35] : memref<128x128xf32, #tpu.memory_space<vmem>>, vector<128x64xf32>
    %dot_general3A_37 = arith.constant dense<0.000000e+00> : vector<2000x128xf32>
    %dot_general3A_38 = tpu.matmul %mul3A_26, %get3A_36, %dot_general3A_37 {dimension_numbers = #tpu.dot_dimension_numbers<[1], [1], [0], [0], [0, 0, 1, 0], [], []>, transpose_lhs_hint = false} : vector<2000x64xf32>, vector<128x64xf32>, vector<2000x128xf32> -> vector<2000x128xf32>
    %add3A_39 = arith.addf %dot_general3A_33, %dot_general3A_38 : vector<2000x128xf32>
    %get3A_40 = arith.constant 0 : index
    %get3A_41 = arith.constant 0 : index
    %get3A_42 = vector.load %arg6[%get3A_40, %get3A_41] : memref<128x128xf32, #tpu.memory_space<vmem>>, vector<128x128xf32>
    %dot_general3A_43 = arith.constant dense<0.000000e+00> : vector<2000x128xf32>
    %dot_general3A_44 = tpu.matmul %get3A_29, %get3A_42, %dot_general3A_43 {dimension_numbers = #tpu.dot_dimension_numbers<[1], [1], [0], [0], [0, 0, 1, 0], [], []>, transpose_lhs_hint = false} : vector<2000x128xf32>, vector<128x128xf32>, vector<2000x128xf32> -> vector<2000x128xf32>
    %add3A_45 = arith.addf %add3A_39, %dot_general3A_44 : vector<2000x128xf32>
    %get3A_46 = arith.constant 0 : index
    %get3A_47 = arith.constant 0 : index
    %get3A_48 = vector.load %arg5[%get3A_46, %get3A_47] : memref<1x128xf32, #tpu.memory_space<vmem>>, vector<1x128xf32>
    %add3A_49 = vector.broadcast %get3A_48 : vector<1x128xf32> to vector<2000x128xf32>
    %add3A_50 = arith.addf %add3A_45, %add3A_49 : vector<2000x128xf32>
    %max3A_51 = arith.constant 0.000000e+00 : f32
    %max3A_52 = vector.broadcast %max3A_51 : f32 to vector<2000x128xf32>
    %max3A_53 = arith.maximumf %add3A_50, %max3A_52 : vector<2000x128xf32>
    %swap3A = arith.constant 0 : index
    %swap3A_54 = arith.constant 0 : index
    %swap3A_55 = vector.load %arg7[%swap3A, %swap3A_54] : memref<2000x128xf32, #tpu.memory_space<vmem>>, vector<2000x128xf32>
    tpu.vector_store %arg7[%swap3A, %swap3A_54], %max3A_53 {strides = array<i32>} : memref<2000x128xf32, #tpu.memory_space<vmem>>, vector<2000x128xf32>,
    return
  }
  func.func @transform_0(%arg0: i32) -> (i32, i32, i32) {
    %c0_i32 = arith.constant 0 : i32
    %c0_i32_0 = arith.constant 0 : i32
    %c0_i32_1 = arith.constant 0 : i32
    return %c0_i32, %arg0, %c0_i32_0 : i32, i32, i32
  }
  func.func @transform_1(%arg0: i32) -> (i32, i32, i32) {
    %c0_i32 = arith.constant 0 : i32
    %c0_i32_0 = arith.constant 0 : i32
    %c0_i32_1 = arith.constant 0 : i32
    return %c0_i32, %arg0, %c0_i32_0 : i32, i32, i32
  }
  func.func @transform_2(%arg0: i32) -> (i32, i32) {
    %c0_i32 = arith.constant 0 : i32
    %c0_i32_0 = arith.constant 0 : i32
    return %arg0, %c0_i32 : i32, i32
  }
  func.func @transform_3(%arg0: i32) -> (i32, i32) {
    %c0_i32 = arith.constant 0 : i32
    %c0_i32_0 = arith.constant 0 : i32
    %c0_i32_1 = arith.constant 0 : i32
    return %c0_i32, %c0_i32_0 : i32, i32
  }
  func.func @transform_4(%arg0: i32) -> (i32, i32) {
    %c0_i32 = arith.constant 0 : i32
    %c0_i32_0 = arith.constant 0 : i32
    %c0_i32_1 = arith.constant 0 : i32
    return %c0_i32, %c0_i32_0 : i32, i32
  }
  func.func @transform_5(%arg0: i32) -> (i32, i32) {
    %c0_i32 = arith.constant 0 : i32
    %c0_i32_0 = arith.constant 0 : i32
    %c0_i32_1 = arith.constant 0 : i32
    return %c0_i32, %c0_i32_0 : i32, i32
  }
  func.func @transform_6(%arg0: i32) -> (i32, i32) {
    %c0_i32 = arith.constant 0 : i32
    %c0_i32_0 = arith.constant 0 : i32
    return %arg0, %c0_i32 : i32, i32
  }
}

module attributes {stable_mosaic.version = 14 : i64} {
  func.func @_tc_body(%arg0: i32, %arg1: memref<2x2000x128xf32, #tpu.memory_space<vmem>>, %arg2: memref<2x2000x128xf32, #tpu.memory_space<vmem>>, %arg3: memref<2000x128xf32, #tpu.memory_space<vmem>>, %arg4: memref<128x128xf32, #tpu.memory_space<vmem>>, %arg5: memref<1x128xf32, #tpu.memory_space<vmem>>, %arg6: memref<128x128xf32, #tpu.memory_space<vmem>>, %arg7: memref<2000x128xf32, #tpu.memory_space<vmem>>) attributes {dimension_semantics = [#tpu.dimension_semantics<arbitrary>], iteration_bounds = array<i64: 5>, scalar_prefetch = 0 : i64, scratch_operands = 0 : i64, tpu.core_type = #tpu.core_type<tc>, window_params = [{transform_indices = @transform_0, window_bounds = array<i64: 2, 2000, 128>}, {transform_indices = @transform_1, window_bounds = array<i64: 2, 2000, 128>}, {transform_indices = @transform_2, window_bounds = array<i64: 2000, 128>}, {pipeline_mode = #tpu.pipeline_mode<synchronous>, transform_indices = @transform_3, window_bounds = array<i64: 128, 128>}, {pipeline_mode = #tpu.pipeline_mode<synchronous>, transform_indices = @transform_4, window_bounds = array<i64: 1, 128>}, {pipeline_mode = #tpu.pipeline_mode<synchronous>, transform_indices = @transform_5, window_bounds = array<i64: 128, 128>}, {transform_indices = @transform_6, window_bounds = array<i64: 2000, 128>}]} {
    %get3A = arith.constant 0 : index
    %get3A_0 = arith.constant 0 : index
    %get3A_1 = arith.constant 0 : index
    %get3A_2 = vector.load %arg2[%get3A, %get3A_0, %get3A_1] : memref<2x2000x128xf32, #tpu.memory_space<vmem>>, vector<1x2000x16xf32>
    %get3A_3 = vector.shape_cast %get3A_2 : vector<1x2000x16xf32> to vector<2000x16xf32>
    %get3A_4 = arith.constant 1 : index
    %get3A_5 = arith.constant 0 : index
    %get3A_6 = arith.constant 0 : index
    %get3A_7 = vector.load %arg2[%get3A_4, %get3A_5, %get3A_6] : memref<2x2000x128xf32, #tpu.memory_space<vmem>>, vector<1x2000x16xf32>
    %get3A_8 = vector.shape_cast %get3A_7 : vector<1x2000x16xf32> to vector<2000x16xf32>
    %add3A = arith.addf %get3A_3, %get3A_8 : vector<2000x16xf32>
    %reduce_sum3A = arith.constant dense<0.000000e+00> : vector<2000xf32>
    %reduce_sum3A_9 = vector.multi_reduction <add>, %add3A, %reduce_sum3A [1] : vector<2000x16xf32> to vector<2000xf32>
    %broadcast_in_dim3A = vector.shape_cast %reduce_sum3A_9 : vector<2000xf32> to vector<2000x1xf32>
    %max3A = arith.constant 1.000000e+00 : f32
    %max3A_10 = vector.broadcast %max3A : f32 to vector<2000x1xf32>
    %max3A_11 = arith.maximumf %broadcast_in_dim3A, %max3A_10 : vector<2000x1xf32>
    %div3A = arith.constant 1.000000e+00 : f32
    %div3A_12 = vector.broadcast %div3A : f32 to vector<2000x1xf32>
    %div3A_13 = arith.divf %div3A_12, %max3A_11 : vector<2000x1xf32>
    %get3A_14 = arith.constant 0 : index
    %get3A_15 = arith.constant 0 : index
    %get3A_16 = arith.constant 0 : index
    %get3A_17 = vector.load %arg1[%get3A_14, %get3A_15, %get3A_16] : memref<2x2000x128xf32, #tpu.memory_space<vmem>>, vector<1x2000x64xf32>
    %get3A_18 = vector.shape_cast %get3A_17 : vector<1x2000x64xf32> to vector<2000x64xf32>
    %mul3A = vector.broadcast %div3A_13 : vector<2000x1xf32> to vector<2000x64xf32>
    %mul3A_19 = arith.mulf %get3A_18, %mul3A : vector<2000x64xf32>
    %get3A_20 = arith.constant 1 : index
    %get3A_21 = arith.constant 0 : index
    %get3A_22 = arith.constant 0 : index
    %get3A_23 = vector.load %arg1[%get3A_20, %get3A_21, %get3A_22] : memref<2x2000x128xf32, #tpu.memory_space<vmem>>, vector<1x2000x64xf32>
    %get3A_24 = vector.shape_cast %get3A_23 : vector<1x2000x64xf32> to vector<2000x64xf32>
    %mul3A_25 = vector.broadcast %div3A_13 : vector<2000x1xf32> to vector<2000x64xf32>
    %mul3A_26 = arith.mulf %get3A_24, %mul3A_25 : vector<2000x64xf32>
    %get3A_27 = arith.constant 0 : index
    %get3A_28 = arith.constant 0 : index
    %get3A_29 = vector.load %arg3[%get3A_27, %get3A_28] : memref<2000x128xf32, #tpu.memory_space<vmem>>, vector<2000x128xf32>
    %get3A_30 = arith.constant 0 : index
    %get3A_31 = arith.constant 0 : index
    %get3A_32 = vector.load %arg4[%get3A_30, %get3A_31] : memref<128x128xf32, #tpu.memory_space<vmem>>, vector<128x64xf32>
    %dot_general3A = arith.constant dense<0.000000e+00> : vector<2000x128xf32>
    %dot_general3A_33 = tpu.matmul %mul3A_19, %get3A_32, %dot_general3A {dimension_numbers = #tpu.dot_dimension_numbers<[1], [1], [0], [0], [0, 0, 1, 0], [], []>, transpose_lhs_hint = false} : vector<2000x64xf32>, vector<128x64xf32>, vector<2000x128xf32> -> vector<2000x128xf32>
    %get3A_34 = arith.constant 0 : index
    %get3A_35 = arith.constant 64 : index
    %get3A_36 = vector.load %arg4[%get3A_34, %get3A_35] : memref<128x128xf32, #tpu.memory_space<vmem>>, vector<128x64xf32>
    %dot_general3A_37 = arith.constant dense<0.000000e+00> : vector<2000x128xf32>
    %dot_general3A_38 = tpu.matmul %mul3A_26, %get3A_36, %dot_general3A_37 {dimension_numbers = #tpu.dot_dimension_numbers<[1], [1], [0], [0], [0, 0, 1, 0], [], []>, transpose_lhs_hint = false} : vector<2000x64xf32>, vector<128x64xf32>, vector<2000x128xf32> -> vector<2000x128xf32>
    %add3A_39 = arith.addf %dot_general3A_33, %dot_general3A_38 : vector<2000x128xf32>
    %get3A_40 = arith.constant 0 : index
    %get3A_41 = arith.constant 0 : index
    %get3A_42 = vector.load %arg6[%get3A_40, %get3A_41] : memref<128x128xf32, #tpu.memory_space<vmem>>, vector<128x128xf32>
    %dot_general3A_43 = arith.constant dense<0.000000e+00> : vector<2000x128xf32>
    %dot_general3A_44 = tpu.matmul %get3A_29, %get3A_42, %dot_general3A_43 {dimension_numbers = #tpu.dot_dimension_numbers<[1], [1], [0], [0], [0, 0, 1, 0], [], []>, transpose_lhs_hint = false} : vector<2000x128xf32>, vector<128x128xf32>, vector<2000x128xf32> -> vector<2000x128xf32>
    %add3A_45 = arith.addf %add3A_39, %dot_general3A_44 : vector<2000x128xf32>
    %get3A_46 = arith.constant 0 : index
    %get3A_47 = arith.constant 0 : index
    %get3A_48 = vector.load %arg5[%get3A_46, %get3A_47] : memref<1x128xf32, #tpu.memory_space<vmem>>, vector<1x128xf32>
    %add3A_49 = vector.broadcast %get3A_48 : vector<1x128xf32> to vector<2000x128xf32>
    %add3A_50 = arith.addf %add3A_45, %add3A_49 : vector<2000x128xf32>
    %max3A_51 = arith.constant 0.000000e+00 : f32
    %max3A_52 = vector.broadcast %max3A_51 : f32 to vector<2000x128xf32>
    %max3A_53 = arith.maximumf %add3A_50, %max3A_52 : vector<2000x128xf32>
    %swap3A = arith.constant 0 : index
    %swap3A_54 = arith.constant 0 : index
    %swap3A_55 = vector.load %arg7[%swap3A, %swap3A_54] : memref<2000x128xf32, #tpu.memory_space<vmem>>, vector<2000x128xf32>
    tpu.vector_store %arg7[%swap3A, %swap3A_54], %max3A_53 {strides = array<i32>} : memref<2000x128xf32, #tpu.memory_space<vmem>>, vector<2000x128xf32>,
    return
  }
  func.func @transform_0(%arg0: i32) -> (i32, i32, i32) {
    %c0_i32 = arith.constant 0 : i32
    %c0_i32_0 = arith.constant 0 : i32
    %c0_i32_1 = arith.constant 0 : i32
    return %c0_i32, %arg0, %c0_i32_0 : i32, i32, i32
  }
  func.func @transform_1(%arg0: i32) -> (i32, i32, i32) {
    %c0_i32 = arith.constant 0 : i32
    %c0_i32_0 = arith.constant 0 : i32
    %c0_i32_1 = arith.constant 0 : i32
    return %c0_i32, %arg0, %c0_i32_0 : i32, i32, i32
  }
  func.func @transform_2(%arg0: i32) -> (i32, i32) {
    %c0_i32 = arith.constant 0 : i32
    %c0_i32_0 = arith.constant 0 : i32
    return %arg0, %c0_i32 : i32, i32
  }
  func.func @transform_3(%arg0: i32) -> (i32, i32) {
    %c0_i32 = arith.constant 0 : i32
    %c0_i32_0 = arith.constant 0 : i32
    %c0_i32_1 = arith.constant 0 : i32
    return %c0_i32, %c0_i32_0 : i32, i32
  }
  func.func @transform_4(%arg0: i32) -> (i32, i32) {
    %c0_i32 = arith.constant 0 : i32
    %c0_i32_0 = arith.constant 0 : i32
    %c0_i32_1 = arith.constant 0 : i32
    return %c0_i32, %c0_i32_0 : i32, i32
  }
  func.func @transform_5(%arg0: i32) -> (i32, i32) {
    %c0_i32 = arith.constant 0 : i32
    %c0_i32_0 = arith.constant 0 : i32
    %c0_i32_1 = arith.constant 0 : i32
    return %c0_i32, %c0_i32_0 : i32, i32
  }
  func.func @transform_6(%arg0: i32) -> (i32, i32) {
    %c0_i32 = arith.constant 0 : i32
    %c0_i32_0 = arith.constant 0 : i32
    return %arg0, %c0_i32 : i32, i32
  }
}

</mosaic_0001>

<sc_bundles>
// kernel: kernel.6.cloned.1.call-start
scs
__scs_entry_jumppad:
0x0: {  	(pc) =	sbr.rel $0x88, $3  }
0x1: {  	(tag) =	ssettag $0x0;
	lr =	simm.s32 $0x1  }
0x2: {  	[smem:$0x3F99] =	sst lr;
	_ =	strace $0xD0000000  }
0x3: {  	_ = 	snop  }
0x4: {  	_ = 	snop  }
0x5: {  	_ = 	snop  }
0x6: {  	_ = 	snop  }
0x7: {  	_ = 	snop  }
__scs_overlays_trampoline_lowered:
0x8: {  	[smem:$0x3FA8] =	sst s0  }
0x9: {  	[smem:$0x3FA9] =	sst s1  }
0xa: {  	[smem:$0x3FAA] =	sst s2  }
0xb: {  	[smem:$0x3FAB] =	sst s3  }
0xc: {  	[smem:$0x3FAC] =	sst s4  }
0xd: {  	[smem:$0x3FAD] =	sst s5  }
0xe: {  	[smem:$0x3FAE] =	sst s6  }
0xf: {  	[smem:$0x3FAF] =	sst s7  }
0x10: {  	[smem:$0x3FB0] =	sst s8  }
0x11: {  	[smem:$0x3FB1] =	sst s9;
	s0 =	simm.s32 @!p0 $0x0  }
0x12: {  	s1 =	sld [smem:$0x3F97];
	s0 =	simm.s32 @p0 $0x1  }
0x13: {  	[smem:$0x3FB2] =	sst s0;
	s0 =	simm.s32 @!p1 $0x0  }
0x14: {  	s2 =	sld [smem:$0x3F96];
	s0 =	simm.s32 @p1 $0x1  }
0x15: {  	[smem:$0x3FB3] =	sst s0;
	s0 =	simm.s32 @!p2 $0x0  }
0x16: {  	s3 =	sld [smem:$0x3FDB];
	s0 =	simm.s32 @p2 $0x1  }
0x17: {  	s4 =	simm.s32 $0x1BF5;
	[smem:$0x3FB5] =	sst s0  }
0x18: {  	s0 =	sld [smem:$0x3F98];
	_ =	swait.ge [sflag:s4], $0x0  }
0x19: {  	s7 =	sld [smem:$0x3F99]  }
0x1a: {  	s8 =	sadd.s32 $0xFFFFE003, lr  }
0x1b: {  	s9 =	sadd.s32 $0xFFFFFEF7, lr;
	s5 =	simm.s32 $0xFFFFFFFF;
	p2 =	slt.u32 s8, $0xFFFFF086  }
0x1c: {  	p1 =	slt.u32 s9, $0xF7A;
	s5 =	simm.s32 @!p2 $0x0  }
0x1d: {  	s5 =	simm.s32 @p1 $0x1;
	p0 =	seq.s32 s7, s2  }
0x1e: {  	s7 =	smul.u32 @!p0 $0xF7A, s2;
	p2 =	seq.s32 @!p0 s5, $0x0  }
0x1f: {  	s9 =	smul.u32 $0xF7A, s1;
	s8 =	simm.s32 @!p0 $0x1BF5;
	p2 =	por !p2, p0  }
0x20: {  	[sflag:s8] =	ssyncset.s32 @!p0 $0xFFFFF086;
	s6 =	sadd.s32 @!p0 s3, s7;
	s7 =	simm.s32 @!p0 $0x108  }
0x21: {  	s3 =	sadd.s32 s3, s9;
	s6 =	sadd.s32 @!p0 $0x88, s6;
	s7 =	simm.s32 @p2 $0x1082  }
0x22: {  	[simem:s7], [sflag:s8] =	dma.local @!p0 [hbm:s6], $0xF7A  }
0x23: {  	s9 =	sor.u32 $0xD0000000, s2;
	s6 =	simm.s32 $0x108;
	_ =	swait.ge @!p0 [sflag:s8], $0x0  }
0x24: {  	s3 =	sadd.s32 $0x88, s3;
	s6 =	simm.s32 @!p1 $0x1082;
	[sflag:s4] =	ssyncset.s32 $0xFFFFF086  }
0x25: {  	[simem:s6], [sflag:s4] =	dma.local [hbm:s3], $0xF7A  }
0x26: {  	[smem:$0x3F99] =	sst s1;
	(tag) =	ssettag s2;
	_ =	strace s9  }
0x27: {  	s1 =	sld [smem:$0x3FA9]  }
0x28: {  	s2 =	sld [smem:$0x3FAA]  }
0x29: {  	s4 =	sld [smem:$0x3FAC]  }
0x2a: {  	p0 =	seq.s32 s5, $0x0;
	s5 =	sld [smem:$0x3FAD]  }
0x2b: {  	s6 =	sld [smem:$0x3FAE]  }
0x2c: {  	s7 =	sld [smem:$0x3FAF]  }
0x2d: {  	s3 =	simm.s32 $0x108;
	s8 =	sld [smem:$0x3FB0]  }
0x2e: {  	s3 =	simm.s32 @!p0 $0x1082;
	s9 =	sld [smem:$0x3FB1]  }
0x2f: {  	lr =	sadd.s32 s0, s3;
	s0 =	sld [smem:$0x3FA8]  }
0x30: {  	s3 =	sld [smem:$0x3FAB]  }
0x31: {  	[smem:$0x3FB4] =	sst s10  }
0x32: {  	s10 =	sld [smem:$0x3FB2];
	_ =	sdelay $0x3  }
0x33: {  	p0 =	seq.s32 s10, $0x1;
	s10 =	sld [smem:$0x3FB4];
	_ =	sdelay $0x3  }
0x34: {  	[smem:$0x3FB4] =	sst s10  }
0x35: {  	s10 =	sld [smem:$0x3FB3];
	_ =	sdelay $0x3  }
0x36: {  	p1 =	seq.s32 s10, $0x1;
	s10 =	sld [smem:$0x3FB4];
	_ =	sdelay $0x3  }
0x37: {  	[smem:$0x3FB4] =	sst s10  }
0x38: {  	s10 =	sld [smem:$0x3FB5]  }
0x39: {  	_ = 	snop;
	(pc) =	sbr.ind lr, $3  }
0x3a: {  	_ = 	snop  }
0x3b: {  	_ = 	snop  }
0x3c: {  	p2 =	seq.s32 s10, $0x1;
	s10 =	sld [smem:$0x3FB4]  }
0x3d: {  	_ =	shalt  }
0x3e: {  	_ =	shalt  }
0x3f: {  	_ =	shalt  }
0x40: {  	_ =	shalt  }
0x41: {  	_ =	shalt  }
0x42: {  	_ =	shalt  }
0x43: {  	_ =	shalt  }
0x44: {  	_ =	shalt  }
0x45: {  	_ =	shalt  }
0x46: {  	_ =	shalt  }
0x47: {  	_ =	shalt  }
0x48: {  	_ =	shalt  }
0x49: {  	_ =	shalt  }
0x4a: {  	_ =	shalt  }
0x4b: {  	_ =	shalt  }
0x4c: {  	_ =	shalt  }
0x4d: {  	_ =	shalt  }
0x4e: {  	_ =	shalt  }
0x4f: {  	_ =	shalt  }
0x50: {  	_ =	shalt  }
0x51: {  	_ =	shalt  }
0x52: {  	_ =	shalt  }
0x53: {  	_ =	shalt  }
0x54: {  	_ =	shalt  }
0x55: {  	_ =	shalt  }
0x56: {  	_ =	shalt  }
0x57: {  	_ =	shalt  }
0x58: {  	_ =	shalt  }
0x59: {  	_ =	shalt  }
0x5a: {  	_ =	shalt  }
0x5b: {  	_ =	shalt  }
0x5c: {  	_ =	shalt  }
0x5d: {  	_ =	shalt  }
0x5e: {  	_ =	shalt  }
0x5f: {  	_ =	shalt  }
0x60: {  	_ =	shalt  }
0x61: {  	_ =	shalt  }
0x62: {  	_ =	shalt  }
0x63: {  	_ =	shalt  }
0x64: {  	_ =	shalt  }
0x65: {  	_ =	shalt  }
0x66: {  	_ =	shalt  }
0x67: {  	_ =	shalt  }
0x68: {  	_ =	shalt  }
0x69: {  	_ =	shalt  }
0x6a: {  	_ =	shalt  }
0x6b: {  	_ =	shalt  }
0x6c: {  	_ =	shalt  }
0x6d: {  	_ =	shalt  }
0x6e: {  	_ =	shalt  }
0x6f: {  	_ =	shalt  }
0x70: {  	_ =	shalt  }
0x71: {  	_ =	shalt  }
0x72: {  	_ =	shalt  }
0x73: {  	_ =	shalt  }
0x74: {  	_ =	shalt  }
0x75: {  	_ =	shalt  }
0x76: {  	_ =	shalt  }
0x77: {  	_ =	shalt  }
0x78: {  	_ =	shalt  }
0x79: {  	_ =	shalt  }
0x7a: {  	_ =	shalt  }
0x7b: {  	_ =	shalt  }
0x7c: {  	_ =	shalt  }
0x7d: {  	_ =	shalt  }
0x7e: {  	_ =	shalt  }
0x7f: {  	_ =	shalt  }
0x80: {  	_ =	shalt  }
0x81: {  	_ =	shalt  }
0x82: {  	_ =	shalt  }
0x83: {  	_ =	shalt  }
0x84: {  	_ =	shalt  }
0x85: {  	_ =	shalt  }
0x86: {  	_ =	shalt  }
0x87: {  	_ =	shalt  }
.Lfunc_end0:
.L_simem_size_0:
called_computation_lowered:
.L_overlay_start_0:
0x88: {  	s2 =	sld [smem:$0x3FD9]  }
0x89: {  	s3 =	sld [smem:$0x3FFE];
	_ =	sdelay $0x1  }
0x8a: {  	s1 =	srdreg.scid  }
0x8b: {  	s0 =	sand.u32 $0x1, s1  }
0x8c: {  	s17 =	sshll.u32 s0, $0xA;
	s2 =	sadd.s32 s3, s2  }
0x8d: {  	s2 =	sadd.s32 s2, s17  }
0x8e: {  	[smem:$0x3FC0] =	sst s2  }
0x8f: {  	_ = 	snop  }
0x90: {  	s2 =	sld [smem:$0x3FC9];
	(tm) =	ssettm $0x1  }
0x91: {  	s18 =	sld [smem:$0x3FFB];
	_ =	sdelay $0x3  }
0x92: {  	_ =	strace s18  }
0x93: {  	s3 =	sld [smem:$0x3FFC];
	_ =	sdelay $0x3  }
0x94: {  	_ =	strace s3  }
0x95: {  	s3 =	sld [smem:$0x3FFD];
	_ =	sdelay $0x3  }
0x96: {  	_ =	strace s3  }
0x97: {  	_ =	strace $0x8FFFFFFF  }
0x98: {  	s19 =	sld [smem:$0x3FDB];
	_ =	sdelay $0x1  }
0x99: {  	s4 =	simm.s32 $_scs_section_size  }
0x9a: {  	s5 =	simm.s32 $_size__tile_overlayer_lowered;
	s6 =	simm.s32 $_tile_overlayer_lowered  }
0x9b: {  	s22 =	simm.s32 $0x1BFF;
	s21 =	sshll.u32 s6, $0x1;
	s3 =	sadd.s32 s4, s19  }
0x9c: {  	s7 =	simm.s32 $0x0;
	s20 =	sshll.u32 s5, $0x1;
	s5 =	sadd.s32 s21, s3  }
0x9d: {  	[timem:s7], [sflag:s22] =	dma.local [hbm:s5], s20  }
0x9e: {  	_ =	swait.ge [sflag:s22], s20  }
0x9f: {  	s4 =	ssub.s32 $0x0, s20;
	[sflag:s22] =	ssyncset.done $0x0  }
0xa0: {  	[sflag:s22] =	ssyncadd.s32 s4;
	_ =	sdelay $0x1  }
0xa1: {  	s23 =	simm.s32 $0x1B8B  }
0xa2: {  	_ =	swait.ge [sflag:s23], $0x1  }
0xa3: {  	[sflag:s23] =	ssyncset.done $0x0  }
0xa4: {  	s25 =	simm.s32 $0x1B8E;
	s24 =	sld [smem:$0x3FFE];
	[sflag:s23] =	ssyncadd.s32 $0xFFFFFFFF  }
0xa5: {  	s26 =	simm.s32 $execute0_lowered;
	[smem:$0x3FD2] =	sst s25  }
0xa6: {  	s5 =	sshll.u32 s26, $0x1;
	_ =	strace $0x80000046;
	[dreg:$0x1] =	wrdreg $0xFFFFFFFF  }
0xa7: {  	s28 =	simm.s32 $_size_execute0_lowered;
	s3 =	sadd.s32 s3, s5;
	[dreg:$0x0] =	wrdreg $0x0  }
0xa8: {  	s5 =	sshll.u32 s28, $0x1;
	[dreg:$0x2] =	wrdreg s3  }
0xa9: {  	[dreg:$0x3] =	wrdreg s5  }
0xaa: {  	[dreg:$0x4] =	wrdreg $0xC0  }
0xab: {  	_ =	task [dreg:s7], $0x5FFFF  }
0xac: {  	[dreg:$0x1] =	wrdreg $0xFFFFFFFF  }
0xad: {  	[dreg:$0x0] =	wrdreg $0x60  }
0xae: {  	[dreg:$0x2] =	wrdreg s2  }
0xaf: {  	[dreg:$0x3] =	wrdreg s24  }
0xb0: {  	[dreg:$0x4] =	wrdreg $0x117400  }
0xb1: {  	[dreg:$0x5] =	wrdreg $0x1B7400  }
0xb2: {  	[dreg:$0x6] =	wrdreg $0x9  }
0xb3: {  	_ =	task.clear_ibuf [dreg:s7], $0x7FFFF;
	_ =	strace $0x90000046  }
0xb4: {  	s29 =	simm.s32 $0x9;
	_ =	strace $0x80000048  }
0xb5: {  	_ =	swait.ge [sflag:s29], $0x1  }
0xb6: {  	[sflag:s29] =	ssyncadd.s32 $0xFFFFFFFF  }
0xb7: {  	_ =	strace $0x90000048  }
0xb8: {  	_ =	sfence  }
0xb9: {  	s30 =	sld [smem:$0x0];
	_ =	sdelay $0x2  }
0xba: {  	s31 =	sshll.u32 s1, $0xD;
	s1 =	sshrl.u32 s1, $0x2  }
0xbb: {  	s3 =	sand.u32 $0x4000, s31;
	s1 =	sadd.s32 s1, s30  }
0xbc: {  	s0 =	sor.u32 s3, s0;
	s1 =	sshll.u32 s1, $0x11  }
0xbd: {  	s0 =	sor.u32 s1, s0  }
0xbe: {  	s0 =	sadd.s32 $0x8F2B, s0  }
0xbf: {  	[sflag:s0] =	ssyncadd.remote.s32 $0x1  }
0xc0: {  	_ =	sfence.sel $0xFFFF  }
0xc1: {  	[dreg:$0x0] =	wrdreg $0xFFFFFFFF;
	(pc) =	sbr.abs _section_cstart, $3  }
0xc2: {  	[dreg:$0x1] =	wrdreg $0xFFFFFFFF  }
0xc3: {  	_ =	task.clear_ibuf [dreg:s7], $0x2FFFF;
	_ =	strace $0x9FFFFFFF  }
0xc4: {  	(tm) =	ssettm $0x7FFFFFFF  }
0xc5: {  	_ =	shalt  }
tec
execute0_lowered:
.L_overlay_start_1:
0x0: {  	(tag) =	ssettag $0x1  }
0x1: {  	s1 =	rddreg [dreg:$0x0]  }
0x2: {  	s0 =	rddreg [dreg:$0x1];
	s11 =	stileid.u32  }
0x3: {  	s3 =	rddreg [dreg:$0x2];
	s21 =	smul.u32 $0x280, s11  }
0x4: {  	s4 =	rddreg [dreg:$0x3];
	s7 =	smul.u32 $0x9C4, s11  }
0x5: {  	s2 =	srdreg.scid;
	s9 =	smul.u32 $0x28000, s11  }
0x6: {  	s5 =	simm.s32 $0x0;
	s6 =	sand.u32 $0x1, s2;
	s11 =	smul.u32 $0xA000, s11  }
0x7: {  	[smem:$0x7FF] =	sst s5;
	s22 =	smul.u32 $0x2800, s6  }
0x8: {  	_ =	strace $0x80000047;
	s8 =	ssub.s32 $0x2, s6;
	s7 =	sadd.s32 s7, s0  }
0x9: {  	s10 =	sshrl.u32 s8, $0x1;
	s24 =	sshrl.u32 s9, $0x2;
	s29 =	sadd.s32 $0xA0, s21  }
0xa: {  	s13 =	sadd.s32 $0x140, s21;
	s2 =	sadd.s32 $0x1E0, s21;
	s25 =	sadd.s32 $0xC400, s7  }
0xb: {  	s7 =	sadd.s32 $0x2600, s7;
	s9 =	sadd.s32 s24, s3;
	[dreg:$0x5] =	wrdreg s25  }
0xc: {  	s5 =	sadd.s32 s21, s22;
	[dreg:$0x6] =	wrdreg s7;
	s26 =	sadd.s32 $0x800, s9  }
0xd: {  	s23 =	ssub.s32 s8, s10;
	s28 =	sadd.s32 $0x1000, s9;
	[dreg:$0x7] =	wrdreg s26  }
0xe: {  	s31 =	sshll.u32 s29, $0x6;
	s8 =	sadd.s32 $0x1800, s9;
	[dreg:$0x8] =	wrdreg s28  }
0xf: {  	s14 =	sshll.u32 s13, $0x6;
	s30 =	sadd.s32 $0x2000, s9;
	[dreg:$0x9] =	wrdreg s8  }
0x10: {  	s16 =	sshll.u32 s13, $0x4;
	s10 =	sadd.s32 $0x3000, s9;
	[dreg:$0xa] =	wrdreg s30  }
0x11: {  	s13 =	simm.s32 $0x4;
	s12 =	sadd.s32 $0x3800, s9;
	[dreg:$0xc] =	wrdreg s10  }
0x12: {  	s5 =	sshll.u32 s5, $0x4;
	s17 =	sadd.s32 s16, s4;
	[dreg:$0xd] =	wrdreg s12  }
0x13: {  	s7 =	sshll.u32 s29, $0x4;
	s20 =	smax.u32 s23, $0x1;
	[dreg:$0x11] =	wrdreg s17  }
0x14: {  	s21 =	sadd.s32 $0x4000, s9;
	s22 =	sadd.s32 $0x4800, s9;
	[dreg:$0x15] =	wrdreg s20  }
0x15: {  	s23 =	sadd.s32 $0x5800, s9;
	s24 =	sadd.s32 $0x6000, s9;
	[dreg:$0x16] =	wrdreg s21  }
0x16: {  	s25 =	sadd.s32 $0x6800, s9;
	s29 =	sadd.s32 $0x8800, s9;
	[dreg:$0x17] =	wrdreg s22  }
0x17: {  	s16 =	simm.s32 $0xB040;
	s0 =	sadd.s32 s5, s0;
	[dreg:$0x18] =	wrdreg s23  }
0x18: {  	s8 =	sadd.s32 s31, s3;
	s12 =	sshll.u32 s2, $0x6;
	[dreg:$0x19] =	wrdreg s24  }
0x19: {  	s2 =	sshll.u32 s2, $0x4;
	s7 =	sadd.s32 s7, s4;
	[dreg:$0x1a] =	wrdreg s25  }
0x1a: {  	s26 =	sadd.s32 $0x7000, s9;
	s28 =	sadd.s32 $0x8000, s9;
	[dreg:$0x1d] =	wrdreg s29  }
0x1b: {  	s30 =	sadd.s32 $0x9000, s9;
	s31 =	sadd.s32 $0x9800, s9;
	[dreg:$0xb] =	wrdreg s8  }
0x1c: {  	s10 =	simm.s32 $0x10040;
	s17 =	simm.s32 $0xC440;
	[dreg:$0x10] =	wrdreg s7  }
0x1d: {  	s20 =	simm.s32 $0x1;
	s21 =	simm.s32 $0x11240;
	[dreg:$0x1b] =	wrdreg s26  }
0x1e: {  	s22 =	simm.s32 $0x3;
	s23 =	simm.s32 $0xEC40;
	[dreg:$0x1c] =	wrdreg s28  }
0x1f: {  	s25 =	simm.s32 $0x5;
	s8 =	sshrl.u32 s11, $0x2;
	[dreg:$0x1e] =	wrdreg s30  }
0x20: {  	s11 =	sadd.s32 s14, s3;
	s15 =	sadd.s32 s12, s3;
	[dreg:$0x1f] =	wrdreg s31  }
.Ltmp0:
0x21: {  	s2 =	sadd.s32 s2, s4;
	[dreg:$0xe] =	wrdreg s11;
	(pc) =	sbr.rel .LBB2_1-.Ltmp0, $4  }
0x22: {  	s18 =	sadd.s32 $0x16200, s0;
	s0 =	sadd.s32 $0x66200, s0;
	[dreg:$0xf] =	wrdreg s15  }
0x23: {  	s12 =	simm.s32 $0x2;
	s14 =	simm.s32 $0x50;
	[dreg:$0x12] =	wrdreg s2  }
0x24: {  	v0 =	vimm.f32 $0.0e+00;
	vm0 =	vcmask $0x300;
	s26 =	simm.s32 $0x0;
	s19 =	sadd.s32 s8, s4;
	[dreg:$0x13] =	wrdreg s18  }
0x25: {  	v2 =	vsel vm0, $0x3F800000, v0;
	v1 =	vmov s6;
	[dreg:$0x14] =	wrdreg s0;
	s15 =	simm.s32 $0x9C40;
	s18 =	simm.s32 $0xD840  }
.LBB2_17:
0x26: {  	_ =	swait.ge [sflag:s12], $0x1400  }
0x27: {  	[sflag:s12] =	ssyncset.done $0x0  }
0x28: {  	[sflag:s12] =	ssyncadd.s32 $0xFFFFEC00  }
0x29: {  	_ =	swait.ge [sflag:s22], $0x500  }
0x2a: {  	[sflag:s22] =	ssyncset.done $0x0  }
0x2b: {  	s0 =	stileid.u32;
	s2 =	sshrl.u32 s9, $0x3;
	[sflag:s22] =	ssyncadd.s32 $0xFFFFFB00  }
0x2c: {  	s7 =	simm.s32 $0x10;
	s0 =	sshll.u32 s0, $0x6;
	[bflag:$0x0] =	sbarrier.arrive $0xFFFF  }
0x2d: {  	s8 =	simm.s32 $0x8;
	s0 =	sor.u32 $0x1C05, s0;
	s5 =	rddreg [dreg:$0x13]  }
0x2e: {  	[hbm:s5@s7], [sflag:s0] =	dma.strided [spmem:s2@s8], $0x1400, s20, $0x8   }
0x2f: {  	_ =	swait.ge [sflag:s25], $0x1400  }
0x30: {  	[sflag:s25] =	ssyncset.done $0x0  }
0x31: {  	s29 =	sshrl.u32 s11, $0x3;
	s30 =	rddreg [dreg:$0x14];
	[sflag:s25] =	ssyncadd.s32 $0xFFFFEC00  }
0x32: {  	[hbm:s30@s7], [sflag:s0] =	dma.strided [spmem:s29@s12], $0x500, s20, $0x2   }
0x33: {  	_ =	swait.ge [sflag:s25], $0x500  }
0x34: {  	s26 =	sadd.s32 $0x1, s26;
	s31 =	rddreg [dreg:$0x15]  }
0x35: {  	p0 =	sne.s32 s26, s31  }
.Ltmp1:
0x36: {  	_ = 	snop;
	(pc) =	sbr.rel @!p0 .LBB2_18-.Ltmp1, $3  }
0x37: {  	_ =	sdelay $0x1  }
0x38: {  	[sflag:s25] =	ssyncset.done $0x0  }
0x39: {  	s19 =	smov.u32 s11;
	[sflag:s25] =	ssyncadd.s32 $0xFFFFFB00  }
.LBB2_1:
0x3a: {  	s2 =	rddreg [dreg:$0x5]  }
0x3b: {  	s0 =	simm.s32 $0x0;
	s31 =	rddreg [dreg:$0x6]  }
0x3c: {  	[tilespmem:s0], [sflag:$0x4] =	stream.linear.gather [hbm4b:s2+s0], $0x4E20, $0x38;
	[tilespmem:$0x1DF40] =	vst v63  }
0x3d: {  	s5 =	simm.s32 $0x4E20;
	s29 =	simm.s32 $0x100;
	s28 =	simm.s32 $0x0  }
0x3e: {  	[tilespmem:s5], [sflag:$0x4] =	stream.linear.gather [hbm4b:s31+s0], $0x4E20, $0x38;
	[tilespmem:$0x1DF40] =	vst v63  }
.LBB2_2:
0x3f: {  	p0 =	sne.s32 s29, $0x1F00;
	[tilespmem:s28+$0x10070] =	vst v0;
	s30 =	smov.u32 s29;
	s29 =	sadd.s32 $0x100, s29  }
.Ltmp2:
0x40: {  	[tilespmem:s28+$0x10060] =	vst v0;
	(pc) =	sbr.rel @p0 .LBB2_2-.Ltmp2, $3  }
0x41: {  	[tilespmem:s28+$0x10040] =	vst v0  }
0x42: {  	[tilespmem:s28+$0x10050] =	vst v0;
	_ =	sdelay $0x1  }
0x43: {  	s28 =	sshra.s32 s30, $0x2  }
0x44: {  	[tilespmem:s28+$0x10070] =	vst v0  }
0x45: {  	[tilespmem:s28+$0x10060] =	vst v0  }
0x46: {  	[tilespmem:s28+$0x10040] =	vst v0  }
0x47: {  	[tilespmem:s28+$0x10050] =	vst v0  }
0x48: {  	[spmem:s9] =	stream.linear.scatter [tilespmem:s10], [sflag:$0x2], $0x800, $0x38;
	[tilespmem:$0x1DF40] =	vst v63  }
0x49: {  	s0 =	rddreg [dreg:$0x7]  }
0x4a: {  	[spmem:s0] =	stream.linear.scatter [tilespmem:s10], [sflag:$0x2], $0x800, $0x38;
	[tilespmem:$0x1DF40] =	vst v63  }
0x4b: {  	s30 =	rddreg [dreg:$0x8]  }
0x4c: {  	[spmem:s30] =	stream.linear.scatter [tilespmem:s10], [sflag:$0x2], $0x800, $0x38;
	[tilespmem:$0x1DF40] =	vst v63  }
0x4d: {  	s31 =	rddreg [dreg:$0x9]  }
0x4e: {  	[spmem:s31] =	stream.linear.scatter [tilespmem:s10], [sflag:$0x2], $0x800, $0x38;
	[tilespmem:$0x1DF40] =	vst v63  }
0x4f: {  	s2 =	rddreg [dreg:$0xa]  }
0x50: {  	[spmem:s2] =	stream.linear.scatter [tilespmem:s10], [sflag:$0x2], $0x800, $0x38;
	[tilespmem:$0x1DF40] =	vst v63  }
0x51: {  	s5 =	rddreg [dreg:$0xb]  }
0x52: {  	[spmem:s5] =	stream.linear.scatter [tilespmem:s10], [sflag:$0x2], $0x800, $0x38;
	[tilespmem:$0x1DF40] =	vst v63  }
0x53: {  	s7 =	rddreg [dreg:$0xc]  }
0x54: {  	[spmem:s7] =	stream.linear.scatter [tilespmem:s10], [sflag:$0x2], $0x800, $0x38;
	[tilespmem:$0x1DF40] =	vst v63  }
0x55: {  	s8 =	rddreg [dreg:$0xd]  }
0x56: {  	[spmem:s8] =	stream.linear.scatter [tilespmem:s10], [sflag:$0x2], $0x800, $0x38;
	[tilespmem:$0x1DF40] =	vst v63  }
0x57: {  	s11 =	rddreg [dreg:$0x16]  }
0x58: {  	[spmem:s11] =	stream.linear.scatter [tilespmem:s10], [sflag:$0x2], $0x800, $0x38;
	[tilespmem:$0x1DF40] =	vst v63  }
0x59: {  	s24 =	rddreg [dreg:$0x17]  }
0x5a: {  	[spmem:s24] =	stream.linear.scatter [tilespmem:s10], [sflag:$0x2], $0x800, $0x38;
	[tilespmem:$0x1DF40] =	vst v63  }
0x5b: {  	s30 =	rddreg [dreg:$0xe]  }
0x5c: {  	[spmem:s30] =	stream.linear.scatter [tilespmem:s10], [sflag:$0x2], $0x800, $0x38;
	[tilespmem:$0x1DF40] =	vst v63  }
0x5d: {  	s31 =	rddreg [dreg:$0x18]  }
0x5e: {  	[spmem:s31] =	stream.linear.scatter [tilespmem:s10], [sflag:$0x2], $0x800, $0x38;
	[tilespmem:$0x1DF40] =	vst v63  }
0x5f: {  	s2 =	rddreg [dreg:$0x19]  }
0x60: {  	[spmem:s2] =	stream.linear.scatter [tilespmem:s10], [sflag:$0x2], $0x800, $0x38;
	[tilespmem:$0x1DF40] =	vst v63  }
0x61: {  	s5 =	rddreg [dreg:$0x1a]  }
0x62: {  	[spmem:s5] =	stream.linear.scatter [tilespmem:s10], [sflag:$0x2], $0x800, $0x38;
	[tilespmem:$0x1DF40] =	vst v63  }
0x63: {  	s7 =	rddreg [dreg:$0x1b]  }
0x64: {  	[spmem:s7] =	stream.linear.scatter [tilespmem:s10], [sflag:$0x2], $0x800, $0x38;
	[tilespmem:$0x1DF40] =	vst v63  }
0x65: {  	s8 =	rddreg [dreg:$0xf]  }
0x66: {  	[spmem:s8] =	stream.linear.scatter [tilespmem:s10], [sflag:$0x2], $0x800, $0x38;
	[tilespmem:$0x1DF40] =	vst v63  }
0x67: {  	s11 =	rddreg [dreg:$0x1c]  }
0x68: {  	[spmem:s11] =	stream.linear.scatter [tilespmem:s10], [sflag:$0x2], $0x800, $0x38;
	[tilespmem:$0x1DF40] =	vst v63  }
0x69: {  	s24 =	rddreg [dreg:$0x1d]  }
0x6a: {  	[spmem:s24] =	stream.linear.scatter [tilespmem:s10], [sflag:$0x2], $0x800, $0x38;
	[tilespmem:$0x1DF40] =	vst v63  }
0x6b: {  	s30 =	rddreg [dreg:$0x1e]  }
0x6c: {  	[spmem:s30] =	stream.linear.scatter [tilespmem:s10], [sflag:$0x2], $0x800, $0x38;
	[tilespmem:$0x1DF40] =	vst v63  }
0x6d: {  	s28 =	simm.s32 $0x40;
	s29 =	simm.s32 $0x0;
	s31 =	rddreg [dreg:$0x1f]  }
0x6e: {  	[spmem:s31] =	stream.linear.scatter [tilespmem:s10], [sflag:$0x2], $0x800, $0x38;
	[tilespmem:$0x1DF40] =	vst v63  }
.LBB2_4:
0x6f: {  	p0 =	sne.s32 s28, $0x27C0;
	[tilespmem:s29+$0x10840] =	vst v0;
	s29 =	smov.u32 s28;
	s28 =	sadd.s32 $0x40, s28  }
.Ltmp3:
0x70: {  	(pc) =	sbr.rel @p0 .LBB2_4-.Ltmp3, $2  }
0x71: {  	_ =	sdelay $0x2  }
0x72: {  	s29 =	sshra.s32 s29, $0x2  }
0x73: {  	[tilespmem:s29+$0x10840] =	vst v0;
	s28 =	simm.s32 $0x40;
	s29 =	simm.s32 $0x0  }
.LBB2_6:
0x74: {  	p0 =	sne.s32 s28, $0x13C0;
	[tilespmem:s29+$0x11240] =	vst v2;
	s29 =	smov.u32 s28;
	s28 =	sadd.s32 $0x40, s28  }
.Ltmp4:
0x75: {  	(pc) =	sbr.rel @p0 .LBB2_6-.Ltmp4, $2  }
0x76: {  	_ =	sdelay $0x2  }
0x77: {  	s29 =	sshra.s32 s29, $0x2  }
0x78: {  	[tilespmem:s29+$0x11240] =	vst v2;
	s2 =	simm.s32 $0x10840  }
0x79: {  	[spmem:s19] =	stream.linear.scatter [tilespmem:s2], [sflag:$0x2], $0xA00, $0x38;
	[tilespmem:$0x1DF40] =	vst v63  }
0x7a: {  	s0 =	rddreg [dreg:$0x10]  }
0x7b: {  	[spmem:s0] =	stream.linear.scatter [tilespmem:s2], [sflag:$0x2], $0xA00, $0x38;
	[tilespmem:$0x1DF40] =	vst v63  }
0x7c: {  	s30 =	rddreg [dreg:$0x11]  }
0x7d: {  	[spmem:s30] =	stream.linear.scatter [tilespmem:s2], [sflag:$0x2], $0xA00, $0x38;
	[tilespmem:$0x1DF40] =	vst v63  }
0x7e: {  	s31 =	rddreg [dreg:$0x12]  }
0x7f: {  	[spmem:s31] =	stream.linear.scatter [tilespmem:s2], [sflag:$0x2], $0xA00, $0x38;
	[tilespmem:$0x1DF40] =	vst v63  }
0x80: {  	_ =	swait.ge [sflag:s12], $0x800  }
0x81: {  	[sflag:s12] =	ssyncset.done $0x0  }
0x82: {  	[sflag:s12] =	ssyncadd.s32 $0xFFFFF800  }
0x83: {  	_ =	swait.ge [sflag:s12], $0x800  }
0x84: {  	[sflag:s12] =	ssyncset.done $0x0  }
0x85: {  	[sflag:s12] =	ssyncadd.s32 $0xFFFFF800  }
0x86: {  	_ =	swait.ge [sflag:s12], $0x800  }
0x87: {  	[sflag:s12] =	ssyncset.done $0x0  }
0x88: {  	[sflag:s12] =	ssyncadd.s32 $0xFFFFF800  }
0x89: {  	_ =	swait.ge [sflag:s12], $0x800  }
0x8a: {  	[sflag:s12] =	ssyncset.done $0x0  }
0x8b: {  	[sflag:s12] =	ssyncadd.s32 $0xFFFFF800  }
0x8c: {  	_ =	swait.ge [sflag:s12], $0x800  }
0x8d: {  	[sflag:s12] =	ssyncset.done $0x0  }
0x8e: {  	[sflag:s12] =	ssyncadd.s32 $0xFFFFF800  }
0x8f: {  	_ =	swait.ge [sflag:s12], $0x800  }
0x90: {  	[sflag:s12] =	ssyncset.done $0x0  }
0x91: {  	[sflag:s12] =	ssyncadd.s32 $0xFFFFF800  }
0x92: {  	_ =	swait.ge [sflag:s12], $0x800  }
0x93: {  	[sflag:s12] =	ssyncset.done $0x0  }
0x94: {  	[sflag:s12] =	ssyncadd.s32 $0xFFFFF800  }
0x95: {  	_ =	swait.ge [sflag:s12], $0x800  }
0x96: {  	[sflag:s12] =	ssyncset.done $0x0  }
0x97: {  	[sflag:s12] =	ssyncadd.s32 $0xFFFFF800  }
0x98: {  	_ =	swait.ge [sflag:s12], $0x800  }
0x99: {  	[sflag:s12] =	ssyncset.done $0x0  }
0x9a: {  	[sflag:s12] =	ssyncadd.s32 $0xFFFFF800  }
0x9b: {  	_ =	swait.ge [sflag:s12], $0x800  }
0x9c: {  	[sflag:s12] =	ssyncset.done $0x0  }
0x9d: {  	[sflag:s12] =	ssyncadd.s32 $0xFFFFF800  }
0x9e: {  	_ =	swait.ge [sflag:s12], $0x800  }
0x9f: {  	[sflag:s12] =	ssyncset.done $0x0  }
0xa0: {  	[sflag:s12] =	ssyncadd.s32 $0xFFFFF800  }
0xa1: {  	_ =	swait.ge [sflag:s12], $0x800  }
0xa2: {  	[sflag:s12] =	ssyncset.done $0x0  }
0xa3: {  	[sflag:s12] =	ssyncadd.s32 $0xFFFFF800  }
0xa4: {  	_ =	swait.ge [sflag:s12], $0x800  }
0xa5: {  	[sflag:s12] =	ssyncset.done $0x0  }
0xa6: {  	[sflag:s12] =	ssyncadd.s32 $0xFFFFF800  }
0xa7: {  	_ =	swait.ge [sflag:s12], $0x800  }
0xa8: {  	[sflag:s12] =	ssyncset.done $0x0  }
0xa9: {  	[sflag:s12] =	ssyncadd.s32 $0xFFFFF800  }
0xaa: {  	_ =	swait.ge [sflag:s12], $0x800  }
0xab: {  	[sflag:s12] =	ssyncset.done $0x0  }
0xac: {  	[sflag:s12] =	ssyncadd.s32 $0xFFFFF800  }
0xad: {  	_ =	swait.ge [sflag:s12], $0x800  }
0xae: {  	[sflag:s12] =	ssyncset.done $0x0  }
0xaf: {  	[sflag:s12] =	ssyncadd.s32 $0xFFFFF800  }
0xb0: {  	_ =	swait.ge [sflag:s12], $0x800  }
0xb1: {  	[sflag:s12] =	ssyncset.done $0x0  }
0xb2: {  	[sflag:s12] =	ssyncadd.s32 $0xFFFFF800  }
0xb3: {  	_ =	swait.ge [sflag:s12], $0x800  }
0xb4: {  	[sflag:s12] =	ssyncset.done $0x0  }
0xb5: {  	[sflag:s12] =	ssyncadd.s32 $0xFFFFF800  }
0xb6: {  	_ =	swait.ge [sflag:s12], $0x800  }
0xb7: {  	[sflag:s12] =	ssyncset.done $0x0  }
0xb8: {  	[sflag:s12] =	ssyncadd.s32 $0xFFFFF800  }
0xb9: {  	_ =	swait.ge [sflag:s12], $0x800  }
0xba: {  	[sflag:s12] =	ssyncset.done $0x0  }
0xbb: {  	[sflag:s12] =	ssyncadd.s32 $0xFFFFF800  }
0xbc: {  	_ =	swait.ge [sflag:s12], $0xA00  }
0xbd: {  	[sflag:s12] =	ssyncset.done $0x0  }
0xbe: {  	[sflag:s12] =	ssyncadd.s32 $0xFFFFF600  }
0xbf: {  	_ =	swait.ge [sflag:s12], $0xA00  }
0xc0: {  	[sflag:s12] =	ssyncset.done $0x0  }
0xc1: {  	[sflag:s12] =	ssyncadd.s32 $0xFFFFF600  }
0xc2: {  	_ =	swait.ge [sflag:s12], $0xA00  }
0xc3: {  	[sflag:s12] =	ssyncset.done $0x0  }
0xc4: {  	[sflag:s12] =	ssyncadd.s32 $0xFFFFF600  }
0xc5: {  	_ =	swait.ge [sflag:s12], $0xA00  }
0xc6: {  	[sflag:s12] =	ssyncset.done $0x0  }
0xc7: {  	[sflag:s12] =	ssyncadd.s32 $0xFFFFF600  }
0xc8: {  	_ =	swait.ge [sflag:s13], $0x4E20  }
0xc9: {  	[sflag:s13] =	ssyncset.done $0x0  }
0xca: {  	[sflag:s13] =	ssyncadd.s32 $0xFFFFB1E0  }
0xcb: {  	_ =	swait.ge [sflag:s13], $0x4E20  }
0xcc: {  	[sflag:s13] =	ssyncset.done $0x0  }
0xcd: {  	s28 =	simm.s32 $0x0;
	[sflag:s13] =	ssyncadd.s32 $0xFFFFB1E0  }
0xce: {  	v5 =	vld [tilespmem:s28+$0x0]  }
0xcf: {  	v6 =	vld [tilespmem:s28+$0x10]  }
0xd0: {  	v4 =	vld [tilespmem:s28+$0x20]  }
0xd1: {  	s11 =	smov.u32 s19;
	s29 =	simm.s32 $0x140;
	v3 =	vld [tilespmem:s28+$0x30]  }
.LBB2_8:
0xd2: {  	p0 =	sne.s32 s29, $0x13740;
	v7 =	vld [tilespmem:s28+$0x40]  }
0xd3: {  	v5 =	vshll.u32 v5, $0x1  }
0xd4: {  	v5 =	vor.u32 v1, v5;
	v6 =	vshll.u32 v6, $0x1  }
.Ltmp5:
0xd5: {  	s30 =	sshra.s32 s29, $0x2;
	[tilespmem:s28+$0x0] =	vst v5;
	v6 =	vor.u32 v1, v6;
	v4 =	vshll.u32 v4, $0x1;
	(pc) =	sbr.rel @p0 .LBB2_8-.Ltmp5, $4  }
0xd6: {  	v5 =	vld [tilespmem:s30+$0x0];
	[tilespmem:s28+$0x10] =	vst v6;
	v4 =	vor.u32 v1, v4;
	v3 =	vshll.u32 v3, $0x1  }
0xd7: {  	v6 =	vld [tilespmem:s30+$0x10];
	[tilespmem:s28+$0x20] =	vst v4;
	v3 =	vor.u32 v1, v3;
	v7 =	vshll.u32 v7, $0x1  }
0xd8: {  	v4 =	vld [tilespmem:s30+$0x20];
	[tilespmem:s28+$0x30] =	vst v3;
	v7 =	vor.u32 v1, v7  }
0xd9: {  	s29 =	sadd.s32 $0x140, s29;
	v3 =	vld [tilespmem:s30+$0x30];
	[tilespmem:s28+$0x40] =	vst v7;
	s28 =	smov.u32 s30  }
0xda: {  	v7 =	vld [tilespmem:s28+$0x40]  }
0xdb: {  	v5 =	vshll.u32 v5, $0x1  }
0xdc: {  	v5 =	vor.u32 v1, v5;
	v6 =	vshll.u32 v6, $0x1  }
0xdd: {  	[tilespmem:s28+$0x0] =	vst v5;
	v62 =	vor.u32 v1, v6;
	v4 =	vshll.u32 v4, $0x1  }
0xde: {  	[tilespmem:s28+$0x10] =	vst v62;
	v4 =	vor.u32 v1, v4;
	v3 =	vshll.u32 v3, $0x1  }
0xdf: {  	[tilespmem:s28+$0x20] =	vst v4;
	v3 =	vor.u32 v1, v3;
	v63 =	vshll.u32 v7, $0x1  }
0xe0: {  	[tilespmem:s28+$0x30] =	vst v3;
	v3 =	vor.u32 v1, v63  }
0xe1: {  	[tilespmem:s28+$0x40] =	vst v3  }
0xe2: {  	s28 =	simm.s32 $0x0;
	[bflag:$0x0] =	sbarrier.arrive $0xFFFF  }
0xe3: {  	[tilespmem:s15], [sflag:$0x1] =	stream.indirect.gather [hbm4b:s1+s14], $0x40, s28, s14, $0xb8;
	[tilespmem:$0x1DF40] =	vst v63  }
0xe4: {  	_ = 	snop  }
0xe5: {  	[tilespmem:s16], [sflag:$0x1] =	stream.indirect.gather [hbm4b:s1+s14], $0x40, s14, s14, $0xb8;
	[tilespmem:$0x1DF40] =	vst v63  }
0xe6: {  	s0 =	simm.s32 $0xA0  }
0xe7: {  	[tilespmem:s17], [sflag:$0x1] =	stream.indirect.gather [hbm4b:s1+s14], $0x40, s0, s14, $0xb8;
	[tilespmem:$0x1DF40] =	vst v63  }
0xe8: {  	s31 =	simm.s32 $0xF0;
	s29 =	simm.s32 $0x0  }
0xe9: {  	[tilespmem:s18], [sflag:$0x1] =	stream.indirect.gather [hbm4b:s1+s14], $0x40, s31, s14, $0xb8;
	[tilespmem:$0x1DF40] =	vst v63  }
.LBB2_10:
0xea: {  	s0 =	sand.u32 $0x1, s28  }
0xeb: {  	p0 =	sne.s32 s0, s6  }
.Ltmp6:
0xec: {  	_ = 	snop;
	(pc) =	sbr.rel @p0 .LBB2_13-.Ltmp6, $4  }
0xed: {  	_ =	swait.ge [sflag:s20], $0x1400  }
0xee: {  	s30 =	sshra.s32 s29, $0x2;
	[sflag:s20] =	ssyncset.done $0x0  }
0xef: {  	p1 =	seq.s32 s29, $0x0;
	s31 =	sadd.s32 $0x4E20, s30;
	[sflag:s20] =	ssyncadd.s32 $0xFFFFEC00  }
0xf0: {  	[spmem:s3] =	stream.indirect.scatter.add.f32 [tilespmem:s15], [sflag:$0x2], $0x40, s31, s14, $0xb8;
	[tilespmem:$0x1DF40] =	vst v63  }
.Ltmp7:
0xf1: {  	(pc) =	sbr.rel @p1 .LBB2_15-.Ltmp7, $2  }
0xf2: {  	_ =	sdelay $0x2  }
0xf3: {  	[spmem:s4] =	stream.indirect.scatter.add.f32 [tilespmem:s21], [sflag:$0x3], $0x10, s31, s14, $0xb8;
	[tilespmem:$0x1DF40] =	vst v63  }
.Ltmp8:
0xf4: {  	(pc) =	sbr.rel .LBB2_14-.Ltmp8, $4  }
0xf5: {  	_ = 	snop  }
0xf6: {  	_ =	swait.ge [sflag:s22], $0x500  }
0xf7: {  	[sflag:s22] =	ssyncset.done $0x0  }
0xf8: {  	[sflag:s22] =	ssyncadd.s32 $0xFFFFFB00  }
.LBB2_13:
.Ltmp9:
0xf9: {  	(pc) =	sbr.rel @p1 .LBB2_15-.Ltmp9, $1  }
0xfa: {  	_ =	sdelay $0x3  }
.LBB2_14:
0xfb: {  	_ =	swait.ge [sflag:s12], $0x1400  }
0xfc: {  	[sflag:s12] =	ssyncset.done $0x0  }
0xfd: {  	[sflag:s12] =	ssyncadd.s32 $0xFFFFEC00  }
.LBB2_15:
0xfe: {  	s0 =	sadd.s32 $0x140, s30  }
0xff: {  	[tilespmem:s23], [sflag:$0x1] =	stream.indirect.gather [hbm4b:s1+s14], $0x40, s0, s14, $0xb8;
	[tilespmem:$0x1DF40] =	vst v63  }
0x100: {  	s31 =	sxor.u32 $0xFFFFFFFF, s28;
	_ =	swait.ge [sflag:s20], $0x1400  }
0x101: {  	s31 =	sand.u32 $0x1, s31;
	[sflag:s20] =	ssyncset.done $0x0  }
0x102: {  	s0 =	sadd.s32 $0x4E70, s30;
	p1 =	sne.s32 s31, s6;
	[sflag:s20] =	ssyncadd.s32 $0xFFFFEC00  }
0x103: {  	[spmem:s3] =	stream.indirect.scatter.add.f32 [tilespmem:s16], [sflag:$0x2], $0x40, s0, s14, $0xb8;
	[tilespmem:$0x1DF40] =	vst v63  }
0x104: {  	s31 =	simm.s32 @!p1 $0x50;
	s2 =	simm.s32 @!p1 $0x11240;
	p2 =	seq.s32 @!p1 s29, $0x0  }
0x105: {  	[spmem:s4] =	stream.indirect.scatter.add.f32 @!p1 [tilespmem:s2], [sflag:$0x3], $0x10, s0, s31, $0xb8;
	[tilespmem:$0x1DF40] =	vst v63  }
0x106: {  	p1 =	por p2, p1  }
0x107: {  	s0 =	simm.s32 @!p1 $0x3  }
0x108: {  	_ =	swait.ge @!p1 [sflag:s0], $0x500  }
0x109: {  	[sflag:s0] =	ssyncset.done @!p1 $0x0  }
0x10a: {  	[sflag:s0] =	ssyncadd.s32 @!p1 $0xFFFFFB00  }
0x10b: {  	p1 =	seq.s32 s29, $0x13240;
	_ =	swait.ge [sflag:s12], $0x1400  }
0x10c: {  	s0 =	sshra.s32 @!p1 s29, $0x2;
	s31 =	simm.s32 @!p1 $0x50;
	[sflag:s12] =	ssyncset.done $0x0  }
0x10d: {  	s5 =	simm.s32 @!p1 $0x9C40;
	s2 =	sadd.s32 @!p1 $0x190, s0;
	[sflag:s12] =	ssyncadd.s32 $0xFFFFEC00  }
0x10e: {  	[tilespmem:s5], [sflag:$0x1] =	stream.indirect.gather @!p1 [hbm4b:s1+s31], $0x40, s2, s31, $0xb8;
	[tilespmem:$0x1DF40] =	vst v63  }
0x10f: {  	_ =	swait.ge [sflag:s20], $0x1400  }
0x110: {  	[sflag:s20] =	ssyncset.done $0x0  }
0x111: {  	s2 =	sadd.s32 $0x4EC0, s30;
	[sflag:s20] =	ssyncadd.s32 $0xFFFFEC00  }
0x112: {  	[spmem:s3] =	stream.indirect.scatter.add.f32 [tilespmem:s17], [sflag:$0x2], $0x40, s2, s14, $0xb8;
	[tilespmem:$0x1DF40] =	vst v63  }
0x113: {  	s7 =	simm.s32 @!p0 $0x11240;
	s5 =	simm.s32 @!p0 $0x50  }
0x114: {  	[spmem:s4] =	stream.indirect.scatter.add.f32 @!p0 [tilespmem:s7], [sflag:$0x3], $0x10, s2, s5, $0xb8;
	[tilespmem:$0x1DF40] =	vst v63  }
0x115: {  	s2 =	simm.s32 @!p0 $0x3  }
0x116: {  	_ =	swait.ge @!p0 [sflag:s2], $0x500  }
0x117: {  	[sflag:s2] =	ssyncset.done @!p0 $0x0  }
0x118: {  	[sflag:s2] =	ssyncadd.s32 @!p0 $0xFFFFFB00  }
0x119: {  	_ =	swait.ge [sflag:s12], $0x1400  }
0x11a: {  	[sflag:s12] =	ssyncset.done $0x0  }
0x11b: {  	s24 =	simm.s32 @!p1 $0xB040;
	s8 =	sadd.s32 @!p1 $0x1E0, s0;
	[sflag:s12] =	ssyncadd.s32 $0xFFFFEC00  }
0x11c: {  	[tilespmem:s24], [sflag:$0x1] =	stream.indirect.gather @!p1 [hbm4b:s1+s31], $0x40, s8, s31, $0xb8;
	[tilespmem:$0x1DF40] =	vst v63  }
0x11d: {  	s19 =	sadd.s32 $0xFFFFFFFF, s28;
	_ =	swait.ge [sflag:s20], $0x1400  }
0x11e: {  	s8 =	sand.u32 $0x1, s19;
	[sflag:s20] =	ssyncset.done $0x0  }
0x11f: {  	s24 =	sadd.s32 $0x4F10, s30;
	p2 =	sne.s32 s8, s6;
	[sflag:s20] =	ssyncadd.s32 $0xFFFFEC00  }
0x120: {  	[spmem:s3] =	stream.indirect.scatter.add.f32 [tilespmem:s18], [sflag:$0x2], $0x40, s24, s14, $0xb8;
	[tilespmem:$0x1DF40] =	vst v63  }
0x121: {  	s8 =	simm.s32 @!p2 $0x50;
	s19 =	simm.s32 @!p2 $0x11240  }
0x122: {  	[spmem:s4] =	stream.indirect.scatter.add.f32 @!p2 [tilespmem:s19], [sflag:$0x3], $0x10, s24, s8, $0xb8;
	[tilespmem:$0x1DF40] =	vst v63  }
0x123: {  	s8 =	simm.s32 @!p2 $0x3  }
0x124: {  	_ =	swait.ge @!p2 [sflag:s8], $0x500  }
0x125: {  	[sflag:s8] =	ssyncset.done @!p2 $0x0  }
0x126: {  	[sflag:s8] =	ssyncadd.s32 @!p2 $0xFFFFFB00  }
0x127: {  	_ =	swait.ge [sflag:s12], $0x1400  }
0x128: {  	[sflag:s12] =	ssyncset.done $0x0  }
0x129: {  	s0 =	sadd.s32 @!p1 $0x230, s0;
	s8 =	simm.s32 @!p1 $0xC440;
	[sflag:s12] =	ssyncadd.s32 $0xFFFFEC00  }
0x12a: {  	[tilespmem:s8], [sflag:$0x1] =	stream.indirect.gather @!p1 [hbm4b:s1+s31], $0x40, s0, s31, $0xb8;
	[tilespmem:$0x1DF40] =	vst v63  }
0x12b: {  	_ =	swait.ge [sflag:s20], $0x1400  }
0x12c: {  	[sflag:s20] =	ssyncset.done $0x0  }
0x12d: {  	s0 =	sadd.s32 $0x4F60, s30;
	[sflag:s20] =	ssyncadd.s32 $0xFFFFEC00  }
0x12e: {  	[spmem:s3] =	stream.indirect.scatter.add.f32 [tilespmem:s23], [sflag:$0x2], $0x40, s0, s14, $0xb8;
	[tilespmem:$0x1DF40] =	vst v63  }
0x12f: {  	_ = 	snop  }
0x130: {  	[spmem:s4] =	stream.indirect.scatter.add.f32 @!p0 [tilespmem:s7], [sflag:$0x3], $0x10, s0, s5, $0xb8;
	[tilespmem:$0x1DF40] =	vst v63  }
0x131: {  	_ =	swait.ge @!p0 [sflag:s2], $0x500  }
.Ltmp10:
0x132: {  	[sflag:s2] =	ssyncset.done @!p0 $0x0;
	(pc) =	sbr.rel @p1 .LBB2_17-.Ltmp10, $4  }
0x133: {  	[sflag:s2] =	ssyncadd.s32 @!p0 $0xFFFFFB00  }
0x134: {  	_ =	swait.ge [sflag:s12], $0x1400  }
0x135: {  	[sflag:s12] =	ssyncset.done $0x0  }
0x136: {  	[sflag:s12] =	ssyncadd.s32 $0xFFFFEC00  }
.Ltmp11:
0x137: {  	(pc) =	sbr.rel .LBB2_10-.Ltmp11, $3  }
0x138: {  	_ =	sdelay $0x1  }
0x139: {  	s0 =	sadd.s32 $0x280, s30;
	s29 =	sadd.s32 $0x640, s29;
	s28 =	sadd.s32 $0x5, s28  }
0x13a: {  	[tilespmem:s18], [sflag:$0x1] =	stream.indirect.gather [hbm4b:s1+s14], $0x40, s0, s14, $0xb8;
	[tilespmem:$0x1DF40] =	vst v63  }
.LBB2_18:
0x13b: {  	_ =	sfence.sel $0x180000  }
0x13c: {  	[bflag:$0x0] =	sbarrier.arrive $0xFFFF  }
0x13d: {  	_ =	strace $0x90000047  }
0x13e: {  	s0 =	stileid.u32;
	[bflag:$0x2] =	sbarrier.arrive $0xFFFF  }
0x13f: {  	p0 =	sne.s32 s0, $0x0;
	s0 =	rddreg [dreg:$0x4]  }
0x140: {  	s0 =	sadd.s32 @!p0 $0x100000, s0  }
0x141: {  	[sflag:s0] =	ssyncadd.tile.s32 @!p0 $0x1;
	_ =	shalt  }
.Lfunc_end2:
_tile_overlayer_lowered:
.L_overlay_start_2:
0x142: {  	(tag) =	ssettag $0x2  }
0x143: {  	s0 =	rddreg [dreg:$0x0];
	s2 =	stileid.u32  }
0x144: {  	s1 =	rddreg [dreg:$0x1];
	p0 =	sne.s32 s2, $0x0  }
0x145: {  	s3 =	rddreg [dreg:$0x2];
	[bflag:$0x3] =	sbarrier.arrive $0xFFFF;
	s2 =	simm.s32 @!p0 $0x1C05  }
0x146: {  	[timem:s3], [sflag:s2] =	dma.local @!p0 [hbm:s0], s1  }
0x147: {  	s0 =	simm.s32 @!p0 $0x5  }
0x148: {  	_ =	swait.ge @!p0 [sflag:s0], s1  }
0x149: {  	s1 =	ssub.s32 @!p0 $0x0, s1;
	[sflag:s0] =	ssyncset.done @!p0 $0x0  }
0x14a: {  	[sflag:s0] =	ssyncadd.s32 @!p0 s1  }
0x14b: {  	[bflag:$0x3] =	sbarrier.arrive $0xFFFF  }
0x14c: {  	_ =	shalt  }

// kernel: kernel.9.cloned.1.call-start
scs
__scs_entry_jumppad:
0x0: {  	(pc) =	sbr.rel $0x88, $3  }
0x1: {  	(tag) =	ssettag $0x0;
	lr =	simm.s32 $0x1  }
0x2: {  	[smem:$0x3F99] =	sst lr;
	_ =	strace $0xD0000000  }
0x3: {  	_ = 	snop  }
0x4: {  	_ = 	snop  }
0x5: {  	_ = 	snop  }
0x6: {  	_ = 	snop  }
0x7: {  	_ = 	snop  }
__scs_overlays_trampoline_lowered:
0x8: {  	[smem:$0x3FA8] =	sst s0  }
0x9: {  	[smem:$0x3FA9] =	sst s1  }
0xa: {  	[smem:$0x3FAA] =	sst s2  }
0xb: {  	[smem:$0x3FAB] =	sst s3  }
0xc: {  	[smem:$0x3FAC] =	sst s4  }
0xd: {  	[smem:$0x3FAD] =	sst s5  }
0xe: {  	[smem:$0x3FAE] =	sst s6  }
0xf: {  	[smem:$0x3FAF] =	sst s7  }
0x10: {  	[smem:$0x3FB0] =	sst s8  }
0x11: {  	[smem:$0x3FB1] =	sst s9;
	s0 =	simm.s32 @!p0 $0x0  }
0x12: {  	s1 =	sld [smem:$0x3F97];
	s0 =	simm.s32 @p0 $0x1  }
0x13: {  	[smem:$0x3FB2] =	sst s0;
	s0 =	simm.s32 @!p1 $0x0  }
0x14: {  	s2 =	sld [smem:$0x3F96];
	s0 =	simm.s32 @p1 $0x1  }
0x15: {  	[smem:$0x3FB3] =	sst s0;
	s0 =	simm.s32 @!p2 $0x0  }
0x16: {  	s3 =	sld [smem:$0x3FDB];
	s0 =	simm.s32 @p2 $0x1  }
0x17: {  	s4 =	simm.s32 $0x1BF5;
	[smem:$0x3FB5] =	sst s0  }
0x18: {  	s0 =	sld [smem:$0x3F98];
	_ =	swait.ge [sflag:s4], $0x0  }
0x19: {  	s7 =	sld [smem:$0x3F99]  }
0x1a: {  	s8 =	sadd.s32 $0xFFFFE003, lr  }
0x1b: {  	s9 =	sadd.s32 $0xFFFFFEF7, lr;
	s5 =	simm.s32 $0xFFFFFFFF;
	p2 =	slt.u32 s8, $0xFFFFF086  }
0x1c: {  	p1 =	slt.u32 s9, $0xF7A;
	s5 =	simm.s32 @!p2 $0x0  }
0x1d: {  	s5 =	simm.s32 @p1 $0x1;
	p0 =	seq.s32 s7, s2  }
0x1e: {  	s7 =	smul.u32 @!p0 $0xF7A, s2;
	p2 =	seq.s32 @!p0 s5, $0x0  }
0x1f: {  	s9 =	smul.u32 $0xF7A, s1;
	s8 =	simm.s32 @!p0 $0x1BF5;
	p2 =	por !p2, p0  }
0x20: {  	[sflag:s8] =	ssyncset.s32 @!p0 $0xFFFFF086;
	s6 =	sadd.s32 @!p0 s3, s7;
	s7 =	simm.s32 @!p0 $0x108  }
0x21: {  	s3 =	sadd.s32 s3, s9;
	s6 =	sadd.s32 @!p0 $0x88, s6;
	s7 =	simm.s32 @p2 $0x1082  }
0x22: {  	[simem:s7], [sflag:s8] =	dma.local @!p0 [hbm:s6], $0xF7A  }
0x23: {  	s9 =	sor.u32 $0xD0000000, s2;
	s6 =	simm.s32 $0x108;
	_ =	swait.ge @!p0 [sflag:s8], $0x0  }
0x24: {  	s3 =	sadd.s32 $0x88, s3;
	s6 =	simm.s32 @!p1 $0x1082;
	[sflag:s4] =	ssyncset.s32 $0xFFFFF086  }
0x25: {  	[simem:s6], [sflag:s4] =	dma.local [hbm:s3], $0xF7A  }
0x26: {  	[smem:$0x3F99] =	sst s1;
	(tag) =	ssettag s2;
	_ =	strace s9  }
0x27: {  	s1 =	sld [smem:$0x3FA9]  }
0x28: {  	s2 =	sld [smem:$0x3FAA]  }
0x29: {  	s4 =	sld [smem:$0x3FAC]  }
0x2a: {  	p0 =	seq.s32 s5, $0x0;
	s5 =	sld [smem:$0x3FAD]  }
0x2b: {  	s6 =	sld [smem:$0x3FAE]  }
0x2c: {  	s7 =	sld [smem:$0x3FAF]  }
0x2d: {  	s3 =	simm.s32 $0x108;
	s8 =	sld [smem:$0x3FB0]  }
0x2e: {  	s3 =	simm.s32 @!p0 $0x1082;
	s9 =	sld [smem:$0x3FB1]  }
0x2f: {  	lr =	sadd.s32 s0, s3;
	s0 =	sld [smem:$0x3FA8]  }
0x30: {  	s3 =	sld [smem:$0x3FAB]  }
0x31: {  	[smem:$0x3FB4] =	sst s10  }
0x32: {  	s10 =	sld [smem:$0x3FB2];
	_ =	sdelay $0x3  }
0x33: {  	p0 =	seq.s32 s10, $0x1;
	s10 =	sld [smem:$0x3FB4];
	_ =	sdelay $0x3  }
0x34: {  	[smem:$0x3FB4] =	sst s10  }
0x35: {  	s10 =	sld [smem:$0x3FB3];
	_ =	sdelay $0x3  }
0x36: {  	p1 =	seq.s32 s10, $0x1;
	s10 =	sld [smem:$0x3FB4];
	_ =	sdelay $0x3  }
0x37: {  	[smem:$0x3FB4] =	sst s10  }
0x38: {  	s10 =	sld [smem:$0x3FB5]  }
0x39: {  	_ = 	snop;
	(pc) =	sbr.ind lr, $3  }
0x3a: {  	_ = 	snop  }
0x3b: {  	_ = 	snop  }
0x3c: {  	p2 =	seq.s32 s10, $0x1;
	s10 =	sld [smem:$0x3FB4]  }
0x3d: {  	_ =	shalt  }
0x3e: {  	_ =	shalt  }
0x3f: {  	_ =	shalt  }
0x40: {  	_ =	shalt  }
0x41: {  	_ =	shalt  }
0x42: {  	_ =	shalt  }
0x43: {  	_ =	shalt  }
0x44: {  	_ =	shalt  }
0x45: {  	_ =	shalt  }
0x46: {  	_ =	shalt  }
0x47: {  	_ =	shalt  }
0x48: {  	_ =	shalt  }
0x49: {  	_ =	shalt  }
0x4a: {  	_ =	shalt  }
0x4b: {  	_ =	shalt  }
0x4c: {  	_ =	shalt  }
0x4d: {  	_ =	shalt  }
0x4e: {  	_ =	shalt  }
0x4f: {  	_ =	shalt  }
0x50: {  	_ =	shalt  }
0x51: {  	_ =	shalt  }
0x52: {  	_ =	shalt  }
0x53: {  	_ =	shalt  }
0x54: {  	_ =	shalt  }
0x55: {  	_ =	shalt  }
0x56: {  	_ =	shalt  }
0x57: {  	_ =	shalt  }
0x58: {  	_ =	shalt  }
0x59: {  	_ =	shalt  }
0x5a: {  	_ =	shalt  }
0x5b: {  	_ =	shalt  }
0x5c: {  	_ =	shalt  }
0x5d: {  	_ =	shalt  }
0x5e: {  	_ =	shalt  }
0x5f: {  	_ =	shalt  }
0x60: {  	_ =	shalt  }
0x61: {  	_ =	shalt  }
0x62: {  	_ =	shalt  }
0x63: {  	_ =	shalt  }
0x64: {  	_ =	shalt  }
0x65: {  	_ =	shalt  }
0x66: {  	_ =	shalt  }
0x67: {  	_ =	shalt  }
0x68: {  	_ =	shalt  }
0x69: {  	_ =	shalt  }
0x6a: {  	_ =	shalt  }
0x6b: {  	_ =	shalt  }
0x6c: {  	_ =	shalt  }
0x6d: {  	_ =	shalt  }
0x6e: {  	_ =	shalt  }
0x6f: {  	_ =	shalt  }
0x70: {  	_ =	shalt  }
0x71: {  	_ =	shalt  }
0x72: {  	_ =	shalt  }
0x73: {  	_ =	shalt  }
0x74: {  	_ =	shalt  }
0x75: {  	_ =	shalt  }
0x76: {  	_ =	shalt  }
0x77: {  	_ =	shalt  }
0x78: {  	_ =	shalt  }
0x79: {  	_ =	shalt  }
0x7a: {  	_ =	shalt  }
0x7b: {  	_ =	shalt  }
0x7c: {  	_ =	shalt  }
0x7d: {  	_ =	shalt  }
0x7e: {  	_ =	shalt  }
0x7f: {  	_ =	shalt  }
0x80: {  	_ =	shalt  }
0x81: {  	_ =	shalt  }
0x82: {  	_ =	shalt  }
0x83: {  	_ =	shalt  }
0x84: {  	_ =	shalt  }
0x85: {  	_ =	shalt  }
0x86: {  	_ =	shalt  }
0x87: {  	_ =	shalt  }
.Lfunc_end0:
.L_simem_size_0:
called_computation.1_lowered:
.L_overlay_start_0:
0x88: {  	s2 =	sld [smem:$0x3FD9]  }
0x89: {  	s3 =	sld [smem:$0x3FFE];
	_ =	sdelay $0x1  }
0x8a: {  	s1 =	srdreg.scid  }
0x8b: {  	s0 =	sand.u32 $0x1, s1  }
0x8c: {  	s17 =	sshll.u32 s0, $0xA;
	s2 =	sadd.s32 s3, s2  }
0x8d: {  	s2 =	sadd.s32 s2, s17  }
0x8e: {  	[smem:$0x3FC0] =	sst s2  }
0x8f: {  	_ = 	snop  }
0x90: {  	s2 =	sld [smem:$0x3FD0];
	(tm) =	ssettm $0x1  }
0x91: {  	s18 =	sld [smem:$0x3FFB];
	_ =	sdelay $0x3  }
0x92: {  	_ =	strace s18  }
0x93: {  	s3 =	sld [smem:$0x3FFC];
	_ =	sdelay $0x3  }
0x94: {  	_ =	strace s3  }
0x95: {  	s3 =	sld [smem:$0x3FFD];
	_ =	sdelay $0x3  }
0x96: {  	_ =	strace s3  }
0x97: {  	_ =	strace $0x8FFFFFFF  }
0x98: {  	s19 =	sld [smem:$0x3FDB];
	_ =	sdelay $0x1  }
0x99: {  	s4 =	simm.s32 $_scs_section_size  }
0x9a: {  	s5 =	simm.s32 $_size__tile_overlayer_lowered;
	s6 =	simm.s32 $_tile_overlayer_lowered  }
0x9b: {  	s22 =	simm.s32 $0x1BFF;
	s21 =	sshll.u32 s6, $0x1;
	s3 =	sadd.s32 s4, s19  }
0x9c: {  	s7 =	simm.s32 $0x0;
	s20 =	sshll.u32 s5, $0x1;
	s5 =	sadd.s32 s21, s3  }
0x9d: {  	[timem:s7], [sflag:s22] =	dma.local [hbm:s5], s20  }
0x9e: {  	_ =	swait.ge [sflag:s22], s20  }
0x9f: {  	s4 =	ssub.s32 $0x0, s20;
	[sflag:s22] =	ssyncset.done $0x0  }
0xa0: {  	[sflag:s22] =	ssyncadd.s32 s4;
	_ =	sdelay $0x1  }
0xa1: {  	s23 =	simm.s32 $0x1B8B  }
0xa2: {  	_ =	swait.ge [sflag:s23], $0x1  }
0xa3: {  	[sflag:s23] =	ssyncset.done $0x0  }
0xa4: {  	s25 =	simm.s32 $0x1B8E;
	s24 =	sld [smem:$0x3FFE];
	[sflag:s23] =	ssyncadd.s32 $0xFFFFFFFF  }
0xa5: {  	s26 =	simm.s32 $execute0_lowered;
	[smem:$0x3FD2] =	sst s25  }
0xa6: {  	s5 =	sshll.u32 s26, $0x1;
	_ =	strace $0x80000049;
	[dreg:$0x1] =	wrdreg $0xFFFFFFFF  }
0xa7: {  	s28 =	simm.s32 $_size_execute0_lowered;
	s3 =	sadd.s32 s3, s5;
	[dreg:$0x0] =	wrdreg $0x0  }
0xa8: {  	s5 =	sshll.u32 s28, $0x1;
	[dreg:$0x2] =	wrdreg s3  }
0xa9: {  	[dreg:$0x3] =	wrdreg s5  }
0xaa: {  	[dreg:$0x4] =	wrdreg $0xC0  }
0xab: {  	_ =	task [dreg:s7], $0x5FFFF  }
0xac: {  	[dreg:$0x1] =	wrdreg $0xFFFFFFFF  }
0xad: {  	[dreg:$0x0] =	wrdreg $0x60  }
0xae: {  	[dreg:$0x2] =	wrdreg s2  }
0xaf: {  	[dreg:$0x3] =	wrdreg s24  }
0xb0: {  	[dreg:$0x4] =	wrdreg $0x108400  }
0xb1: {  	[dreg:$0x5] =	wrdreg $0x9  }
0xb2: {  	_ =	task.clear_ibuf [dreg:s7], $0x6FFFF;
	_ =	strace $0x90000049  }
0xb3: {  	s29 =	simm.s32 $0x9;
	_ =	strace $0x8000004B  }
0xb4: {  	_ =	swait.ge [sflag:s29], $0x1  }
0xb5: {  	[sflag:s29] =	ssyncadd.s32 $0xFFFFFFFF  }
0xb6: {  	_ =	strace $0x9000004B  }
0xb7: {  	_ =	sfence  }
0xb8: {  	s30 =	sld [smem:$0x0];
	_ =	sdelay $0x2  }
0xb9: {  	s31 =	sshll.u32 s1, $0xD;
	s1 =	sshrl.u32 s1, $0x2  }
0xba: {  	s3 =	sand.u32 $0x4000, s31;
	s1 =	sadd.s32 s1, s30  }
0xbb: {  	s0 =	sor.u32 s3, s0;
	s1 =	sshll.u32 s1, $0x11  }
0xbc: {  	s0 =	sor.u32 s1, s0  }
0xbd: {  	s0 =	sadd.s32 $0x8F2B, s0  }
0xbe: {  	[sflag:s0] =	ssyncadd.remote.s32 $0x1  }
0xbf: {  	_ =	sfence.sel $0xFFFF  }
0xc0: {  	[dreg:$0x0] =	wrdreg $0xFFFFFFFF;
	(pc) =	sbr.abs _section_cstart, $3  }
0xc1: {  	[dreg:$0x1] =	wrdreg $0xFFFFFFFF  }
0xc2: {  	_ =	task.clear_ibuf [dreg:s7], $0x2FFFF;
	_ =	strace $0x9FFFFFFF  }
0xc3: {  	(tm) =	ssettm $0x7FFFFFFF  }
tec
execute0_lowered:
.L_overlay_start_1:
0x0: {  	(tag) =	ssettag $0x1  }
0x1: {  	s2 =	rddreg [dreg:$0x0]  }
0x2: {  	s0 =	rddreg [dreg:$0x1]  }
0x3: {  	s3 =	rddreg [dreg:$0x2]  }
0x4: {  	s6 =	stileid.u32;
	s4 =	srdreg.scid;
	s5 =	simm.s32 $0x0  }
0x5: {  	s30 =	simm.s32 $0x4E20;
	s31 =	simm.s32 $0x10040;
	s1 =	smul.u32 $0x9C4, s6  }
0x6: {  	s7 =	simm.s32 $0xB040;
	s8 =	simm.s32 $0xC440;
	s9 =	smul.u32 $0x2800, s6  }
0x7: {  	s12 =	sand.u32 $0x1, s4;
	[smem:$0x7FF] =	sst s5;
	s6 =	smul.u32 $0x28000, s6  }
0x8: {  	s5 =	simm.s32 $0x9C40;
	s10 =	smul.u32 $0x28000, s12;
	s1 =	sadd.s32 s1, s0  }
0x9: {  	_ =	strace $0x8000004A;
	s6 =	sshrl.u32 s6, $0x2;
	s14 =	sadd.s32 $0xC400, s1  }
0xa: {  	s6 =	sadd.s32 s6, s3;
	s1 =	sadd.s32 $0x2600, s1;
	[dreg:$0x4] =	wrdreg s14  }
0xb: {  	s11 =	ssub.s32 $0x2, s12;
	[dreg:$0x5] =	wrdreg s1;
	s15 =	sadd.s32 $0x800, s6  }
0xc: {  	v0 =	vmov s12;
	s12 =	simm.s32 $0x4;
	s16 =	sadd.s32 $0x1000, s6;
	[dreg:$0x6] =	wrdreg s15  }
0xd: {  	s13 =	sshrl.u32 s11, $0x1;
	s17 =	sadd.s32 $0x1800, s6;
	[dreg:$0x7] =	wrdreg s16  }
0xe: {  	s4 =	sadd.s32 s9, s10;
	s18 =	sadd.s32 $0x2000, s6;
	[dreg:$0x8] =	wrdreg s17  }
0xf: {  	s9 =	simm.s32 $0xD840;
	s19 =	sadd.s32 $0x2800, s6;
	[dreg:$0x9] =	wrdreg s18  }
0x10: {  	s10 =	simm.s32 $0x1;
	s20 =	sadd.s32 $0x3000, s6;
	[dreg:$0xa] =	wrdreg s19  }
0x11: {  	s0 =	sadd.s32 s4, s0;
	s21 =	sadd.s32 $0x3800, s6;
	[dreg:$0xb] =	wrdreg s20  }
0x12: {  	s4 =	ssub.s32 s11, s13;
	s22 =	sadd.s32 $0x4000, s6;
	[dreg:$0xc] =	wrdreg s21  }
0x13: {  	s23 =	sadd.s32 $0x4800, s6;
	s24 =	sadd.s32 $0x5000, s6;
	[dreg:$0xd] =	wrdreg s22  }
0x14: {  	s25 =	sadd.s32 $0x5800, s6;
	s26 =	sadd.s32 $0x6000, s6;
	[dreg:$0xe] =	wrdreg s23  }
0x15: {  	s28 =	sadd.s32 $0x9000, s6;
	s29 =	sadd.s32 $0x9800, s6;
	[dreg:$0xf] =	wrdreg s24  }
.Ltmp0:
0x16: {  	s1 =	simm.s32 $0x3;
	[dreg:$0x10] =	wrdreg s25;
	(pc) =	sbr.rel .LBB2_1-.Ltmp0, $4  }
0x17: {  	s11 =	simm.s32 $0xEC40;
	s13 =	simm.s32 $0x0;
	[dreg:$0x11] =	wrdreg s26  }
0x18: {  	s20 =	sadd.s32 $0x6800, s6;
	s21 =	sadd.s32 $0x7000, s6;
	s22 =	sadd.s32 $0x7800, s6  }
0x19: {  	s23 =	sadd.s32 $0x16200, s0;
	s24 =	smax.u32 s4, $0x1;
	s25 =	sadd.s32 $0x8000, s6  }
0x1a: {  	v1 =	vimm.f32 $0.0e+00;
	s26 =	sadd.s32 $0x8800, s6;
	s0 =	simm.s32 $0x2;
	s4 =	simm.s32 $0x50  }
.LBB2_8:
0x1b: {  	_ =	swait.ge [sflag:s10], $0x1400  }
0x1c: {  	[sflag:s10] =	ssyncset.done $0x0  }
0x1d: {  	[sflag:s10] =	ssyncadd.s32 $0xFFFFEC00  }
0x1e: {  	[spmem:s3] =	stream.indirect.scatter.add.f32 [tilespmem:s11], [sflag:$0x2], $0x40, s16, s4, $0xb8;
	[tilespmem:$0x1A840] =	vst v63  }
0x1f: {  	_ =	swait.ge [sflag:s0], $0x1400  }
0x20: {  	[sflag:s0] =	ssyncset.done $0x0  }
0x21: {  	s14 =	stileid.u32;
	[sflag:s0] =	ssyncadd.s32 $0xFFFFEC00  }
0x22: {  	s15 =	sshrl.u32 s6, $0x3;
	s19 =	simm.s32 $0x10;
	_ =	swait.ge [sflag:s0], $0x1400  }
0x23: {  	s17 =	simm.s32 $0x8;
	s13 =	sadd.s32 $0x1, s13;
	[sflag:s0] =	ssyncset.done $0x0  }
0x24: {  	s14 =	sshll.u32 s14, $0x6;
	p0 =	sne.s32 s13, s24;
	[sflag:s0] =	ssyncadd.s32 $0xFFFFEC00  }
.Ltmp1:
0x25: {  	s14 =	sor.u32 $0x1C04, s14;
	[bflag:$0x0] =	sbarrier.arrive $0xFFFF;
	(pc) =	sbr.rel @!p0 .LBB2_9-.Ltmp1, $4  }
0x26: {  	[hbm:s23@s19], [sflag:s14] =	dma.strided [spmem:s15@s17], $0x1400, s10, $0x8   }
0x27: {  	_ =	swait.ge [sflag:s12], $0x1400  }
0x28: {  	[sflag:s12] =	ssyncset.done $0x0  }
0x29: {  	[sflag:s12] =	ssyncadd.s32 $0xFFFFEC00  }
.LBB2_1:
0x2a: {  	s14 =	simm.s32 $0x0;
	s15 =	rddreg [dreg:$0x4]  }
0x2b: {  	[tilespmem:s14], [sflag:$0x3] =	stream.linear.gather [hbm4b:s15+s14], $0x4E20, $0x38;
	[tilespmem:$0x1A840] =	vst v63  }
0x2c: {  	s19 =	rddreg [dreg:$0x5]  }
0x2d: {  	[tilespmem:s30], [sflag:$0x3] =	stream.linear.gather [hbm4b:s19+s14], $0x4E20, $0x38;
	[tilespmem:$0x1A840] =	vst v63  }
0x2e: {  	s15 =	simm.s32 $0x100;
	s14 =	simm.s32 $0x0  }
.LBB2_2:
0x2f: {  	p0 =	sne.s32 s15, $0x1F00;
	[tilespmem:s14+$0x10070] =	vst v1;
	s16 =	smov.u32 s15;
	s15 =	sadd.s32 $0x100, s15  }
.Ltmp2:
0x30: {  	[tilespmem:s14+$0x10060] =	vst v1;
	(pc) =	sbr.rel @p0 .LBB2_2-.Ltmp2, $3  }
0x31: {  	[tilespmem:s14+$0x10040] =	vst v1  }
0x32: {  	[tilespmem:s14+$0x10050] =	vst v1;
	_ =	sdelay $0x1  }
0x33: {  	s14 =	sshra.s32 s16, $0x2  }
0x34: {  	[tilespmem:s14+$0x10070] =	vst v1  }
0x35: {  	[tilespmem:s14+$0x10060] =	vst v1  }
0x36: {  	[tilespmem:s14+$0x10040] =	vst v1  }
0x37: {  	[tilespmem:s14+$0x10050] =	vst v1  }
0x38: {  	[spmem:s6] =	stream.linear.scatter [tilespmem:s31], [sflag:$0x2], $0x800, $0x38;
	[tilespmem:$0x1A840] =	vst v63  }
0x39: {  	s18 =	rddreg [dreg:$0x6]  }
0x3a: {  	[spmem:s18] =	stream.linear.scatter [tilespmem:s31], [sflag:$0x2], $0x800, $0x38;
	[tilespmem:$0x1A840] =	vst v63  }
0x3b: {  	s19 =	rddreg [dreg:$0x7]  }
0x3c: {  	[spmem:s19] =	stream.linear.scatter [tilespmem:s31], [sflag:$0x2], $0x800, $0x38;
	[tilespmem:$0x1A840] =	vst v63  }
0x3d: {  	s15 =	rddreg [dreg:$0x8]  }
0x3e: {  	[spmem:s15] =	stream.linear.scatter [tilespmem:s31], [sflag:$0x2], $0x800, $0x38;
	[tilespmem:$0x1A840] =	vst v63  }
0x3f: {  	s16 =	rddreg [dreg:$0x9]  }
0x40: {  	[spmem:s16] =	stream.linear.scatter [tilespmem:s31], [sflag:$0x2], $0x800, $0x38;
	[tilespmem:$0x1A840] =	vst v63  }
0x41: {  	s17 =	rddreg [dreg:$0xa]  }
0x42: {  	[spmem:s17] =	stream.linear.scatter [tilespmem:s31], [sflag:$0x2], $0x800, $0x38;
	[tilespmem:$0x1A840] =	vst v63  }
0x43: {  	s18 =	rddreg [dreg:$0xb]  }
0x44: {  	[spmem:s18] =	stream.linear.scatter [tilespmem:s31], [sflag:$0x2], $0x800, $0x38;
	[tilespmem:$0x1A840] =	vst v63  }
0x45: {  	s19 =	rddreg [dreg:$0xc]  }
0x46: {  	[spmem:s19] =	stream.linear.scatter [tilespmem:s31], [sflag:$0x2], $0x800, $0x38;
	[tilespmem:$0x1A840] =	vst v63  }
0x47: {  	s15 =	rddreg [dreg:$0xd]  }
0x48: {  	[spmem:s15] =	stream.linear.scatter [tilespmem:s31], [sflag:$0x2], $0x800, $0x38;
	[tilespmem:$0x1A840] =	vst v63  }
0x49: {  	s16 =	rddreg [dreg:$0xe]  }
0x4a: {  	[spmem:s16] =	stream.linear.scatter [tilespmem:s31], [sflag:$0x2], $0x800, $0x38;
	[tilespmem:$0x1A840] =	vst v63  }
0x4b: {  	s17 =	rddreg [dreg:$0xf]  }
0x4c: {  	[spmem:s17] =	stream.linear.scatter [tilespmem:s31], [sflag:$0x2], $0x800, $0x38;
	[tilespmem:$0x1A840] =	vst v63  }
0x4d: {  	s18 =	rddreg [dreg:$0x10]  }
0x4e: {  	[spmem:s18] =	stream.linear.scatter [tilespmem:s31], [sflag:$0x2], $0x800, $0x38;
	[tilespmem:$0x1A840] =	vst v63  }
0x4f: {  	s19 =	rddreg [dreg:$0x11]  }
0x50: {  	[spmem:s19] =	stream.linear.scatter [tilespmem:s31], [sflag:$0x2], $0x800, $0x38;
	[tilespmem:$0x1A840] =	vst v63  }
0x51: {  	_ = 	snop  }
0x52: {  	[spmem:s20] =	stream.linear.scatter [tilespmem:s31], [sflag:$0x2], $0x800, $0x38;
	[tilespmem:$0x1A840] =	vst v63  }
0x53: {  	_ = 	snop  }
0x54: {  	[spmem:s21] =	stream.linear.scatter [tilespmem:s31], [sflag:$0x2], $0x800, $0x38;
	[tilespmem:$0x1A840] =	vst v63  }
0x55: {  	_ = 	snop  }
0x56: {  	[spmem:s22] =	stream.linear.scatter [tilespmem:s31], [sflag:$0x2], $0x800, $0x38;
	[tilespmem:$0x1A840] =	vst v63  }
0x57: {  	_ = 	snop  }
0x58: {  	[spmem:s25] =	stream.linear.scatter [tilespmem:s31], [sflag:$0x2], $0x800, $0x38;
	[tilespmem:$0x1A840] =	vst v63  }
0x59: {  	_ = 	snop  }
0x5a: {  	[spmem:s26] =	stream.linear.scatter [tilespmem:s31], [sflag:$0x2], $0x800, $0x38;
	[tilespmem:$0x1A840] =	vst v63  }
0x5b: {  	_ = 	snop  }
0x5c: {  	[spmem:s28] =	stream.linear.scatter [tilespmem:s31], [sflag:$0x2], $0x800, $0x38;
	[tilespmem:$0x1A840] =	vst v63  }
0x5d: {  	_ = 	snop  }
0x5e: {  	[spmem:s29] =	stream.linear.scatter [tilespmem:s31], [sflag:$0x2], $0x800, $0x38;
	[tilespmem:$0x1A840] =	vst v63  }
0x5f: {  	_ =	swait.ge [sflag:s0], $0x800  }
0x60: {  	[sflag:s0] =	ssyncset.done $0x0  }
0x61: {  	[sflag:s0] =	ssyncadd.s32 $0xFFFFF800  }
0x62: {  	_ =	swait.ge [sflag:s0], $0x800  }
0x63: {  	[sflag:s0] =	ssyncset.done $0x0  }
0x64: {  	[sflag:s0] =	ssyncadd.s32 $0xFFFFF800  }
0x65: {  	_ =	swait.ge [sflag:s0], $0x800  }
0x66: {  	[sflag:s0] =	ssyncset.done $0x0  }
0x67: {  	[sflag:s0] =	ssyncadd.s32 $0xFFFFF800  }
0x68: {  	_ =	swait.ge [sflag:s0], $0x800  }
0x69: {  	[sflag:s0] =	ssyncset.done $0x0  }
0x6a: {  	[sflag:s0] =	ssyncadd.s32 $0xFFFFF800  }
0x6b: {  	_ =	swait.ge [sflag:s0], $0x800  }
0x6c: {  	[sflag:s0] =	ssyncset.done $0x0  }
0x6d: {  	[sflag:s0] =	ssyncadd.s32 $0xFFFFF800  }
0x6e: {  	_ =	swait.ge [sflag:s0], $0x800  }
0x6f: {  	[sflag:s0] =	ssyncset.done $0x0  }
0x70: {  	[sflag:s0] =	ssyncadd.s32 $0xFFFFF800  }
0x71: {  	_ =	swait.ge [sflag:s0], $0x800  }
0x72: {  	[sflag:s0] =	ssyncset.done $0x0  }
0x73: {  	[sflag:s0] =	ssyncadd.s32 $0xFFFFF800  }
0x74: {  	_ =	swait.ge [sflag:s0], $0x800  }
0x75: {  	[sflag:s0] =	ssyncset.done $0x0  }
0x76: {  	[sflag:s0] =	ssyncadd.s32 $0xFFFFF800  }
0x77: {  	_ =	swait.ge [sflag:s0], $0x800  }
0x78: {  	[sflag:s0] =	ssyncset.done $0x0  }
0x79: {  	[sflag:s0] =	ssyncadd.s32 $0xFFFFF800  }
0x7a: {  	_ =	swait.ge [sflag:s0], $0x800  }
0x7b: {  	[sflag:s0] =	ssyncset.done $0x0  }
0x7c: {  	[sflag:s0] =	ssyncadd.s32 $0xFFFFF800  }
0x7d: {  	_ =	swait.ge [sflag:s0], $0x800  }
0x7e: {  	[sflag:s0] =	ssyncset.done $0x0  }
0x7f: {  	[sflag:s0] =	ssyncadd.s32 $0xFFFFF800  }
0x80: {  	_ =	swait.ge [sflag:s0], $0x800  }
0x81: {  	[sflag:s0] =	ssyncset.done $0x0  }
0x82: {  	[sflag:s0] =	ssyncadd.s32 $0xFFFFF800  }
0x83: {  	_ =	swait.ge [sflag:s0], $0x800  }
0x84: {  	[sflag:s0] =	ssyncset.done $0x0  }
0x85: {  	[sflag:s0] =	ssyncadd.s32 $0xFFFFF800  }
0x86: {  	_ =	swait.ge [sflag:s0], $0x800  }
0x87: {  	[sflag:s0] =	ssyncset.done $0x0  }
0x88: {  	[sflag:s0] =	ssyncadd.s32 $0xFFFFF800  }
0x89: {  	_ =	swait.ge [sflag:s0], $0x800  }
0x8a: {  	[sflag:s0] =	ssyncset.done $0x0  }
0x8b: {  	[sflag:s0] =	ssyncadd.s32 $0xFFFFF800  }
0x8c: {  	_ =	swait.ge [sflag:s0], $0x800  }
0x8d: {  	[sflag:s0] =	ssyncset.done $0x0  }
0x8e: {  	[sflag:s0] =	ssyncadd.s32 $0xFFFFF800  }
0x8f: {  	_ =	swait.ge [sflag:s0], $0x800  }
0x90: {  	[sflag:s0] =	ssyncset.done $0x0  }
0x91: {  	[sflag:s0] =	ssyncadd.s32 $0xFFFFF800  }
0x92: {  	_ =	swait.ge [sflag:s0], $0x800  }
0x93: {  	[sflag:s0] =	ssyncset.done $0x0  }
0x94: {  	[sflag:s0] =	ssyncadd.s32 $0xFFFFF800  }
0x95: {  	_ =	swait.ge [sflag:s0], $0x800  }
0x96: {  	[sflag:s0] =	ssyncset.done $0x0  }
0x97: {  	[sflag:s0] =	ssyncadd.s32 $0xFFFFF800  }
0x98: {  	_ =	swait.ge [sflag:s0], $0x800  }
0x99: {  	[sflag:s0] =	ssyncset.done $0x0  }
0x9a: {  	[sflag:s0] =	ssyncadd.s32 $0xFFFFF800  }
0x9b: {  	_ =	swait.ge [sflag:s1], $0x4E20  }
0x9c: {  	[sflag:s1] =	ssyncset.done $0x0  }
0x9d: {  	[sflag:s1] =	ssyncadd.s32 $0xFFFFB1E0  }
0x9e: {  	_ =	swait.ge [sflag:s1], $0x4E20  }
0x9f: {  	[sflag:s1] =	ssyncset.done $0x0  }
0xa0: {  	s14 =	simm.s32 $0x0;
	[sflag:s1] =	ssyncadd.s32 $0xFFFFB1E0  }
0xa1: {  	v4 =	vld [tilespmem:s14+$0x0]  }
0xa2: {  	v5 =	vld [tilespmem:s14+$0x10]  }
0xa3: {  	v3 =	vld [tilespmem:s14+$0x20]  }
0xa4: {  	s15 =	simm.s32 $0x140;
	v2 =	vld [tilespmem:s14+$0x30]  }
.LBB2_4:
0xa5: {  	p0 =	sne.s32 s15, $0x13740;
	v6 =	vld [tilespmem:s14+$0x40]  }
0xa6: {  	v4 =	vshll.u32 v4, $0x1  }
0xa7: {  	v4 =	vor.u32 v0, v4;
	v5 =	vshll.u32 v5, $0x1  }
.Ltmp3:
0xa8: {  	s16 =	sshra.s32 s15, $0x2;
	[tilespmem:s14+$0x0] =	vst v4;
	v5 =	vor.u32 v0, v5;
	v3 =	vshll.u32 v3, $0x1;
	(pc) =	sbr.rel @p0 .LBB2_4-.Ltmp3, $4  }
0xa9: {  	v4 =	vld [tilespmem:s16+$0x0];
	[tilespmem:s14+$0x10] =	vst v5;
	v3 =	vor.u32 v0, v3;
	v2 =	vshll.u32 v2, $0x1  }
0xaa: {  	v5 =	vld [tilespmem:s16+$0x10];
	[tilespmem:s14+$0x20] =	vst v3;
	v2 =	vor.u32 v0, v2;
	v6 =	vshll.u32 v6, $0x1  }
0xab: {  	v3 =	vld [tilespmem:s16+$0x20];
	[tilespmem:s14+$0x30] =	vst v2;
	v6 =	vor.u32 v0, v6  }
0xac: {  	s15 =	sadd.s32 $0x140, s15;
	v2 =	vld [tilespmem:s16+$0x30];
	[tilespmem:s14+$0x40] =	vst v6;
	s14 =	smov.u32 s16  }
0xad: {  	v6 =	vld [tilespmem:s14+$0x40]  }
0xae: {  	v4 =	vshll.u32 v4, $0x1  }
0xaf: {  	v4 =	vor.u32 v0, v4;
	v5 =	vshll.u32 v5, $0x1  }
0xb0: {  	[tilespmem:s14+$0x0] =	vst v4;
	v63 =	vor.u32 v0, v5;
	v3 =	vshll.u32 v3, $0x1  }
0xb1: {  	[tilespmem:s14+$0x10] =	vst v63;
	v3 =	vor.u32 v0, v3;
	v2 =	vshll.u32 v2, $0x1  }
0xb2: {  	[tilespmem:s14+$0x20] =	vst v3;
	v2 =	vor.u32 v0, v2;
	v3 =	vshll.u32 v6, $0x1  }
0xb3: {  	[tilespmem:s14+$0x30] =	vst v2;
	v2 =	vor.u32 v0, v3  }
0xb4: {  	[tilespmem:s14+$0x40] =	vst v2  }
0xb5: {  	s14 =	simm.s32 $0x0;
	[bflag:$0x0] =	sbarrier.arrive $0xFFFF  }
0xb6: {  	[tilespmem:s5], [sflag:$0x1] =	stream.indirect.gather [hbm4b:s2+s4], $0x40, s14, s4, $0xb8;
	[tilespmem:$0x1A840] =	vst v63  }
0xb7: {  	_ = 	snop  }
0xb8: {  	[tilespmem:s7], [sflag:$0x1] =	stream.indirect.gather [hbm4b:s2+s4], $0x40, s4, s4, $0xb8;
	[tilespmem:$0x1A840] =	vst v63  }
0xb9: {  	s15 =	simm.s32 $0xA0  }
0xba: {  	[tilespmem:s8], [sflag:$0x1] =	stream.indirect.gather [hbm4b:s2+s4], $0x40, s15, s4, $0xb8;
	[tilespmem:$0x1A840] =	vst v63  }
0xbb: {  	s18 =	simm.s32 $0xF0  }
0xbc: {  	[tilespmem:s9], [sflag:$0x1] =	stream.indirect.gather [hbm4b:s2+s4], $0x40, s18, s4, $0xb8;
	[tilespmem:$0x1A840] =	vst v63  }
0xbd: {  	_ =	swait.ge [sflag:s10], $0x1400  }
0xbe: {  	[sflag:s10] =	ssyncset.done $0x0  }
0xbf: {  	[sflag:s10] =	ssyncadd.s32 $0xFFFFEC00  }
0xc0: {  	[spmem:s3] =	stream.indirect.scatter.add.f32 [tilespmem:s5], [sflag:$0x2], $0x40, s30, s4, $0xb8;
	[tilespmem:$0x1A840] =	vst v63  }
0xc1: {  	s19 =	simm.s32 $0x140  }
0xc2: {  	[tilespmem:s11], [sflag:$0x1] =	stream.indirect.gather [hbm4b:s2+s4], $0x40, s19, s4, $0xb8;
	[tilespmem:$0x1A840] =	vst v63  }
0xc3: {  	_ =	swait.ge [sflag:s10], $0x1400  }
0xc4: {  	[sflag:s10] =	ssyncset.done $0x0  }
0xc5: {  	s16 =	simm.s32 $0x4E70;
	[sflag:s10] =	ssyncadd.s32 $0xFFFFEC00  }
0xc6: {  	[spmem:s3] =	stream.indirect.scatter.add.f32 [tilespmem:s7], [sflag:$0x2], $0x40, s16, s4, $0xb8;
	[tilespmem:$0x1A840] =	vst v63  }
0xc7: {  	_ =	swait.ge [sflag:s0], $0x1400  }
0xc8: {  	[sflag:s0] =	ssyncset.done $0x0  }
0xc9: {  	s17 =	simm.s32 $0x190;
	[sflag:s0] =	ssyncadd.s32 $0xFFFFEC00  }
0xca: {  	[tilespmem:s5], [sflag:$0x1] =	stream.indirect.gather [hbm4b:s2+s4], $0x40, s17, s4, $0xb8;
	[tilespmem:$0x1A840] =	vst v63  }
0xcb: {  	_ =	swait.ge [sflag:s10], $0x1400  }
0xcc: {  	[sflag:s10] =	ssyncset.done $0x0  }
0xcd: {  	s18 =	simm.s32 $0x4EC0;
	[sflag:s10] =	ssyncadd.s32 $0xFFFFEC00  }
0xce: {  	[spmem:s3] =	stream.indirect.scatter.add.f32 [tilespmem:s8], [sflag:$0x2], $0x40, s18, s4, $0xb8;
	[tilespmem:$0x1A840] =	vst v63  }
0xcf: {  	_ =	swait.ge [sflag:s0], $0x1400  }
0xd0: {  	[sflag:s0] =	ssyncset.done $0x0  }
0xd1: {  	s19 =	simm.s32 $0x1E0;
	[sflag:s0] =	ssyncadd.s32 $0xFFFFEC00  }
0xd2: {  	[tilespmem:s7], [sflag:$0x1] =	stream.indirect.gather [hbm4b:s2+s4], $0x40, s19, s4, $0xb8;
	[tilespmem:$0x1A840] =	vst v63  }
0xd3: {  	_ =	swait.ge [sflag:s10], $0x1400  }
0xd4: {  	[sflag:s10] =	ssyncset.done $0x0  }
0xd5: {  	s16 =	simm.s32 $0x4F10;
	[sflag:s10] =	ssyncadd.s32 $0xFFFFEC00  }
0xd6: {  	[spmem:s3] =	stream.indirect.scatter.add.f32 [tilespmem:s9], [sflag:$0x2], $0x40, s16, s4, $0xb8;
	[tilespmem:$0x1A840] =	vst v63  }
0xd7: {  	_ =	swait.ge [sflag:s0], $0x1400  }
0xd8: {  	[sflag:s0] =	ssyncset.done $0x0  }
0xd9: {  	s17 =	simm.s32 $0x230;
	[sflag:s0] =	ssyncadd.s32 $0xFFFFEC00  }
0xda: {  	[tilespmem:s8], [sflag:$0x1] =	stream.indirect.gather [hbm4b:s2+s4], $0x40, s17, s4, $0xb8;
	[tilespmem:$0x1A840] =	vst v63  }
0xdb: {  	_ =	swait.ge [sflag:s10], $0x1400  }
0xdc: {  	[sflag:s10] =	ssyncset.done $0x0  }
0xdd: {  	s18 =	simm.s32 $0x4F60;
	[sflag:s10] =	ssyncadd.s32 $0xFFFFEC00  }
0xde: {  	[spmem:s3] =	stream.indirect.scatter.add.f32 [tilespmem:s11], [sflag:$0x2], $0x40, s18, s4, $0xb8;
	[tilespmem:$0x1A840] =	vst v63  }
0xdf: {  	_ =	swait.ge [sflag:s0], $0x1400  }
0xe0: {  	[sflag:s0] =	ssyncset.done $0x0  }
0xe1: {  	s19 =	simm.s32 $0x280;
	[sflag:s0] =	ssyncadd.s32 $0xFFFFEC00  }
0xe2: {  	[tilespmem:s9], [sflag:$0x1] =	stream.indirect.gather [hbm4b:s2+s4], $0x40, s19, s4, $0xb8;
	[tilespmem:$0x1A840] =	vst v63  }
.LBB2_6:
0xe3: {  	_ =	swait.ge [sflag:s10], $0x1400  }
0xe4: {  	s15 =	sshra.s32 s14, $0x2;
	[sflag:s10] =	ssyncset.done $0x0  }
0xe5: {  	s16 =	sadd.s32 $0x4FB0, s15;
	[sflag:s10] =	ssyncadd.s32 $0xFFFFEC00  }
0xe6: {  	[spmem:s3] =	stream.indirect.scatter.add.f32 [tilespmem:s5], [sflag:$0x2], $0x40, s16, s4, $0xb8;
	[tilespmem:$0x1A840] =	vst v63  }
0xe7: {  	_ =	swait.ge [sflag:s0], $0x1400  }
0xe8: {  	[sflag:s0] =	ssyncset.done $0x0  }
0xe9: {  	s17 =	sadd.s32 $0x2D0, s15;
	[sflag:s0] =	ssyncadd.s32 $0xFFFFEC00  }
0xea: {  	[tilespmem:s11], [sflag:$0x1] =	stream.indirect.gather [hbm4b:s2+s4], $0x40, s17, s4, $0xb8;
	[tilespmem:$0x1A840] =	vst v63  }
0xeb: {  	_ =	swait.ge [sflag:s10], $0x1400  }
0xec: {  	[sflag:s10] =	ssyncset.done $0x0  }
0xed: {  	s18 =	sadd.s32 $0x5000, s15;
	[sflag:s10] =	ssyncadd.s32 $0xFFFFEC00  }
0xee: {  	[spmem:s3] =	stream.indirect.scatter.add.f32 [tilespmem:s7], [sflag:$0x2], $0x40, s18, s4, $0xb8;
	[tilespmem:$0x1A840] =	vst v63  }
0xef: {  	_ =	swait.ge [sflag:s0], $0x1400  }
0xf0: {  	p0 =	seq.s32 s14, $0x12C00;
	[sflag:s0] =	ssyncset.done $0x0  }
0xf1: {  	s16 =	simm.s32 @p0 $0x1;
	[sflag:s0] =	ssyncadd.s32 $0xFFFFEC00  }
0xf2: {  	_ =	swait.ge @p0 [sflag:s16], $0x1400  }
0xf3: {  	[sflag:s16] =	ssyncset.done @p0 $0x0  }
0xf4: {  	[sflag:s16] =	ssyncadd.s32 @p0 $0xFFFFEC00;
	s16 =	sshra.s32 @p0 s14, $0x2  }
0xf5: {  	s17 =	simm.s32 @p0 $0x50;
	s18 =	simm.s32 @p0 $0xC440;
	s16 =	sadd.s32 @p0 $0x5050, s16  }
0xf6: {  	[spmem:s3] =	stream.indirect.scatter.add.f32 @p0 [tilespmem:s18], [sflag:$0x2], $0x40, s16, s17, $0xb8;
	[tilespmem:$0x1A840] =	vst v63  }
0xf7: {  	s16 =	simm.s32 @p0 $0x2  }
0xf8: {  	_ =	swait.ge @p0 [sflag:s16], $0x1400  }
0xf9: {  	[sflag:s16] =	ssyncset.done @p0 $0x0  }
0xfa: {  	[sflag:s16] =	ssyncadd.s32 @p0 $0xFFFFEC00;
	s16 =	sshra.s32 @!p0 s14, $0x2  }
0xfb: {  	s19 =	simm.s32 @!p0 $0x9C40;
	s18 =	simm.s32 @!p0 $0x50;
	s17 =	sadd.s32 @!p0 $0x320, s16  }
0xfc: {  	[tilespmem:s19], [sflag:$0x1] =	stream.indirect.gather @!p0 [hbm4b:s2+s18], $0x40, s17, s18, $0xb8;
	[tilespmem:$0x1A840] =	vst v63  }
0xfd: {  	s17 =	simm.s32 @!p0 $0x1  }
0xfe: {  	_ =	swait.ge @!p0 [sflag:s17], $0x1400  }
0xff: {  	[sflag:s17] =	ssyncset.done @!p0 $0x0  }
0x100: {  	s19 =	simm.s32 @!p0 $0xC440;
	[sflag:s17] =	ssyncadd.s32 @!p0 $0xFFFFEC00;
	s17 =	sadd.s32 @!p0 $0x5050, s16  }
0x101: {  	[spmem:s3] =	stream.indirect.scatter.add.f32 @!p0 [tilespmem:s19], [sflag:$0x2], $0x40, s17, s18, $0xb8;
	[tilespmem:$0x1A840] =	vst v63  }
0x102: {  	s17 =	simm.s32 @!p0 $0x2  }
0x103: {  	_ =	swait.ge @!p0 [sflag:s17], $0x1400  }
0x104: {  	[sflag:s17] =	ssyncset.done @!p0 $0x0  }
0x105: {  	s16 =	sadd.s32 @!p0 $0x370, s16;
	[sflag:s17] =	ssyncadd.s32 @!p0 $0xFFFFEC00;
	s17 =	simm.s32 @!p0 $0xB040  }
0x106: {  	[tilespmem:s17], [sflag:$0x1] =	stream.indirect.gather @!p0 [hbm4b:s2+s18], $0x40, s16, s18, $0xb8;
	[tilespmem:$0x1A840] =	vst v63  }
0x107: {  	_ =	swait.ge [sflag:s10], $0x1400  }
0x108: {  	[sflag:s10] =	ssyncset.done $0x0  }
.Ltmp4:
0x109: {  	s19 =	sadd.s32 $0x50A0, s15;
	[sflag:s10] =	ssyncadd.s32 $0xFFFFEC00;
	(pc) =	sbr.rel @p0 .LBB2_8-.Ltmp4, $4  }
0x10a: {  	[spmem:s3] =	stream.indirect.scatter.add.f32 [tilespmem:s9], [sflag:$0x2], $0x40, s19, s4, $0xb8;
	[tilespmem:$0x1A840] =	vst v63  }
0x10b: {  	_ =	swait.ge [sflag:s0], $0x1400  }
0x10c: {  	[sflag:s0] =	ssyncset.done $0x0  }
0x10d: {  	s16 =	sadd.s32 $0x50F0, s15;
	[sflag:s0] =	ssyncadd.s32 $0xFFFFEC00  }
0x10e: {  	s17 =	sadd.s32 $0x3C0, s15  }
0x10f: {  	[tilespmem:s8], [sflag:$0x1] =	stream.indirect.gather [hbm4b:s2+s4], $0x40, s17, s4, $0xb8;
	[tilespmem:$0x1A840] =	vst v63  }
0x110: {  	_ =	swait.ge [sflag:s10], $0x1400  }
0x111: {  	[sflag:s10] =	ssyncset.done $0x0  }
0x112: {  	[sflag:s10] =	ssyncadd.s32 $0xFFFFEC00  }
0x113: {  	[spmem:s3] =	stream.indirect.scatter.add.f32 [tilespmem:s11], [sflag:$0x2], $0x40, s16, s4, $0xb8;
	[tilespmem:$0x1A840] =	vst v63  }
.Ltmp5:
0x114: {  	_ = 	snop;
	(pc) =	sbr.rel .LBB2_6-.Ltmp5, $4  }
0x115: {  	_ =	swait.ge [sflag:s0], $0x1400  }
0x116: {  	[sflag:s0] =	ssyncset.done $0x0  }
0x117: {  	s19 =	sadd.s32 $0x410, s15;
	s14 =	sadd.s32 $0x640, s14;
	[sflag:s0] =	ssyncadd.s32 $0xFFFFEC00  }
0x118: {  	[tilespmem:s9], [sflag:$0x1] =	stream.indirect.gather [hbm4b:s2+s4], $0x40, s19, s4, $0xb8;
	[tilespmem:$0x1A840] =	vst v63  }
.LBB2_9:
0x119: {  	_ =	sfence.sel $0x180000  }
0x11a: {  	[bflag:$0x0] =	sbarrier.arrive $0xFFFF  }
0x11b: {  	_ =	strace $0x9000004A  }
0x11c: {  	s0 =	stileid.u32;
	[bflag:$0x2] =	sbarrier.arrive $0xFFFF  }
0x11d: {  	p0 =	sne.s32 s0, $0x0;
	s0 =	rddreg [dreg:$0x3]  }
0x11e: {  	s0 =	sadd.s32 @!p0 $0x100000, s0  }
0x11f: {  	[sflag:s0] =	ssyncadd.tile.s32 @!p0 $0x1;
	_ =	shalt  }
.Lfunc_end2:
_tile_overlayer_lowered:
.L_overlay_start_2:
0x120: {  	(tag) =	ssettag $0x2  }
0x121: {  	s0 =	rddreg [dreg:$0x0];
	s2 =	stileid.u32  }
0x122: {  	s1 =	rddreg [dreg:$0x1];
	p0 =	sne.s32 s2, $0x0  }
0x123: {  	s3 =	rddreg [dreg:$0x2];
	[bflag:$0x3] =	sbarrier.arrive $0xFFFF;
	s2 =	simm.s32 @!p0 $0x1C04  }
0x124: {  	[timem:s3], [sflag:s2] =	dma.local @!p0 [hbm:s0], s1  }
0x125: {  	s0 =	simm.s32 @!p0 $0x4  }
0x126: {  	_ =	swait.ge @!p0 [sflag:s0], s1  }
0x127: {  	s1 =	ssub.s32 @!p0 $0x0, s1;
	[sflag:s0] =	ssyncset.done @!p0 $0x0  }
0x128: {  	[sflag:s0] =	ssyncadd.s32 @!p0 s1  }
0x129: {  	[bflag:$0x3] =	sbarrier.arrive $0xFFFF  }
0x12a: {  	_ =	shalt  }

</sc_bundles>
